<compile_context>
chip_gen: v7x
topology: tpu7x:2x2x1
jax: 0.10.2.dev20260603
libtpu: 0.0.44.dev20260713+nightly
codegen_flags: <defaults>
</compile_context>

<pallas_src>
import functools

import jax
import jax.numpy as jnp
from jax import lax
from jax.experimental import pallas as pl
from jax.experimental.pallas import tpu as pltpu
from jax.experimental.pallas import tpu_sc as plsc

N = 10000
D = 128
E = 320000

NC = 2
NS = 16
NW = NC * NS

CHUNK = 128
CHUNKS_TOTAL = E // CHUNK
TILE_CHUNKS = CHUNKS_TOTAL // NW
EXTRA_BASE = NW * TILE_CHUNKS
ROWS_PER_TILE = 624
TAIL_ROW = NS * ROWS_PER_TILE
TAIL = N - TAIL_ROW
ZROWS = 8

BLOCK_M = 2000



def _fold_mm_body(x_ref, wpt_ref, w1t_ref, bp_ref, o_ref, wct_s, bc_s):
    @pl.when(pl.program_id(0) == 0)
    def _():
        wct_s[...] = jnp.dot(wpt_ref[...], w1t_ref[...],
                             preferred_element_type=jnp.float32)
        bc_s[...] = jnp.dot(bp_ref[...], w1t_ref[...],
                            preferred_element_type=jnp.float32)

    o_ref[...] = (
        jnp.dot(x_ref[...], wct_s[...], preferred_element_type=jnp.float32)
        + bc_s[...]
    )


def _fold_mm(x, wpt, w1t, bp):
    grid = (N // BLOCK_M,)
    return pl.pallas_call(
        _fold_mm_body,
        grid=grid,
        in_specs=[
            pl.BlockSpec((BLOCK_M, D), lambda i: (i, 0)),
            pl.BlockSpec((D, D), lambda i: (0, 0)),
            pl.BlockSpec((D, D), lambda i: (0, 0)),
            pl.BlockSpec((1, D), lambda i: (0, 0)),
        ],
        out_specs=pl.BlockSpec((BLOCK_M, D), lambda i: (i, 0)),
        out_shape=jax.ShapeDtypeStruct((N, D), jnp.float32),
        scratch_shapes=[
            pltpu.VMEM((D, D), jnp.float32),
            pltpu.VMEM((1, D), jnp.float32),
        ],
    )(x, wpt, w1t, bp.reshape(1, D))


def _agg_relu_mm_body(h_ref, p0_ref, p1_ref, w_ref, b_ref, o_ref):
    s = jnp.maximum(h_ref[...] + p0_ref[...] + p1_ref[...] + b_ref[...], 0.0)
    o_ref[...] = jnp.dot(s, w_ref[...], preferred_element_type=jnp.float32)


def _agg_relu_mm(h, parts, b1, w2t):
    grid = (N // BLOCK_M,)
    return pl.pallas_call(
        _agg_relu_mm_body,
        grid=grid,
        in_specs=[
            pl.BlockSpec((BLOCK_M, D), lambda i: (i, 0)),
            pl.BlockSpec((BLOCK_M, D), lambda i: (i, 0)),
            pl.BlockSpec((BLOCK_M, D), lambda i: (i, 0)),
            pl.BlockSpec((D, D), lambda i: (0, 0)),
            pl.BlockSpec((1, D), lambda i: (0, 0)),
        ],
        out_specs=pl.BlockSpec((BLOCK_M, D), lambda i: (i, 0)),
        out_shape=jax.ShapeDtypeStruct((N, D), jnp.float32),
    )(h, parts[0], parts[1], w2t, b1.reshape(1, D))


def _final_add_body(g_ref, q0_ref, q1_ref, b_ref, o_ref):
    o_ref[...] = g_ref[...] + q0_ref[...] + q1_ref[...] + b_ref[...]


def _final_add(g, parts, b2):
    grid = (N // BLOCK_M,)
    return pl.pallas_call(
        _final_add_body,
        grid=grid,
        in_specs=[
            pl.BlockSpec((BLOCK_M, D), lambda i: (i, 0)),
            pl.BlockSpec((BLOCK_M, D), lambda i: (i, 0)),
            pl.BlockSpec((BLOCK_M, D), lambda i: (i, 0)),
            pl.BlockSpec((1, D), lambda i: (0, 0)),
        ],
        out_specs=pl.BlockSpec((BLOCK_M, D), lambda i: (i, 0)),
        out_shape=jax.ShapeDtypeStruct((N, D), jnp.float32),
    )(g, parts[0], parts[1], b2.reshape(1, D))



def _sc_agg(h, edge_index):
    mesh = plsc.VectorSubcoreMesh(
        core_axis_name="c", subcore_axis_name="s", num_cores=NC, num_subcores=NS
    )

    @functools.partial(
        pl.kernel,
        out_type=(jax.ShapeDtypeStruct((N, D), jnp.float32),
                  jax.ShapeDtypeStruct((N, D), jnp.float32)),
        mesh=mesh,
        scratch_types=[
            [pltpu.VMEM((2, CHUNK), jnp.int32) for _ in range(3)],
            [pltpu.VMEM((CHUNK, D), jnp.float32) for _ in range(3)],
            pltpu.VMEM((ZROWS, D), jnp.float32),
            pltpu.VMEM_SHARED((N, D), jnp.float32),
            [pltpu.SemaphoreType.DMA for _ in range(3)],
            [pltpu.SemaphoreType.DMA for _ in range(3)],
            [pltpu.SemaphoreType.DMA for _ in range(3)],
        ],
    )
    def k(h_hbm, e_hbm, out0_hbm, out1_hbm, ib, rows, zeros_v, acc_sh,
          isem, gsem, ssem):
        cid = lax.axis_index("c")
        sid = lax.axis_index("s")

        @pl.loop(0, ZROWS)
        def _(r):
            @pl.loop(0, D, step=16)
            def _(j):
                zeros_v[r, pl.ds(j, 16)] = jnp.zeros((16,), jnp.float32)

        row0 = sid * ROWS_PER_TILE

        @pl.loop(0, ROWS_PER_TILE, step=ZROWS)
        def _(r0):
            pltpu.sync_copy(zeros_v, acc_sh.at[pl.ds(row0 + r0, ZROWS)])

        @pl.when(sid == NS - 1)
        def _():
            @pl.loop(0, TAIL, step=ZROWS)
            def _(r0):
                pltpu.sync_copy(zeros_v, acc_sh.at[pl.ds(TAIL_ROW + r0, ZROWS)])

        plsc.subcore_barrier()

        wid = cid * NS + sid
        base = wid * TILE_CHUNKS

        def _echunk(j):
            return e_hbm.at[pl.ds(0, 2), pl.ds((base + j) * CHUNK, CHUNK)]

        def _iload(j, m4):
            pltpu.async_copy(_echunk(j), ib[m4], isem[m4])

        def _iwait(j, m4):
            pltpu.make_async_copy(_echunk(j), ib[m4], isem[m4]).wait()

        def _gstart(j, m4, m2):
            pltpu.async_copy(h_hbm.at[ib[m4].at[0]], rows[m2], gsem[m2])

        def _gwait(j, m4, m2):
            pltpu.make_async_copy(h_hbm.at[ib[m4].at[0]], rows[m2],
                                  gsem[m2]).wait()

        def _sstart(j, m4, m2):
            pltpu.async_copy(rows[m2], acc_sh.at[ib[m4].at[1]], ssem[m2],
                             add=True)

        def _swait(j, m4, m2):
            pltpu.make_async_copy(rows[m2], acc_sh.at[ib[m4].at[1]],
                                  ssem[m2]).wait()

        def _step(j, jm, first=False, do_next=True, do_pref=True):
            m = jm % 3
            n = (jm + 1) % 3
            p = (jm + 2) % 3
            _gwait(j, m, m)
            _sstart(j, m, m)
            if not first:
                _swait(j - 1, p, p)
            if do_pref:
                _iload(j + 2, p)
            if do_next:
                _iwait(j + 1, n)
                _gstart(j + 1, n, n)

        _iload(0, 0)
        _iload(1, 1)
        _iwait(0, 0)
        _gstart(0, 0, 0)

        _step(0, 0, first=True)
        _step(1, 1)
        _step(2, 2)

        @pl.loop(0, (TILE_CHUNKS - 6) // 3)
        def _(g):
            j = 3 * g + 3
            _step(j + 0, 0)
            _step(j + 1, 1)
            _step(j + 2, 2)

        _step(TILE_CHUNKS - 3, (TILE_CHUNKS - 3) % 3)
        _step(TILE_CHUNKS - 2, (TILE_CHUNKS - 2) % 3, do_pref=False)
        _step(TILE_CHUNKS - 1, (TILE_CHUNKS - 1) % 3, do_next=False,
              do_pref=False)
        _swait(TILE_CHUNKS - 1, (TILE_CHUNKS - 1) % 3, (TILE_CHUNKS - 1) % 3)

        @pl.when(sid < 2)
        def _():
            ec = e_hbm.at[pl.ds(0, 2),
                          pl.ds((EXTRA_BASE + cid * 2 + sid) * CHUNK, CHUNK)]
            pltpu.sync_copy(ec, ib[0])
            pltpu.async_copy(h_hbm.at[ib[0].at[0]], rows[0], gsem[0]).wait()
            pltpu.sync_copy(rows[0], acc_sh.at[ib[0].at[1]], add=True)

        plsc.subcore_barrier()

        @pl.when(cid == 0)
        def _():
            pltpu.sync_copy(
                acc_sh.at[pl.ds(row0, ROWS_PER_TILE)],
                out0_hbm.at[pl.ds(row0, ROWS_PER_TILE)],
            )

            @pl.when(sid == NS - 1)
            def _():
                pltpu.sync_copy(
                    acc_sh.at[pl.ds(TAIL_ROW, TAIL)],
                    out0_hbm.at[pl.ds(TAIL_ROW, TAIL)],
                )

        @pl.when(cid == 1)
        def _():
            pltpu.sync_copy(
                acc_sh.at[pl.ds(row0, ROWS_PER_TILE)],
                out1_hbm.at[pl.ds(row0, ROWS_PER_TILE)],
            )

            @pl.when(sid == NS - 1)
            def _():
                pltpu.sync_copy(
                    acc_sh.at[pl.ds(TAIL_ROW, TAIL)],
                    out1_hbm.at[pl.ds(TAIL_ROW, TAIL)],
                )

    return k(h, edge_index)



@jax.jit
def kernel(x, edge_index, W_pre, b_pre, W1, b1, W2, b2):
    g1 = _fold_mm(x, W_pre.T, W1.T, b_pre)
    p = _sc_agg(g1, edge_index)
    g2 = _agg_relu_mm(g1, (p[0], p[1]), b1, W2.T)
    q = _sc_agg(g2, edge_index)
    return _final_add(g2, (q[0], q[1]), b2)

# --- scband reference (transcript-rebuilt; emitter-appended) ---
"""Pipeline reference for scband-tg-gin-7189775253562 (READ-ONLY COPY).

The authoritative reference and input builder live on the scoring server;
editing this copy changes nothing except your own understanding.
"""

import jax, jax.numpy as jnp
import numpy as np

N = 10000
E = 320000
D_IN = 128
D_FEAT = 128
D_HID = 128
D_OUT = 128


def _glorot(key, shape):
    fan_in, fan_out = shape[1], shape[0]
    limit = np.sqrt(6.0 / (fan_in + fan_out)).astype(np.float32)
    return jax.random.uniform(key, shape, dtype=jnp.float32, minval=-limit, maxval=limit)


def setup_inputs(seed: int = 0) -> dict:
    key = jax.random.key(seed)
    ks = jax.random.split(key, 8)
    x = jax.random.normal(ks[0], (N, D_IN), dtype=jnp.float32)
    edge_index = jax.random.randint(ks[1], (2, E), 0, N, dtype=jnp.int32)
    W_pre = _glorot(ks[2], (D_FEAT, D_IN))
    b_pre = jnp.zeros((D_FEAT,), dtype=jnp.float32)
    W1 = _glorot(ks[3], (D_HID, D_FEAT))
    b1 = jnp.zeros((D_HID,), dtype=jnp.float32)
    W2 = _glorot(ks[4], (D_OUT, D_HID))
    b2 = jnp.zeros((D_OUT,), dtype=jnp.float32)
    return {"x": x, "edge_index": edge_index, "W_pre": W_pre, "b_pre": b_pre,
            "W1": W1, "b1": b1, "W2": W2, "b2": b2}


def _gin_conv(h, edge_index, W, b, eps=0.0):
    # PyG GINConv: out = nn((1+eps)*x + sum_{j in N(i)} x_j)
    src = edge_index[0]
    dst = edge_index[1]
    agg = jnp.zeros_like(h).at[dst].add(h[src])
    hh = (1.0 + eps) * h + agg
    return hh @ W.T + b


def reference(x, edge_index, W_pre, b_pre, W1, b1, W2, b2):
    # feature_pre: linear_pre
    h = x @ W_pre.T + b_pre
    # conv_first (GINConv with Linear nn)
    h = _gin_conv(h, edge_index, W1, b1)
    h = jax.nn.relu(h)
    # dropout p=0.0 / eval mode -> identity
    # conv_out
    h = _gin_conv(h, edge_index, W2, b2)
    return h

if __name__ == "__main__":
    import jax
    _d = setup_inputs()
    print(jax.jit(kernel)(*tuple(_d.values())))

</pallas_src>

<mosaic_0001>
#map = affine_map<(d0, d1) -> (0, 0)>
module attributes {stable_mosaic.version = 14 : i64} {
  func.func @k(%arg0: i32, %arg1: i32, %arg2: memref<10000x128xf32, #tpu.memory_space<hbm>>, %arg3: memref<2x320000xi32, #tpu.memory_space<hbm>>, %arg4: memref<10000x128xf32, #tpu.memory_space<hbm>>, %arg5: memref<10000x128xf32, #tpu.memory_space<hbm>>, %arg6: memref<2x128xi32, #tpu.memory_space<vmem>>, %arg7: memref<2x128xi32, #tpu.memory_space<vmem>>, %arg8: memref<2x128xi32, #tpu.memory_space<vmem>>, %arg9: memref<128x128xf32, #tpu.memory_space<vmem>>, %arg10: memref<128x128xf32, #tpu.memory_space<vmem>>, %arg11: memref<128x128xf32, #tpu.memory_space<vmem>>, %arg12: memref<8x128xf32, #tpu.memory_space<vmem>>, %arg13: memref<10000x128xf32, #tpu.memory_space<vmem_shared>>, %arg14: memref<!tpu.dma_semaphore, #tpu.memory_space<semaphore_mem>>, %arg15: memref<!tpu.dma_semaphore, #tpu.memory_space<semaphore_mem>>, %arg16: memref<!tpu.dma_semaphore, #tpu.memory_space<semaphore_mem>>, %arg17: memref<!tpu.dma_semaphore, #tpu.memory_space<semaphore_mem>>, %arg18: memref<!tpu.dma_semaphore, #tpu.memory_space<semaphore_mem>>, %arg19: memref<!tpu.dma_semaphore, #tpu.memory_space<semaphore_mem>>, %arg20: memref<!tpu.dma_semaphore, #tpu.memory_space<semaphore_mem>>, %arg21: memref<!tpu.dma_semaphore, #tpu.memory_space<semaphore_mem>>, %arg22: memref<!tpu.dma_semaphore, #tpu.memory_space<semaphore_mem>>) attributes {dimension_semantics = [#tpu.dimension_semantics<core_parallel>, #tpu.dimension_semantics<subcore_parallel>], iteration_bounds = array<i64: 2, 16>, scalar_prefetch = 0 : i64, scratch_operands = 17 : i64, tpu.core_type = #tpu.core_type<sc_vector_subcore>, window_params = [{transform_indices = #map}, {transform_indices = #map}, {transform_indices = #map}, {transform_indices = #map}]} {
    %scan3A = arith.constant 0 : i32
    %scan3A_0 = arith.constant 8 : i32
    %scan3A_1 = arith.addi %scan3A, %scan3A_0 : i32
    %scan3A_2 = arith.constant 1 : i32
    scf.for %scan3A_298 = %scan3A to %scan3A_1 step %scan3A_2  : i32 {
      %mul3A_299 = arith.constant 1 : i32
      %mul3A_300 = arith.muli %scan3A_298, %mul3A_299 : i32
      %add3A_301 = arith.constant 0 : i32
      %add3A_302 = arith.addi %add3A_301, %mul3A_300 : i32
      %scan3A_303 = arith.constant 0 : i32
      %scan3A_304 = arith.constant 8 : i32
      %scan3A_305 = arith.addi %scan3A_303, %scan3A_304 : i32
      %scan3A_306 = arith.constant 1 : i32
      scf.for %scan3A_308 = %scan3A_303 to %scan3A_305 step %scan3A_306  : i32 {
        %mul3A_309 = arith.constant 16 : i32
        %mul3A_310 = arith.muli %scan3A_308, %mul3A_309 : i32
        %add3A_311 = arith.constant 0 : i32
        %add3A_312 = arith.addi %add3A_311, %mul3A_310 : i32
        %broadcast_in_dim3A = arith.constant 0.000000e+00 : f32
        %broadcast_in_dim3A_313 = vector.broadcast %broadcast_in_dim3A : f32 to vector<16xf32>
        %swap3A = arith.index_cast %add3A_302 : i32 to index
        %swap3A_314 = arith.index_cast %add3A_312 : i32 to index
        %swap3A_315 = tpu.vector_load %arg12[%swap3A, %swap3A_314] {strides = array<i32>} : memref<8x128xf32, #tpu.memory_space<vmem>>, vector<1x16xf32>,
        %swap3A_316 = vector.shape_cast %swap3A_315 : vector<1x16xf32> to vector<16xf32>
        %swap3A_317 = vector.shape_cast %broadcast_in_dim3A_313 : vector<16xf32> to vector<1x16xf32>
        tpu.vector_store %arg12[%swap3A, %swap3A_314], %swap3A_317 {strides = array<i32>} : memref<8x128xf32, #tpu.memory_space<vmem>>, vector<1x16xf32>,
      }
      %scan3A_307 = arith.constant 8 : i32
    }
    %scan3A_3 = arith.constant 8 : i32
    %mul3A = arith.constant 624 : i32
    %mul3A_4 = arith.muli %arg1, %mul3A : i32
    %scan3A_5 = arith.constant 0 : i32
    %scan3A_6 = arith.constant 78 : i32
    %scan3A_7 = arith.addi %scan3A_5, %scan3A_6 : i32
    %scan3A_8 = arith.constant 1 : i32
    scf.for %scan3A_298 = %scan3A_5 to %scan3A_7 step %scan3A_8  : i32 {
      %mul3A_299 = arith.constant 8 : i32
      %mul3A_300 = arith.muli %scan3A_298, %mul3A_299 : i32
      %add3A_301 = arith.constant 0 : i32
      %add3A_302 = arith.addi %add3A_301, %mul3A_300 : i32
      %add3A_303 = arith.addi %mul3A_4, %add3A_302 : i32
      "tpu.region"() ({
        %run_scoped3A = tpu.sem_alloc : memref<!tpu.dma_semaphore, #tpu.memory_space<semaphore_mem>>
        %dma_start3A_304 = arith.constant 0 : i32
        %dma_start3A_305 = tpu.memref_slice %arg13[%add3A_303, %dma_start3A_304] : memref<10000x128xf32, #tpu.memory_space<vmem_shared>> -> memref<8x128xf32, #tpu.memory_space<vmem_shared>>
        %dma_start3A_306 = arith.constant 0 : i32
        %dma_start3A_307 = tpu.memref_slice %arg13[%add3A_303, %dma_start3A_306] : memref<10000x128xf32, #tpu.memory_space<vmem_shared>> -> memref<8x128xf32, #tpu.memory_space<vmem_shared>>
        tpu.enqueue_dma source(%arg12 : memref<8x128xf32, #tpu.memory_space<vmem>>) target(%dma_start3A_307 : memref<8x128xf32, #tpu.memory_space<vmem_shared>>) target_semaphore(%run_scoped3A : memref<!tpu.dma_semaphore, #tpu.memory_space<semaphore_mem>>)
        %dma_wait3A_308 = arith.constant 0 : i32
        %dma_wait3A_309 = tpu.memref_slice %arg13[%add3A_303, %dma_wait3A_308] : memref<10000x128xf32, #tpu.memory_space<vmem_shared>> -> memref<8x128xf32, #tpu.memory_space<vmem_shared>>
        %dma_wait3A_310 = arith.constant 0 : i32
        %dma_wait3A_311 = tpu.memref_slice %arg13[%add3A_303, %dma_wait3A_310] : memref<10000x128xf32, #tpu.memory_space<vmem_shared>> -> memref<8x128xf32, #tpu.memory_space<vmem_shared>>
        tpu.wait_dma2 semaphore(%run_scoped3A : memref<!tpu.dma_semaphore, #tpu.memory_space<semaphore_mem>>) src(%arg12 : memref<8x128xf32, #tpu.memory_space<vmem>>) dst(%dma_wait3A_311 : memref<8x128xf32, #tpu.memory_space<vmem_shared>>)
        tpu.yield
      }) : () -> ()
    }
    %scan3A_9 = arith.constant 78 : i32
    %eq3A = arith.constant 15 : i32
    %eq3A_10 = arith.cmpi eq, %arg1, %eq3A : i32
    %convert_element_type3A = arith.extui %eq3A_10 : i1 to i32
    %cond3A = arith.constant 0 : i32
    %cond3A_11 = arith.cmpi ne, %convert_element_type3A, %cond3A : i32
    scf.if %cond3A_11 {
      %scan3A_298 = arith.constant 0 : i32
      %scan3A_299 = arith.constant 2 : i32
      %scan3A_300 = arith.addi %scan3A_298, %scan3A_299 : i32
      %scan3A_301 = arith.constant 1 : i32
      scf.for %scan3A_303 = %scan3A_298 to %scan3A_300 step %scan3A_301  : i32 {
        %mul3A_304 = arith.constant 8 : i32
        %mul3A_305 = arith.muli %scan3A_303, %mul3A_304 : i32
        %add3A_306 = arith.constant 0 : i32
        %add3A_307 = arith.addi %add3A_306, %mul3A_305 : i32
        %add3A_308 = arith.constant 9984 : i32
        %add3A_309 = arith.addi %add3A_308, %add3A_307 : i32
        "tpu.region"() ({
          %run_scoped3A = tpu.sem_alloc : memref<!tpu.dma_semaphore, #tpu.memory_space<semaphore_mem>>
          %dma_start3A_310 = arith.constant 0 : i32
          %dma_start3A_311 = tpu.memref_slice %arg13[%add3A_309, %dma_start3A_310] : memref<10000x128xf32, #tpu.memory_space<vmem_shared>> -> memref<8x128xf32, #tpu.memory_space<vmem_shared>>
          %dma_start3A_312 = arith.constant 0 : i32
          %dma_start3A_313 = tpu.memref_slice %arg13[%add3A_309, %dma_start3A_312] : memref<10000x128xf32, #tpu.memory_space<vmem_shared>> -> memref<8x128xf32, #tpu.memory_space<vmem_shared>>
          tpu.enqueue_dma source(%arg12 : memref<8x128xf32, #tpu.memory_space<vmem>>) target(%dma_start3A_313 : memref<8x128xf32, #tpu.memory_space<vmem_shared>>) target_semaphore(%run_scoped3A : memref<!tpu.dma_semaphore, #tpu.memory_space<semaphore_mem>>)
          %dma_wait3A_314 = arith.constant 0 : i32
          %dma_wait3A_315 = tpu.memref_slice %arg13[%add3A_309, %dma_wait3A_314] : memref<10000x128xf32, #tpu.memory_space<vmem_shared>> -> memref<8x128xf32, #tpu.memory_space<vmem_shared>>
          %dma_wait3A_316 = arith.constant 0 : i32
          %dma_wait3A_317 = tpu.memref_slice %arg13[%add3A_309, %dma_wait3A_316] : memref<10000x128xf32, #tpu.memory_space<vmem_shared>> -> memref<8x128xf32, #tpu.memory_space<vmem_shared>>
          tpu.wait_dma2 semaphore(%run_scoped3A : memref<!tpu.dma_semaphore, #tpu.memory_space<semaphore_mem>>) src(%arg12 : memref<8x128xf32, #tpu.memory_space<vmem>>) dst(%dma_wait3A_317 : memref<8x128xf32, #tpu.memory_space<vmem_shared>>)
          tpu.yield
        }) : () -> ()
      }
      %scan3A_302 = arith.constant 2 : i32
    } else {
    }
    %barrier3A = arith.constant 0 : index
    tpu.barrier barrier_id(%barrier3A)
    %mul3A_12 = arith.constant 16 : i32
    %mul3A_13 = arith.muli %arg0, %mul3A_12 : i32
    %add3A = arith.addi %mul3A_13, %arg1 : i32
    %mul3A_14 = arith.constant 78 : i32
    %mul3A_15 = arith.muli %add3A, %mul3A_14 : i32
    %add3A_16 = arith.constant 0 : i32
    %add3A_17 = arith.addi %mul3A_15, %add3A_16 : i32
    %mul3A_18 = arith.constant 128 : i32
    %mul3A_19 = arith.muli %add3A_17, %mul3A_18 : i32
    %dma_start3A = arith.constant 0 : i32
    %dma_start3A_20 = tpu.memref_slice %arg3[%dma_start3A, %mul3A_19] : memref<2x320000xi32, #tpu.memory_space<hbm>> -> memref<2x128xi32, #tpu.memory_space<hbm>>
    %dma_start3A_21 = arith.constant 0 : i32
    %dma_start3A_22 = tpu.memref_slice %arg3[%dma_start3A_21, %mul3A_19] : memref<2x320000xi32, #tpu.memory_space<hbm>> -> memref<2x128xi32, #tpu.memory_space<hbm>>
    tpu.enqueue_dma source(%dma_start3A_22 : memref<2x128xi32, #tpu.memory_space<hbm>>) target(%arg6 : memref<2x128xi32, #tpu.memory_space<vmem>>) target_semaphore(%arg14 : memref<!tpu.dma_semaphore, #tpu.memory_space<semaphore_mem>>)
    %add3A_23 = arith.constant 1 : i32
    %add3A_24 = arith.addi %mul3A_15, %add3A_23 : i32
    %mul3A_25 = arith.constant 128 : i32
    %mul3A_26 = arith.muli %add3A_24, %mul3A_25 : i32
    %dma_start3A_27 = arith.constant 0 : i32
    %dma_start3A_28 = tpu.memref_slice %arg3[%dma_start3A_27, %mul3A_26] : memref<2x320000xi32, #tpu.memory_space<hbm>> -> memref<2x128xi32, #tpu.memory_space<hbm>>
    %dma_start3A_29 = arith.constant 0 : i32
    %dma_start3A_30 = tpu.memref_slice %arg3[%dma_start3A_29, %mul3A_26] : memref<2x320000xi32, #tpu.memory_space<hbm>> -> memref<2x128xi32, #tpu.memory_space<hbm>>
    tpu.enqueue_dma source(%dma_start3A_30 : memref<2x128xi32, #tpu.memory_space<hbm>>) target(%arg7 : memref<2x128xi32, #tpu.memory_space<vmem>>) target_semaphore(%arg15 : memref<!tpu.dma_semaphore, #tpu.memory_space<semaphore_mem>>)
    %add3A_31 = arith.constant 0 : i32
    %add3A_32 = arith.addi %mul3A_15, %add3A_31 : i32
    %mul3A_33 = arith.constant 128 : i32
    %mul3A_34 = arith.muli %add3A_32, %mul3A_33 : i32
    %dma_wait3A = arith.constant 0 : i32
    %dma_wait3A_35 = tpu.memref_slice %arg3[%dma_wait3A, %mul3A_34] : memref<2x320000xi32, #tpu.memory_space<hbm>> -> memref<2x128xi32, #tpu.memory_space<hbm>>
    %dma_wait3A_36 = arith.constant 0 : i32
    %dma_wait3A_37 = tpu.memref_slice %arg3[%dma_wait3A_36, %mul3A_34] : memref<2x320000xi32, #tpu.memory_space<hbm>> -> memref<2x128xi32, #tpu.memory_space<hbm>>
    tpu.wait_dma2 semaphore(%arg14 : memref<!tpu.dma_semaphore, #tpu.memory_space<semaphore_mem>>) src(%dma_wait3A_37 : memref<2x128xi32, #tpu.memory_space<hbm>>) dst(%arg6 : memref<2x128xi32, #tpu.memory_space<vmem>>)
    %dma_start3A_38 = arith.constant 0 : i32
    %dma_start3A_39 = arith.constant 0 : i32
    %dma_start3A_40 = tpu.memref_slice %arg6[%dma_start3A_38, %dma_start3A_39] : memref<2x128xi32, #tpu.memory_space<vmem>> -> memref<1x128xi32, #tpu.memory_space<vmem>>
    %dma_start3A_41 = tpu.memref_squeeze %dma_start3A_40 : memref<1x128xi32, #tpu.memory_space<vmem>> -> memref<128xi32, #tpu.memory_space<vmem>>
    %dma_start3A_42 = arith.constant 0 : i32
    %dma_start3A_43 = arith.constant 0 : i32
    %dma_start3A_44 = tpu.memref_slice %arg2[%dma_start3A_42, %dma_start3A_43] : memref<10000x128xf32, #tpu.memory_space<hbm>> -> memref<10000x128xf32, #tpu.memory_space<hbm>>
    tpu.enqueue_indirect_dma source(%dma_start3A_44 : memref<10000x128xf32, #tpu.memory_space<hbm>>) target(%arg9 : memref<128x128xf32, #tpu.memory_space<vmem>>) offsets(%dma_start3A_41 : memref<128xi32, #tpu.memory_space<vmem>>) semaphore(%arg17 : memref<!tpu.dma_semaphore, #tpu.memory_space<semaphore_mem>>)
    %dma_wait3A_45 = arith.constant 0 : i32
    %dma_wait3A_46 = arith.constant 0 : i32
    %dma_wait3A_47 = tpu.memref_slice %arg6[%dma_wait3A_45, %dma_wait3A_46] : memref<2x128xi32, #tpu.memory_space<vmem>> -> memref<1x128xi32, #tpu.memory_space<vmem>>
    %dma_wait3A_48 = tpu.memref_squeeze %dma_wait3A_47 : memref<1x128xi32, #tpu.memory_space<vmem>> -> memref<128xi32, #tpu.memory_space<vmem>>
    %dma_wait3A_49 = arith.constant 0 : i32
    %dma_wait3A_50 = arith.constant 0 : i32
    %dma_wait3A_51 = tpu.memref_slice %arg2[%dma_wait3A_49, %dma_wait3A_50] : memref<10000x128xf32, #tpu.memory_space<hbm>> -> memref<10000x128xf32, #tpu.memory_space<hbm>>
    tpu.wait_indirect_dma semaphore(%arg17 : memref<!tpu.dma_semaphore, #tpu.memory_space<semaphore_mem>>) src(%dma_wait3A_51 : memref<10000x128xf32, #tpu.memory_space<hbm>>) dst(%arg9 : memref<128x128xf32, #tpu.memory_space<vmem>>)
    %dma_start3A_52 = arith.constant 1 : i32
    %dma_start3A_53 = arith.constant 0 : i32
    %dma_start3A_54 = tpu.memref_slice %arg6[%dma_start3A_52, %dma_start3A_53] : memref<2x128xi32, #tpu.memory_space<vmem>> -> memref<1x128xi32, #tpu.memory_space<vmem>>
    %dma_start3A_55 = tpu.memref_squeeze %dma_start3A_54 : memref<1x128xi32, #tpu.memory_space<vmem>> -> memref<128xi32, #tpu.memory_space<vmem>>
    %dma_start3A_56 = arith.constant 0 : i32
    %dma_start3A_57 = arith.constant 0 : i32
    %dma_start3A_58 = tpu.memref_slice %arg13[%dma_start3A_56, %dma_start3A_57] : memref<10000x128xf32, #tpu.memory_space<vmem_shared>> -> memref<10000x128xf32, #tpu.memory_space<vmem_shared>>
    tpu.enqueue_indirect_dma source(%arg9 : memref<128x128xf32, #tpu.memory_space<vmem>>) target(%dma_start3A_58 : memref<10000x128xf32, #tpu.memory_space<vmem_shared>>) offsets(%dma_start3A_55 : memref<128xi32, #tpu.memory_space<vmem>>) semaphore(%arg20 : memref<!tpu.dma_semaphore, #tpu.memory_space<semaphore_mem>>) {add = true}
    %add3A_59 = arith.constant 2 : i32
    %add3A_60 = arith.addi %mul3A_15, %add3A_59 : i32
    %mul3A_61 = arith.constant 128 : i32
    %mul3A_62 = arith.muli %add3A_60, %mul3A_61 : i32
    %dma_start3A_63 = arith.constant 0 : i32
    %dma_start3A_64 = tpu.memref_slice %arg3[%dma_start3A_63, %mul3A_62] : memref<2x320000xi32, #tpu.memory_space<hbm>> -> memref<2x128xi32, #tpu.memory_space<hbm>>
    %dma_start3A_65 = arith.constant 0 : i32
    %dma_start3A_66 = tpu.memref_slice %arg3[%dma_start3A_65, %mul3A_62] : memref<2x320000xi32, #tpu.memory_space<hbm>> -> memref<2x128xi32, #tpu.memory_space<hbm>>
    tpu.enqueue_dma source(%dma_start3A_66 : memref<2x128xi32, #tpu.memory_space<hbm>>) target(%arg8 : memref<2x128xi32, #tpu.memory_space<vmem>>) target_semaphore(%arg16 : memref<!tpu.dma_semaphore, #tpu.memory_space<semaphore_mem>>)
    %add3A_67 = arith.constant 1 : i32
    %add3A_68 = arith.addi %mul3A_15, %add3A_67 : i32
    %mul3A_69 = arith.constant 128 : i32
    %mul3A_70 = arith.muli %add3A_68, %mul3A_69 : i32
    %dma_wait3A_71 = arith.constant 0 : i32
    %dma_wait3A_72 = tpu.memref_slice %arg3[%dma_wait3A_71, %mul3A_70] : memref<2x320000xi32, #tpu.memory_space<hbm>> -> memref<2x128xi32, #tpu.memory_space<hbm>>
    %dma_wait3A_73 = arith.constant 0 : i32
    %dma_wait3A_74 = tpu.memref_slice %arg3[%dma_wait3A_73, %mul3A_70] : memref<2x320000xi32, #tpu.memory_space<hbm>> -> memref<2x128xi32, #tpu.memory_space<hbm>>
    tpu.wait_dma2 semaphore(%arg15 : memref<!tpu.dma_semaphore, #tpu.memory_space<semaphore_mem>>) src(%dma_wait3A_74 : memref<2x128xi32, #tpu.memory_space<hbm>>) dst(%arg7 : memref<2x128xi32, #tpu.memory_space<vmem>>)
    %dma_start3A_75 = arith.constant 0 : i32
    %dma_start3A_76 = arith.constant 0 : i32
    %dma_start3A_77 = tpu.memref_slice %arg7[%dma_start3A_75, %dma_start3A_76] : memref<2x128xi32, #tpu.memory_space<vmem>> -> memref<1x128xi32, #tpu.memory_space<vmem>>
    %dma_start3A_78 = tpu.memref_squeeze %dma_start3A_77 : memref<1x128xi32, #tpu.memory_space<vmem>> -> memref<128xi32, #tpu.memory_space<vmem>>
    %dma_start3A_79 = arith.constant 0 : i32
    %dma_start3A_80 = arith.constant 0 : i32
    %dma_start3A_81 = tpu.memref_slice %arg2[%dma_start3A_79, %dma_start3A_80] : memref<10000x128xf32, #tpu.memory_space<hbm>> -> memref<10000x128xf32, #tpu.memory_space<hbm>>
    tpu.enqueue_indirect_dma source(%dma_start3A_81 : memref<10000x128xf32, #tpu.memory_space<hbm>>) target(%arg10 : memref<128x128xf32, #tpu.memory_space<vmem>>) offsets(%dma_start3A_78 : memref<128xi32, #tpu.memory_space<vmem>>) semaphore(%arg18 : memref<!tpu.dma_semaphore, #tpu.memory_space<semaphore_mem>>)
    %dma_wait3A_82 = arith.constant 0 : i32
    %dma_wait3A_83 = arith.constant 0 : i32
    %dma_wait3A_84 = tpu.memref_slice %arg7[%dma_wait3A_82, %dma_wait3A_83] : memref<2x128xi32, #tpu.memory_space<vmem>> -> memref<1x128xi32, #tpu.memory_space<vmem>>
    %dma_wait3A_85 = tpu.memref_squeeze %dma_wait3A_84 : memref<1x128xi32, #tpu.memory_space<vmem>> -> memref<128xi32, #tpu.memory_space<vmem>>
    %dma_wait3A_86 = arith.constant 0 : i32
    %dma_wait3A_87 = arith.constant 0 : i32
    %dma_wait3A_88 = tpu.memref_slice %arg2[%dma_wait3A_86, %dma_wait3A_87] : memref<10000x128xf32, #tpu.memory_space<hbm>> -> memref<10000x128xf32, #tpu.memory_space<hbm>>
    tpu.wait_indirect_dma semaphore(%arg18 : memref<!tpu.dma_semaphore, #tpu.memory_space<semaphore_mem>>) src(%dma_wait3A_88 : memref<10000x128xf32, #tpu.memory_space<hbm>>) dst(%arg10 : memref<128x128xf32, #tpu.memory_space<vmem>>)
    %dma_start3A_89 = arith.constant 1 : i32
    %dma_start3A_90 = arith.constant 0 : i32
    %dma_start3A_91 = tpu.memref_slice %arg7[%dma_start3A_89, %dma_start3A_90] : memref<2x128xi32, #tpu.memory_space<vmem>> -> memref<1x128xi32, #tpu.memory_space<vmem>>
    %dma_start3A_92 = tpu.memref_squeeze %dma_start3A_91 : memref<1x128xi32, #tpu.memory_space<vmem>> -> memref<128xi32, #tpu.memory_space<vmem>>
    %dma_start3A_93 = arith.constant 0 : i32
    %dma_start3A_94 = arith.constant 0 : i32
    %dma_start3A_95 = tpu.memref_slice %arg13[%dma_start3A_93, %dma_start3A_94] : memref<10000x128xf32, #tpu.memory_space<vmem_shared>> -> memref<10000x128xf32, #tpu.memory_space<vmem_shared>>
    tpu.enqueue_indirect_dma source(%arg10 : memref<128x128xf32, #tpu.memory_space<vmem>>) target(%dma_start3A_95 : memref<10000x128xf32, #tpu.memory_space<vmem_shared>>) offsets(%dma_start3A_92 : memref<128xi32, #tpu.memory_space<vmem>>) semaphore(%arg21 : memref<!tpu.dma_semaphore, #tpu.memory_space<semaphore_mem>>) {add = true}
    %dma_wait3A_96 = arith.constant 1 : i32
    %dma_wait3A_97 = arith.constant 0 : i32
    %dma_wait3A_98 = tpu.memref_slice %arg6[%dma_wait3A_96, %dma_wait3A_97] : memref<2x128xi32, #tpu.memory_space<vmem>> -> memref<1x128xi32, #tpu.memory_space<vmem>>
    %dma_wait3A_99 = tpu.memref_squeeze %dma_wait3A_98 : memref<1x128xi32, #tpu.memory_space<vmem>> -> memref<128xi32, #tpu.memory_space<vmem>>
    %dma_wait3A_100 = arith.constant 0 : i32
    %dma_wait3A_101 = arith.constant 0 : i32
    %dma_wait3A_102 = tpu.memref_slice %arg13[%dma_wait3A_100, %dma_wait3A_101] : memref<10000x128xf32, #tpu.memory_space<vmem_shared>> -> memref<10000x128xf32, #tpu.memory_space<vmem_shared>>
    tpu.wait_indirect_dma semaphore(%arg20 : memref<!tpu.dma_semaphore, #tpu.memory_space<semaphore_mem>>) src(%arg9 : memref<128x128xf32, #tpu.memory_space<vmem>>) dst(%dma_wait3A_102 : memref<10000x128xf32, #tpu.memory_space<vmem_shared>>)
    %add3A_103 = arith.constant 3 : i32
    %add3A_104 = arith.addi %mul3A_15, %add3A_103 : i32
    %mul3A_105 = arith.constant 128 : i32
    %mul3A_106 = arith.muli %add3A_104, %mul3A_105 : i32
    %dma_start3A_107 = arith.constant 0 : i32
    %dma_start3A_108 = tpu.memref_slice %arg3[%dma_start3A_107, %mul3A_106] : memref<2x320000xi32, #tpu.memory_space<hbm>> -> memref<2x128xi32, #tpu.memory_space<hbm>>
    %dma_start3A_109 = arith.constant 0 : i32
    %dma_start3A_110 = tpu.memref_slice %arg3[%dma_start3A_109, %mul3A_106] : memref<2x320000xi32, #tpu.memory_space<hbm>> -> memref<2x128xi32, #tpu.memory_space<hbm>>
    tpu.enqueue_dma source(%dma_start3A_110 : memref<2x128xi32, #tpu.memory_space<hbm>>) target(%arg6 : memref<2x128xi32, #tpu.memory_space<vmem>>) target_semaphore(%arg14 : memref<!tpu.dma_semaphore, #tpu.memory_space<semaphore_mem>>)
    %add3A_111 = arith.constant 2 : i32
    %add3A_112 = arith.addi %mul3A_15, %add3A_111 : i32
    %mul3A_113 = arith.constant 128 : i32
    %mul3A_114 = arith.muli %add3A_112, %mul3A_113 : i32
    %dma_wait3A_115 = arith.constant 0 : i32
    %dma_wait3A_116 = tpu.memref_slice %arg3[%dma_wait3A_115, %mul3A_114] : memref<2x320000xi32, #tpu.memory_space<hbm>> -> memref<2x128xi32, #tpu.memory_space<hbm>>
    %dma_wait3A_117 = arith.constant 0 : i32
    %dma_wait3A_118 = tpu.memref_slice %arg3[%dma_wait3A_117, %mul3A_114] : memref<2x320000xi32, #tpu.memory_space<hbm>> -> memref<2x128xi32, #tpu.memory_space<hbm>>
    tpu.wait_dma2 semaphore(%arg16 : memref<!tpu.dma_semaphore, #tpu.memory_space<semaphore_mem>>) src(%dma_wait3A_118 : memref<2x128xi32, #tpu.memory_space<hbm>>) dst(%arg8 : memref<2x128xi32, #tpu.memory_space<vmem>>)
    %dma_start3A_119 = arith.constant 0 : i32
    %dma_start3A_120 = arith.constant 0 : i32
    %dma_start3A_121 = tpu.memref_slice %arg8[%dma_start3A_119, %dma_start3A_120] : memref<2x128xi32, #tpu.memory_space<vmem>> -> memref<1x128xi32, #tpu.memory_space<vmem>>
    %dma_start3A_122 = tpu.memref_squeeze %dma_start3A_121 : memref<1x128xi32, #tpu.memory_space<vmem>> -> memref<128xi32, #tpu.memory_space<vmem>>
    %dma_start3A_123 = arith.constant 0 : i32
    %dma_start3A_124 = arith.constant 0 : i32
    %dma_start3A_125 = tpu.memref_slice %arg2[%dma_start3A_123, %dma_start3A_124] : memref<10000x128xf32, #tpu.memory_space<hbm>> -> memref<10000x128xf32, #tpu.memory_space<hbm>>
    tpu.enqueue_indirect_dma source(%dma_start3A_125 : memref<10000x128xf32, #tpu.memory_space<hbm>>) target(%arg11 : memref<128x128xf32, #tpu.memory_space<vmem>>) offsets(%dma_start3A_122 : memref<128xi32, #tpu.memory_space<vmem>>) semaphore(%arg19 : memref<!tpu.dma_semaphore, #tpu.memory_space<semaphore_mem>>)
    %dma_wait3A_126 = arith.constant 0 : i32
    %dma_wait3A_127 = arith.constant 0 : i32
    %dma_wait3A_128 = tpu.memref_slice %arg8[%dma_wait3A_126, %dma_wait3A_127] : memref<2x128xi32, #tpu.memory_space<vmem>> -> memref<1x128xi32, #tpu.memory_space<vmem>>
    %dma_wait3A_129 = tpu.memref_squeeze %dma_wait3A_128 : memref<1x128xi32, #tpu.memory_space<vmem>> -> memref<128xi32, #tpu.memory_space<vmem>>
    %dma_wait3A_130 = arith.constant 0 : i32
    %dma_wait3A_131 = arith.constant 0 : i32
    %dma_wait3A_132 = tpu.memref_slice %arg2[%dma_wait3A_130, %dma_wait3A_131] : memref<10000x128xf32, #tpu.memory_space<hbm>> -> memref<10000x128xf32, #tpu.memory_space<hbm>>
    tpu.wait_indirect_dma semaphore(%arg19 : memref<!tpu.dma_semaphore, #tpu.memory_space<semaphore_mem>>) src(%dma_wait3A_132 : memref<10000x128xf32, #tpu.memory_space<hbm>>) dst(%arg11 : memref<128x128xf32, #tpu.memory_space<vmem>>)
    %dma_start3A_133 = arith.constant 1 : i32
    %dma_start3A_134 = arith.constant 0 : i32
    %dma_start3A_135 = tpu.memref_slice %arg8[%dma_start3A_133, %dma_start3A_134] : memref<2x128xi32, #tpu.memory_space<vmem>> -> memref<1x128xi32, #tpu.memory_space<vmem>>
    %dma_start3A_136 = tpu.memref_squeeze %dma_start3A_135 : memref<1x128xi32, #tpu.memory_space<vmem>> -> memref<128xi32, #tpu.memory_space<vmem>>
    %dma_start3A_137 = arith.constant 0 : i32
    %dma_start3A_138 = arith.constant 0 : i32
    %dma_start3A_139 = tpu.memref_slice %arg13[%dma_start3A_137, %dma_start3A_138] : memref<10000x128xf32, #tpu.memory_space<vmem_shared>> -> memref<10000x128xf32, #tpu.memory_space<vmem_shared>>
    tpu.enqueue_indirect_dma source(%arg11 : memref<128x128xf32, #tpu.memory_space<vmem>>) target(%dma_start3A_139 : memref<10000x128xf32, #tpu.memory_space<vmem_shared>>) offsets(%dma_start3A_136 : memref<128xi32, #tpu.memory_space<vmem>>) semaphore(%arg22 : memref<!tpu.dma_semaphore, #tpu.memory_space<semaphore_mem>>) {add = true}
    %dma_wait3A_140 = arith.constant 1 : i32
    %dma_wait3A_141 = arith.constant 0 : i32
    %dma_wait3A_142 = tpu.memref_slice %arg7[%dma_wait3A_140, %dma_wait3A_141] : memref<2x128xi32, #tpu.memory_space<vmem>> -> memref<1x128xi32, #tpu.memory_space<vmem>>
    %dma_wait3A_143 = tpu.memref_squeeze %dma_wait3A_142 : memref<1x128xi32, #tpu.memory_space<vmem>> -> memref<128xi32, #tpu.memory_space<vmem>>
    %dma_wait3A_144 = arith.constant 0 : i32
    %dma_wait3A_145 = arith.constant 0 : i32
    %dma_wait3A_146 = tpu.memref_slice %arg13[%dma_wait3A_144, %dma_wait3A_145] : memref<10000x128xf32, #tpu.memory_space<vmem_shared>> -> memref<10000x128xf32, #tpu.memory_space<vmem_shared>>
    tpu.wait_indirect_dma semaphore(%arg21 : memref<!tpu.dma_semaphore, #tpu.memory_space<semaphore_mem>>) src(%arg10 : memref<128x128xf32, #tpu.memory_space<vmem>>) dst(%dma_wait3A_146 : memref<10000x128xf32, #tpu.memory_space<vmem_shared>>)
    %add3A_147 = arith.constant 4 : i32
    %add3A_148 = arith.addi %mul3A_15, %add3A_147 : i32
    %mul3A_149 = arith.constant 128 : i32
    %mul3A_150 = arith.muli %add3A_148, %mul3A_149 : i32
    %dma_start3A_151 = arith.constant 0 : i32
    %dma_start3A_152 = tpu.memref_slice %arg3[%dma_start3A_151, %mul3A_150] : memref<2x320000xi32, #tpu.memory_space<hbm>> -> memref<2x128xi32, #tpu.memory_space<hbm>>
    %dma_start3A_153 = arith.constant 0 : i32
    %dma_start3A_154 = tpu.memref_slice %arg3[%dma_start3A_153, %mul3A_150] : memref<2x320000xi32, #tpu.memory_space<hbm>> -> memref<2x128xi32, #tpu.memory_space<hbm>>
    tpu.enqueue_dma source(%dma_start3A_154 : memref<2x128xi32, #tpu.memory_space<hbm>>) target(%arg7 : memref<2x128xi32, #tpu.memory_space<vmem>>) target_semaphore(%arg15 : memref<!tpu.dma_semaphore, #tpu.memory_space<semaphore_mem>>)
    %add3A_155 = arith.constant 3 : i32
    %add3A_156 = arith.addi %mul3A_15, %add3A_155 : i32
    %mul3A_157 = arith.constant 128 : i32
    %mul3A_158 = arith.muli %add3A_156, %mul3A_157 : i32
    %dma_wait3A_159 = arith.constant 0 : i32
    %dma_wait3A_160 = tpu.memref_slice %arg3[%dma_wait3A_159, %mul3A_158] : memref<2x320000xi32, #tpu.memory_space<hbm>> -> memref<2x128xi32, #tpu.memory_space<hbm>>
    %dma_wait3A_161 = arith.constant 0 : i32
    %dma_wait3A_162 = tpu.memref_slice %arg3[%dma_wait3A_161, %mul3A_158] : memref<2x320000xi32, #tpu.memory_space<hbm>> -> memref<2x128xi32, #tpu.memory_space<hbm>>
    tpu.wait_dma2 semaphore(%arg14 : memref<!tpu.dma_semaphore, #tpu.memory_space<semaphore_mem>>) src(%dma_wait3A_162 : memref<2x128xi32, #tpu.memory_space<hbm>>) dst(%arg6 : memref<2x128xi32, #tpu.memory_space<vmem>>)
    %dma_start3A_163 = arith.constant 0 : i32
    %dma_start3A_164 = arith.constant 0 : i32
    %dma_start3A_165 = tpu.memref_slice %arg6[%dma_start3A_163, %dma_start3A_164] : memref<2x128xi32, #tpu.memory_space<vmem>> -> memref<1x128xi32, #tpu.memory_space<vmem>>
    %dma_start3A_166 = tpu.memref_squeeze %dma_start3A_165 : memref<1x128xi32, #tpu.memory_space<vmem>> -> memref<128xi32, #tpu.memory_space<vmem>>
    %dma_start3A_167 = arith.constant 0 : i32
    %dma_start3A_168 = arith.constant 0 : i32
    %dma_start3A_169 = tpu.memref_slice %arg2[%dma_start3A_167, %dma_start3A_168] : memref<10000x128xf32, #tpu.memory_space<hbm>> -> memref<10000x128xf32, #tpu.memory_space<hbm>>
    tpu.enqueue_indirect_dma source(%dma_start3A_169 : memref<10000x128xf32, #tpu.memory_space<hbm>>) target(%arg9 : memref<128x128xf32, #tpu.memory_space<vmem>>) offsets(%dma_start3A_166 : memref<128xi32, #tpu.memory_space<vmem>>) semaphore(%arg17 : memref<!tpu.dma_semaphore, #tpu.memory_space<semaphore_mem>>)
    %scan3A_170 = arith.constant 0 : i32
    %scan3A_171 = arith.constant 24 : i32
    %scan3A_172 = arith.addi %scan3A_170, %scan3A_171 : i32
    %scan3A_173 = arith.constant 1 : i32
    scf.for %scan3A_298 = %scan3A_170 to %scan3A_172 step %scan3A_173  : i32 {
      %mul3A_299 = arith.constant 1 : i32
      %mul3A_300 = arith.muli %scan3A_298, %mul3A_299 : i32
      %add3A_301 = arith.constant 0 : i32
      %add3A_302 = arith.addi %add3A_301, %mul3A_300 : i32
      %mul3A_303 = arith.constant 3 : i32
      %mul3A_304 = arith.muli %mul3A_303, %add3A_302 : i32
      %add3A_305 = arith.constant 3 : i32
      %add3A_306 = arith.addi %mul3A_304, %add3A_305 : i32
      %add3A_307 = arith.constant 0 : i32
      %add3A_308 = arith.addi %add3A_306, %add3A_307 : i32
      %dma_wait3A_309 = arith.constant 0 : i32
      %dma_wait3A_310 = arith.constant 0 : i32
      %dma_wait3A_311 = tpu.memref_slice %arg6[%dma_wait3A_309, %dma_wait3A_310] : memref<2x128xi32, #tpu.memory_space<vmem>> -> memref<1x128xi32, #tpu.memory_space<vmem>>
      %dma_wait3A_312 = tpu.memref_squeeze %dma_wait3A_311 : memref<1x128xi32, #tpu.memory_space<vmem>> -> memref<128xi32, #tpu.memory_space<vmem>>
      %dma_wait3A_313 = arith.constant 0 : i32
      %dma_wait3A_314 = arith.constant 0 : i32
      %dma_wait3A_315 = tpu.memref_slice %arg2[%dma_wait3A_313, %dma_wait3A_314] : memref<10000x128xf32, #tpu.memory_space<hbm>> -> memref<10000x128xf32, #tpu.memory_space<hbm>>
      tpu.wait_indirect_dma semaphore(%arg17 : memref<!tpu.dma_semaphore, #tpu.memory_space<semaphore_mem>>) src(%dma_wait3A_315 : memref<10000x128xf32, #tpu.memory_space<hbm>>) dst(%arg9 : memref<128x128xf32, #tpu.memory_space<vmem>>)
      %dma_start3A_316 = arith.constant 1 : i32
      %dma_start3A_317 = arith.constant 0 : i32
      %dma_start3A_318 = tpu.memref_slice %arg6[%dma_start3A_316, %dma_start3A_317] : memref<2x128xi32, #tpu.memory_space<vmem>> -> memref<1x128xi32, #tpu.memory_space<vmem>>
      %dma_start3A_319 = tpu.memref_squeeze %dma_start3A_318 : memref<1x128xi32, #tpu.memory_space<vmem>> -> memref<128xi32, #tpu.memory_space<vmem>>
      %dma_start3A_320 = arith.constant 0 : i32
      %dma_start3A_321 = arith.constant 0 : i32
      %dma_start3A_322 = tpu.memref_slice %arg13[%dma_start3A_320, %dma_start3A_321] : memref<10000x128xf32, #tpu.memory_space<vmem_shared>> -> memref<10000x128xf32, #tpu.memory_space<vmem_shared>>
      tpu.enqueue_indirect_dma source(%arg9 : memref<128x128xf32, #tpu.memory_space<vmem>>) target(%dma_start3A_322 : memref<10000x128xf32, #tpu.memory_space<vmem_shared>>) offsets(%dma_start3A_319 : memref<128xi32, #tpu.memory_space<vmem>>) semaphore(%arg20 : memref<!tpu.dma_semaphore, #tpu.memory_space<semaphore_mem>>) {add = true}
      %sub3A = arith.constant 1 : i32
      %sub3A_323 = arith.subi %add3A_308, %sub3A : i32
      %dma_wait3A_324 = arith.constant 1 : i32
      %dma_wait3A_325 = arith.constant 0 : i32
      %dma_wait3A_326 = tpu.memref_slice %arg8[%dma_wait3A_324, %dma_wait3A_325] : memref<2x128xi32, #tpu.memory_space<vmem>> -> memref<1x128xi32, #tpu.memory_space<vmem>>
      %dma_wait3A_327 = tpu.memref_squeeze %dma_wait3A_326 : memref<1x128xi32, #tpu.memory_space<vmem>> -> memref<128xi32, #tpu.memory_space<vmem>>
      %dma_wait3A_328 = arith.constant 0 : i32
      %dma_wait3A_329 = arith.constant 0 : i32
      %dma_wait3A_330 = tpu.memref_slice %arg13[%dma_wait3A_328, %dma_wait3A_329] : memref<10000x128xf32, #tpu.memory_space<vmem_shared>> -> memref<10000x128xf32, #tpu.memory_space<vmem_shared>>
      tpu.wait_indirect_dma semaphore(%arg22 : memref<!tpu.dma_semaphore, #tpu.memory_space<semaphore_mem>>) src(%arg11 : memref<128x128xf32, #tpu.memory_space<vmem>>) dst(%dma_wait3A_330 : memref<10000x128xf32, #tpu.memory_space<vmem_shared>>)
      %add3A_331 = arith.constant 2 : i32
      %add3A_332 = arith.addi %add3A_308, %add3A_331 : i32
      %add3A_333 = arith.addi %mul3A_15, %add3A_332 : i32
      %mul3A_334 = arith.constant 128 : i32
      %mul3A_335 = arith.muli %add3A_333, %mul3A_334 : i32
      %dma_start3A_336 = arith.constant 0 : i32
      %dma_start3A_337 = tpu.memref_slice %arg3[%dma_start3A_336, %mul3A_335] : memref<2x320000xi32, #tpu.memory_space<hbm>> -> memref<2x128xi32, #tpu.memory_space<hbm>>
      %dma_start3A_338 = arith.constant 0 : i32
      %dma_start3A_339 = tpu.memref_slice %arg3[%dma_start3A_338, %mul3A_335] : memref<2x320000xi32, #tpu.memory_space<hbm>> -> memref<2x128xi32, #tpu.memory_space<hbm>>
      tpu.enqueue_dma source(%dma_start3A_339 : memref<2x128xi32, #tpu.memory_space<hbm>>) target(%arg8 : memref<2x128xi32, #tpu.memory_space<vmem>>) target_semaphore(%arg16 : memref<!tpu.dma_semaphore, #tpu.memory_space<semaphore_mem>>)
      %add3A_340 = arith.constant 1 : i32
      %add3A_341 = arith.addi %add3A_308, %add3A_340 : i32
      %add3A_342 = arith.addi %mul3A_15, %add3A_341 : i32
      %mul3A_343 = arith.constant 128 : i32
      %mul3A_344 = arith.muli %add3A_342, %mul3A_343 : i32
      %dma_wait3A_345 = arith.constant 0 : i32
      %dma_wait3A_346 = tpu.memref_slice %arg3[%dma_wait3A_345, %mul3A_344] : memref<2x320000xi32, #tpu.memory_space<hbm>> -> memref<2x128xi32, #tpu.memory_space<hbm>>
      %dma_wait3A_347 = arith.constant 0 : i32
      %dma_wait3A_348 = tpu.memref_slice %arg3[%dma_wait3A_347, %mul3A_344] : memref<2x320000xi32, #tpu.memory_space<hbm>> -> memref<2x128xi32, #tpu.memory_space<hbm>>
      tpu.wait_dma2 semaphore(%arg15 : memref<!tpu.dma_semaphore, #tpu.memory_space<semaphore_mem>>) src(%dma_wait3A_348 : memref<2x128xi32, #tpu.memory_space<hbm>>) dst(%arg7 : memref<2x128xi32, #tpu.memory_space<vmem>>)
      %add3A_349 = arith.constant 1 : i32
      %add3A_350 = arith.addi %add3A_308, %add3A_349 : i32
      %dma_start3A_351 = arith.constant 0 : i32
      %dma_start3A_352 = arith.constant 0 : i32
      %dma_start3A_353 = tpu.memref_slice %arg7[%dma_start3A_351, %dma_start3A_352] : memref<2x128xi32, #tpu.memory_space<vmem>> -> memref<1x128xi32, #tpu.memory_space<vmem>>
      %dma_start3A_354 = tpu.memref_squeeze %dma_start3A_353 : memref<1x128xi32, #tpu.memory_space<vmem>> -> memref<128xi32, #tpu.memory_space<vmem>>
      %dma_start3A_355 = arith.constant 0 : i32
      %dma_start3A_356 = arith.constant 0 : i32
      %dma_start3A_357 = tpu.memref_slice %arg2[%dma_start3A_355, %dma_start3A_356] : memref<10000x128xf32, #tpu.memory_space<hbm>> -> memref<10000x128xf32, #tpu.memory_space<hbm>>
      tpu.enqueue_indirect_dma source(%dma_start3A_357 : memref<10000x128xf32, #tpu.memory_space<hbm>>) target(%arg10 : memref<128x128xf32, #tpu.memory_space<vmem>>) offsets(%dma_start3A_354 : memref<128xi32, #tpu.memory_space<vmem>>) semaphore(%arg18 : memref<!tpu.dma_semaphore, #tpu.memory_space<semaphore_mem>>)
      %add3A_358 = arith.constant 1 : i32
      %add3A_359 = arith.addi %add3A_306, %add3A_358 : i32
      %dma_wait3A_360 = arith.constant 0 : i32
      %dma_wait3A_361 = arith.constant 0 : i32
      %dma_wait3A_362 = tpu.memref_slice %arg7[%dma_wait3A_360, %dma_wait3A_361] : memref<2x128xi32, #tpu.memory_space<vmem>> -> memref<1x128xi32, #tpu.memory_space<vmem>>
      %dma_wait3A_363 = tpu.memref_squeeze %dma_wait3A_362 : memref<1x128xi32, #tpu.memory_space<vmem>> -> memref<128xi32, #tpu.memory_space<vmem>>
      %dma_wait3A_364 = arith.constant 0 : i32
      %dma_wait3A_365 = arith.constant 0 : i32
      %dma_wait3A_366 = tpu.memref_slice %arg2[%dma_wait3A_364, %dma_wait3A_365] : memref<10000x128xf32, #tpu.memory_space<hbm>> -> memref<10000x128xf32, #tpu.memory_space<hbm>>
      tpu.wait_indirect_dma semaphore(%arg18 : memref<!tpu.dma_semaphore, #tpu.memory_space<semaphore_mem>>) src(%dma_wait3A_366 : memref<10000x128xf32, #tpu.memory_space<hbm>>) dst(%arg10 : memref<128x128xf32, #tpu.memory_space<vmem>>)
      %dma_start3A_367 = arith.constant 1 : i32
      %dma_start3A_368 = arith.constant 0 : i32
      %dma_start3A_369 = tpu.memref_slice %arg7[%dma_start3A_367, %dma_start3A_368] : memref<2x128xi32, #tpu.memory_space<vmem>> -> memref<1x128xi32, #tpu.memory_space<vmem>>
      %dma_start3A_370 = tpu.memref_squeeze %dma_start3A_369 : memref<1x128xi32, #tpu.memory_space<vmem>> -> memref<128xi32, #tpu.memory_space<vmem>>
      %dma_start3A_371 = arith.constant 0 : i32
      %dma_start3A_372 = arith.constant 0 : i32
      %dma_start3A_373 = tpu.memref_slice %arg13[%dma_start3A_371, %dma_start3A_372] : memref<10000x128xf32, #tpu.memory_space<vmem_shared>> -> memref<10000x128xf32, #tpu.memory_space<vmem_shared>>
      tpu.enqueue_indirect_dma source(%arg10 : memref<128x128xf32, #tpu.memory_space<vmem>>) target(%dma_start3A_373 : memref<10000x128xf32, #tpu.memory_space<vmem_shared>>) offsets(%dma_start3A_370 : memref<128xi32, #tpu.memory_space<vmem>>) semaphore(%arg21 : memref<!tpu.dma_semaphore, #tpu.memory_space<semaphore_mem>>) {add = true}
      %sub3A_374 = arith.constant 1 : i32
      %sub3A_375 = arith.subi %add3A_359, %sub3A_374 : i32
      %dma_wait3A_376 = arith.constant 1 : i32
      %dma_wait3A_377 = arith.constant 0 : i32
      %dma_wait3A_378 = tpu.memref_slice %arg6[%dma_wait3A_376, %dma_wait3A_377] : memref<2x128xi32, #tpu.memory_space<vmem>> -> memref<1x128xi32, #tpu.memory_space<vmem>>
      %dma_wait3A_379 = tpu.memref_squeeze %dma_wait3A_378 : memref<1x128xi32, #tpu.memory_space<vmem>> -> memref<128xi32, #tpu.memory_space<vmem>>
      %dma_wait3A_380 = arith.constant 0 : i32
      %dma_wait3A_381 = arith.constant 0 : i32
      %dma_wait3A_382 = tpu.memref_slice %arg13[%dma_wait3A_380, %dma_wait3A_381] : memref<10000x128xf32, #tpu.memory_space<vmem_shared>> -> memref<10000x128xf32, #tpu.memory_space<vmem_shared>>
      tpu.wait_indirect_dma semaphore(%arg20 : memref<!tpu.dma_semaphore, #tpu.memory_space<semaphore_mem>>) src(%arg9 : memref<128x128xf32, #tpu.memory_space<vmem>>) dst(%dma_wait3A_382 : memref<10000x128xf32, #tpu.memory_space<vmem_shared>>)
      %add3A_383 = arith.constant 2 : i32
      %add3A_384 = arith.addi %add3A_359, %add3A_383 : i32
      %add3A_385 = arith.addi %mul3A_15, %add3A_384 : i32
      %mul3A_386 = arith.constant 128 : i32
      %mul3A_387 = arith.muli %add3A_385, %mul3A_386 : i32
      %dma_start3A_388 = arith.constant 0 : i32
      %dma_start3A_389 = tpu.memref_slice %arg3[%dma_start3A_388, %mul3A_387] : memref<2x320000xi32, #tpu.memory_space<hbm>> -> memref<2x128xi32, #tpu.memory_space<hbm>>
      %dma_start3A_390 = arith.constant 0 : i32
      %dma_start3A_391 = tpu.memref_slice %arg3[%dma_start3A_390, %mul3A_387] : memref<2x320000xi32, #tpu.memory_space<hbm>> -> memref<2x128xi32, #tpu.memory_space<hbm>>
      tpu.enqueue_dma source(%dma_start3A_391 : memref<2x128xi32, #tpu.memory_space<hbm>>) target(%arg6 : memref<2x128xi32, #tpu.memory_space<vmem>>) target_semaphore(%arg14 : memref<!tpu.dma_semaphore, #tpu.memory_space<semaphore_mem>>)
      %add3A_392 = arith.constant 1 : i32
      %add3A_393 = arith.addi %add3A_359, %add3A_392 : i32
      %add3A_394 = arith.addi %mul3A_15, %add3A_393 : i32
      %mul3A_395 = arith.constant 128 : i32
      %mul3A_396 = arith.muli %add3A_394, %mul3A_395 : i32
      %dma_wait3A_397 = arith.constant 0 : i32
      %dma_wait3A_398 = tpu.memref_slice %arg3[%dma_wait3A_397, %mul3A_396] : memref<2x320000xi32, #tpu.memory_space<hbm>> -> memref<2x128xi32, #tpu.memory_space<hbm>>
      %dma_wait3A_399 = arith.constant 0 : i32
      %dma_wait3A_400 = tpu.memref_slice %arg3[%dma_wait3A_399, %mul3A_396] : memref<2x320000xi32, #tpu.memory_space<hbm>> -> memref<2x128xi32, #tpu.memory_space<hbm>>
      tpu.wait_dma2 semaphore(%arg16 : memref<!tpu.dma_semaphore, #tpu.memory_space<semaphore_mem>>) src(%dma_wait3A_400 : memref<2x128xi32, #tpu.memory_space<hbm>>) dst(%arg8 : memref<2x128xi32, #tpu.memory_space<vmem>>)
      %add3A_401 = arith.constant 1 : i32
      %add3A_402 = arith.addi %add3A_359, %add3A_401 : i32
      %dma_start3A_403 = arith.constant 0 : i32
      %dma_start3A_404 = arith.constant 0 : i32
      %dma_start3A_405 = tpu.memref_slice %arg8[%dma_start3A_403, %dma_start3A_404] : memref<2x128xi32, #tpu.memory_space<vmem>> -> memref<1x128xi32, #tpu.memory_space<vmem>>
      %dma_start3A_406 = tpu.memref_squeeze %dma_start3A_405 : memref<1x128xi32, #tpu.memory_space<vmem>> -> memref<128xi32, #tpu.memory_space<vmem>>
      %dma_start3A_407 = arith.constant 0 : i32
      %dma_start3A_408 = arith.constant 0 : i32
      %dma_start3A_409 = tpu.memref_slice %arg2[%dma_start3A_407, %dma_start3A_408] : memref<10000x128xf32, #tpu.memory_space<hbm>> -> memref<10000x128xf32, #tpu.memory_space<hbm>>
      tpu.enqueue_indirect_dma source(%dma_start3A_409 : memref<10000x128xf32, #tpu.memory_space<hbm>>) target(%arg11 : memref<128x128xf32, #tpu.memory_space<vmem>>) offsets(%dma_start3A_406 : memref<128xi32, #tpu.memory_space<vmem>>) semaphore(%arg19 : memref<!tpu.dma_semaphore, #tpu.memory_space<semaphore_mem>>)
      %add3A_410 = arith.constant 2 : i32
      %add3A_411 = arith.addi %add3A_306, %add3A_410 : i32
      %dma_wait3A_412 = arith.constant 0 : i32
      %dma_wait3A_413 = arith.constant 0 : i32
      %dma_wait3A_414 = tpu.memref_slice %arg8[%dma_wait3A_412, %dma_wait3A_413] : memref<2x128xi32, #tpu.memory_space<vmem>> -> memref<1x128xi32, #tpu.memory_space<vmem>>
      %dma_wait3A_415 = tpu.memref_squeeze %dma_wait3A_414 : memref<1x128xi32, #tpu.memory_space<vmem>> -> memref<128xi32, #tpu.memory_space<vmem>>
      %dma_wait3A_416 = arith.constant 0 : i32
      %dma_wait3A_417 = arith.constant 0 : i32
      %dma_wait3A_418 = tpu.memref_slice %arg2[%dma_wait3A_416, %dma_wait3A_417] : memref<10000x128xf32, #tpu.memory_space<hbm>> -> memref<10000x128xf32, #tpu.memory_space<hbm>>
      tpu.wait_indirect_dma semaphore(%arg19 : memref<!tpu.dma_semaphore, #tpu.memory_space<semaphore_mem>>) src(%dma_wait3A_418 : memref<10000x128xf32, #tpu.memory_space<hbm>>) dst(%arg11 : memref<128x128xf32, #tpu.memory_space<vmem>>)
      %dma_start3A_419 = arith.constant 1 : i32
      %dma_start3A_420 = arith.constant 0 : i32
      %dma_start3A_421 = tpu.memref_slice %arg8[%dma_start3A_419, %dma_start3A_420] : memref<2x128xi32, #tpu.memory_space<vmem>> -> memref<1x128xi32, #tpu.memory_space<vmem>>
      %dma_start3A_422 = tpu.memref_squeeze %dma_start3A_421 : memref<1x128xi32, #tpu.memory_space<vmem>> -> memref<128xi32, #tpu.memory_space<vmem>>
      %dma_start3A_423 = arith.constant 0 : i32
      %dma_start3A_424 = arith.constant 0 : i32
      %dma_start3A_425 = tpu.memref_slice %arg13[%dma_start3A_423, %dma_start3A_424] : memref<10000x128xf32, #tpu.memory_space<vmem_shared>> -> memref<10000x128xf32, #tpu.memory_space<vmem_shared>>
      tpu.enqueue_indirect_dma source(%arg11 : memref<128x128xf32, #tpu.memory_space<vmem>>) target(%dma_start3A_425 : memref<10000x128xf32, #tpu.memory_space<vmem_shared>>) offsets(%dma_start3A_422 : memref<128xi32, #tpu.memory_space<vmem>>) semaphore(%arg22 : memref<!tpu.dma_semaphore, #tpu.memory_space<semaphore_mem>>) {add = true}
      %sub3A_426 = arith.constant 1 : i32
      %sub3A_427 = arith.subi %add3A_411, %sub3A_426 : i32
      %dma_wait3A_428 = arith.constant 1 : i32
      %dma_wait3A_429 = arith.constant 0 : i32
      %dma_wait3A_430 = tpu.memref_slice %arg7[%dma_wait3A_428, %dma_wait3A_429] : memref<2x128xi32, #tpu.memory_space<vmem>> -> memref<1x128xi32, #tpu.memory_space<vmem>>
      %dma_wait3A_431 = tpu.memref_squeeze %dma_wait3A_430 : memref<1x128xi32, #tpu.memory_space<vmem>> -> memref<128xi32, #tpu.memory_space<vmem>>
      %dma_wait3A_432 = arith.constant 0 : i32
      %dma_wait3A_433 = arith.constant 0 : i32
      %dma_wait3A_434 = tpu.memref_slice %arg13[%dma_wait3A_432, %dma_wait3A_433] : memref<10000x128xf32, #tpu.memory_space<vmem_shared>> -> memref<10000x128xf32, #tpu.memory_space<vmem_shared>>
      tpu.wait_indirect_dma semaphore(%arg21 : memref<!tpu.dma_semaphore, #tpu.memory_space<semaphore_mem>>) src(%arg10 : memref<128x128xf32, #tpu.memory_space<vmem>>) dst(%dma_wait3A_434 : memref<10000x128xf32, #tpu.memory_space<vmem_shared>>)
      %add3A_435 = arith.constant 2 : i32
      %add3A_436 = arith.addi %add3A_411, %add3A_435 : i32
      %add3A_437 = arith.addi %mul3A_15, %add3A_436 : i32
      %mul3A_438 = arith.constant 128 : i32
      %mul3A_439 = arith.muli %add3A_437, %mul3A_438 : i32
      %dma_start3A_440 = arith.constant 0 : i32
      %dma_start3A_441 = tpu.memref_slice %arg3[%dma_start3A_440, %mul3A_439] : memref<2x320000xi32, #tpu.memory_space<hbm>> -> memref<2x128xi32, #tpu.memory_space<hbm>>
      %dma_start3A_442 = arith.constant 0 : i32
      %dma_start3A_443 = tpu.memref_slice %arg3[%dma_start3A_442, %mul3A_439] : memref<2x320000xi32, #tpu.memory_space<hbm>> -> memref<2x128xi32, #tpu.memory_space<hbm>>
      tpu.enqueue_dma source(%dma_start3A_443 : memref<2x128xi32, #tpu.memory_space<hbm>>) target(%arg7 : memref<2x128xi32, #tpu.memory_space<vmem>>) target_semaphore(%arg15 : memref<!tpu.dma_semaphore, #tpu.memory_space<semaphore_mem>>)
      %add3A_444 = arith.constant 1 : i32
      %add3A_445 = arith.addi %add3A_411, %add3A_444 : i32
      %add3A_446 = arith.addi %mul3A_15, %add3A_445 : i32
      %mul3A_447 = arith.constant 128 : i32
      %mul3A_448 = arith.muli %add3A_446, %mul3A_447 : i32
      %dma_wait3A_449 = arith.constant 0 : i32
      %dma_wait3A_450 = tpu.memref_slice %arg3[%dma_wait3A_449, %mul3A_448] : memref<2x320000xi32, #tpu.memory_space<hbm>> -> memref<2x128xi32, #tpu.memory_space<hbm>>
      %dma_wait3A_451 = arith.constant 0 : i32
      %dma_wait3A_452 = tpu.memref_slice %arg3[%dma_wait3A_451, %mul3A_448] : memref<2x320000xi32, #tpu.memory_space<hbm>> -> memref<2x128xi32, #tpu.memory_space<hbm>>
      tpu.wait_dma2 semaphore(%arg14 : memref<!tpu.dma_semaphore, #tpu.memory_space<semaphore_mem>>) src(%dma_wait3A_452 : memref<2x128xi32, #tpu.memory_space<hbm>>) dst(%arg6 : memref<2x128xi32, #tpu.memory_space<vmem>>)
      %add3A_453 = arith.constant 1 : i32
      %add3A_454 = arith.addi %add3A_411, %add3A_453 : i32
      %dma_start3A_455 = arith.constant 0 : i32
      %dma_start3A_456 = arith.constant 0 : i32
      %dma_start3A_457 = tpu.memref_slice %arg6[%dma_start3A_455, %dma_start3A_456] : memref<2x128xi32, #tpu.memory_space<vmem>> -> memref<1x128xi32, #tpu.memory_space<vmem>>
      %dma_start3A_458 = tpu.memref_squeeze %dma_start3A_457 : memref<1x128xi32, #tpu.memory_space<vmem>> -> memref<128xi32, #tpu.memory_space<vmem>>
      %dma_start3A_459 = arith.constant 0 : i32
      %dma_start3A_460 = arith.constant 0 : i32
      %dma_start3A_461 = tpu.memref_slice %arg2[%dma_start3A_459, %dma_start3A_460] : memref<10000x128xf32, #tpu.memory_space<hbm>> -> memref<10000x128xf32, #tpu.memory_space<hbm>>
      tpu.enqueue_indirect_dma source(%dma_start3A_461 : memref<10000x128xf32, #tpu.memory_space<hbm>>) target(%arg9 : memref<128x128xf32, #tpu.memory_space<vmem>>) offsets(%dma_start3A_458 : memref<128xi32, #tpu.memory_space<vmem>>) semaphore(%arg17 : memref<!tpu.dma_semaphore, #tpu.memory_space<semaphore_mem>>)
    }
    %scan3A_174 = arith.constant 24 : i32
    %dma_wait3A_175 = arith.constant 0 : i32
    %dma_wait3A_176 = arith.constant 0 : i32
    %dma_wait3A_177 = tpu.memref_slice %arg6[%dma_wait3A_175, %dma_wait3A_176] : memref<2x128xi32, #tpu.memory_space<vmem>> -> memref<1x128xi32, #tpu.memory_space<vmem>>
    %dma_wait3A_178 = tpu.memref_squeeze %dma_wait3A_177 : memref<1x128xi32, #tpu.memory_space<vmem>> -> memref<128xi32, #tpu.memory_space<vmem>>
    %dma_wait3A_179 = arith.constant 0 : i32
    %dma_wait3A_180 = arith.constant 0 : i32
    %dma_wait3A_181 = tpu.memref_slice %arg2[%dma_wait3A_179, %dma_wait3A_180] : memref<10000x128xf32, #tpu.memory_space<hbm>> -> memref<10000x128xf32, #tpu.memory_space<hbm>>
    tpu.wait_indirect_dma semaphore(%arg17 : memref<!tpu.dma_semaphore, #tpu.memory_space<semaphore_mem>>) src(%dma_wait3A_181 : memref<10000x128xf32, #tpu.memory_space<hbm>>) dst(%arg9 : memref<128x128xf32, #tpu.memory_space<vmem>>)
    %dma_start3A_182 = arith.constant 1 : i32
    %dma_start3A_183 = arith.constant 0 : i32
    %dma_start3A_184 = tpu.memref_slice %arg6[%dma_start3A_182, %dma_start3A_183] : memref<2x128xi32, #tpu.memory_space<vmem>> -> memref<1x128xi32, #tpu.memory_space<vmem>>
    %dma_start3A_185 = tpu.memref_squeeze %dma_start3A_184 : memref<1x128xi32, #tpu.memory_space<vmem>> -> memref<128xi32, #tpu.memory_space<vmem>>
    %dma_start3A_186 = arith.constant 0 : i32
    %dma_start3A_187 = arith.constant 0 : i32
    %dma_start3A_188 = tpu.memref_slice %arg13[%dma_start3A_186, %dma_start3A_187] : memref<10000x128xf32, #tpu.memory_space<vmem_shared>> -> memref<10000x128xf32, #tpu.memory_space<vmem_shared>>
    tpu.enqueue_indirect_dma source(%arg9 : memref<128x128xf32, #tpu.memory_space<vmem>>) target(%dma_start3A_188 : memref<10000x128xf32, #tpu.memory_space<vmem_shared>>) offsets(%dma_start3A_185 : memref<128xi32, #tpu.memory_space<vmem>>) semaphore(%arg20 : memref<!tpu.dma_semaphore, #tpu.memory_space<semaphore_mem>>) {add = true}
    %dma_wait3A_189 = arith.constant 1 : i32
    %dma_wait3A_190 = arith.constant 0 : i32
    %dma_wait3A_191 = tpu.memref_slice %arg8[%dma_wait3A_189, %dma_wait3A_190] : memref<2x128xi32, #tpu.memory_space<vmem>> -> memref<1x128xi32, #tpu.memory_space<vmem>>
    %dma_wait3A_192 = tpu.memref_squeeze %dma_wait3A_191 : memref<1x128xi32, #tpu.memory_space<vmem>> -> memref<128xi32, #tpu.memory_space<vmem>>
    %dma_wait3A_193 = arith.constant 0 : i32
    %dma_wait3A_194 = arith.constant 0 : i32
    %dma_wait3A_195 = tpu.memref_slice %arg13[%dma_wait3A_193, %dma_wait3A_194] : memref<10000x128xf32, #tpu.memory_space<vmem_shared>> -> memref<10000x128xf32, #tpu.memory_space<vmem_shared>>
    tpu.wait_indirect_dma semaphore(%arg22 : memref<!tpu.dma_semaphore, #tpu.memory_space<semaphore_mem>>) src(%arg11 : memref<128x128xf32, #tpu.memory_space<vmem>>) dst(%dma_wait3A_195 : memref<10000x128xf32, #tpu.memory_space<vmem_shared>>)
    %add3A_196 = arith.constant 77 : i32
    %add3A_197 = arith.addi %mul3A_15, %add3A_196 : i32
    %mul3A_198 = arith.constant 128 : i32
    %mul3A_199 = arith.muli %add3A_197, %mul3A_198 : i32
    %dma_start3A_200 = arith.constant 0 : i32
    %dma_start3A_201 = tpu.memref_slice %arg3[%dma_start3A_200, %mul3A_199] : memref<2x320000xi32, #tpu.memory_space<hbm>> -> memref<2x128xi32, #tpu.memory_space<hbm>>
    %dma_start3A_202 = arith.constant 0 : i32
    %dma_start3A_203 = tpu.memref_slice %arg3[%dma_start3A_202, %mul3A_199] : memref<2x320000xi32, #tpu.memory_space<hbm>> -> memref<2x128xi32, #tpu.memory_space<hbm>>
    tpu.enqueue_dma source(%dma_start3A_203 : memref<2x128xi32, #tpu.memory_space<hbm>>) target(%arg8 : memref<2x128xi32, #tpu.memory_space<vmem>>) target_semaphore(%arg16 : memref<!tpu.dma_semaphore, #tpu.memory_space<semaphore_mem>>)
    %add3A_204 = arith.constant 76 : i32
    %add3A_205 = arith.addi %mul3A_15, %add3A_204 : i32
    %mul3A_206 = arith.constant 128 : i32
    %mul3A_207 = arith.muli %add3A_205, %mul3A_206 : i32
    %dma_wait3A_208 = arith.constant 0 : i32
    %dma_wait3A_209 = tpu.memref_slice %arg3[%dma_wait3A_208, %mul3A_207] : memref<2x320000xi32, #tpu.memory_space<hbm>> -> memref<2x128xi32, #tpu.memory_space<hbm>>
    %dma_wait3A_210 = arith.constant 0 : i32
    %dma_wait3A_211 = tpu.memref_slice %arg3[%dma_wait3A_210, %mul3A_207] : memref<2x320000xi32, #tpu.memory_space<hbm>> -> memref<2x128xi32, #tpu.memory_space<hbm>>
    tpu.wait_dma2 semaphore(%arg15 : memref<!tpu.dma_semaphore, #tpu.memory_space<semaphore_mem>>) src(%dma_wait3A_211 : memref<2x128xi32, #tpu.memory_space<hbm>>) dst(%arg7 : memref<2x128xi32, #tpu.memory_space<vmem>>)
    %dma_start3A_212 = arith.constant 0 : i32
    %dma_start3A_213 = arith.constant 0 : i32
    %dma_start3A_214 = tpu.memref_slice %arg7[%dma_start3A_212, %dma_start3A_213] : memref<2x128xi32, #tpu.memory_space<vmem>> -> memref<1x128xi32, #tpu.memory_space<vmem>>
    %dma_start3A_215 = tpu.memref_squeeze %dma_start3A_214 : memref<1x128xi32, #tpu.memory_space<vmem>> -> memref<128xi32, #tpu.memory_space<vmem>>
    %dma_start3A_216 = arith.constant 0 : i32
    %dma_start3A_217 = arith.constant 0 : i32
    %dma_start3A_218 = tpu.memref_slice %arg2[%dma_start3A_216, %dma_start3A_217] : memref<10000x128xf32, #tpu.memory_space<hbm>> -> memref<10000x128xf32, #tpu.memory_space<hbm>>
    tpu.enqueue_indirect_dma source(%dma_start3A_218 : memref<10000x128xf32, #tpu.memory_space<hbm>>) target(%arg10 : memref<128x128xf32, #tpu.memory_space<vmem>>) offsets(%dma_start3A_215 : memref<128xi32, #tpu.memory_space<vmem>>) semaphore(%arg18 : memref<!tpu.dma_semaphore, #tpu.memory_space<semaphore_mem>>)
    %dma_wait3A_219 = arith.constant 0 : i32
    %dma_wait3A_220 = arith.constant 0 : i32
    %dma_wait3A_221 = tpu.memref_slice %arg7[%dma_wait3A_219, %dma_wait3A_220] : memref<2x128xi32, #tpu.memory_space<vmem>> -> memref<1x128xi32, #tpu.memory_space<vmem>>
    %dma_wait3A_222 = tpu.memref_squeeze %dma_wait3A_221 : memref<1x128xi32, #tpu.memory_space<vmem>> -> memref<128xi32, #tpu.memory_space<vmem>>
    %dma_wait3A_223 = arith.constant 0 : i32
    %dma_wait3A_224 = arith.constant 0 : i32
    %dma_wait3A_225 = tpu.memref_slice %arg2[%dma_wait3A_223, %dma_wait3A_224] : memref<10000x128xf32, #tpu.memory_space<hbm>> -> memref<10000x128xf32, #tpu.memory_space<hbm>>
    tpu.wait_indirect_dma semaphore(%arg18 : memref<!tpu.dma_semaphore, #tpu.memory_space<semaphore_mem>>) src(%dma_wait3A_225 : memref<10000x128xf32, #tpu.memory_space<hbm>>) dst(%arg10 : memref<128x128xf32, #tpu.memory_space<vmem>>)
    %dma_start3A_226 = arith.constant 1 : i32
    %dma_start3A_227 = arith.constant 0 : i32
    %dma_start3A_228 = tpu.memref_slice %arg7[%dma_start3A_226, %dma_start3A_227] : memref<2x128xi32, #tpu.memory_space<vmem>> -> memref<1x128xi32, #tpu.memory_space<vmem>>
    %dma_start3A_229 = tpu.memref_squeeze %dma_start3A_228 : memref<1x128xi32, #tpu.memory_space<vmem>> -> memref<128xi32, #tpu.memory_space<vmem>>
    %dma_start3A_230 = arith.constant 0 : i32
    %dma_start3A_231 = arith.constant 0 : i32
    %dma_start3A_232 = tpu.memref_slice %arg13[%dma_start3A_230, %dma_start3A_231] : memref<10000x128xf32, #tpu.memory_space<vmem_shared>> -> memref<10000x128xf32, #tpu.memory_space<vmem_shared>>
    tpu.enqueue_indirect_dma source(%arg10 : memref<128x128xf32, #tpu.memory_space<vmem>>) target(%dma_start3A_232 : memref<10000x128xf32, #tpu.memory_space<vmem_shared>>) offsets(%dma_start3A_229 : memref<128xi32, #tpu.memory_space<vmem>>) semaphore(%arg21 : memref<!tpu.dma_semaphore, #tpu.memory_space<semaphore_mem>>) {add = true}
    %dma_wait3A_233 = arith.constant 1 : i32
    %dma_wait3A_234 = arith.constant 0 : i32
    %dma_wait3A_235 = tpu.memref_slice %arg6[%dma_wait3A_233, %dma_wait3A_234] : memref<2x128xi32, #tpu.memory_space<vmem>> -> memref<1x128xi32, #tpu.memory_space<vmem>>
    %dma_wait3A_236 = tpu.memref_squeeze %dma_wait3A_235 : memref<1x128xi32, #tpu.memory_space<vmem>> -> memref<128xi32, #tpu.memory_space<vmem>>
    %dma_wait3A_237 = arith.constant 0 : i32
    %dma_wait3A_238 = arith.constant 0 : i32
    %dma_wait3A_239 = tpu.memref_slice %arg13[%dma_wait3A_237, %dma_wait3A_238] : memref<10000x128xf32, #tpu.memory_space<vmem_shared>> -> memref<10000x128xf32, #tpu.memory_space<vmem_shared>>
    tpu.wait_indirect_dma semaphore(%arg20 : memref<!tpu.dma_semaphore, #tpu.memory_space<semaphore_mem>>) src(%arg9 : memref<128x128xf32, #tpu.memory_space<vmem>>) dst(%dma_wait3A_239 : memref<10000x128xf32, #tpu.memory_space<vmem_shared>>)
    %add3A_240 = arith.constant 77 : i32
    %add3A_241 = arith.addi %mul3A_15, %add3A_240 : i32
    %mul3A_242 = arith.constant 128 : i32
    %mul3A_243 = arith.muli %add3A_241, %mul3A_242 : i32
    %dma_wait3A_244 = arith.constant 0 : i32
    %dma_wait3A_245 = tpu.memref_slice %arg3[%dma_wait3A_244, %mul3A_243] : memref<2x320000xi32, #tpu.memory_space<hbm>> -> memref<2x128xi32, #tpu.memory_space<hbm>>
    %dma_wait3A_246 = arith.constant 0 : i32
    %dma_wait3A_247 = tpu.memref_slice %arg3[%dma_wait3A_246, %mul3A_243] : memref<2x320000xi32, #tpu.memory_space<hbm>> -> memref<2x128xi32, #tpu.memory_space<hbm>>
    tpu.wait_dma2 semaphore(%arg16 : memref<!tpu.dma_semaphore, #tpu.memory_space<semaphore_mem>>) src(%dma_wait3A_247 : memref<2x128xi32, #tpu.memory_space<hbm>>) dst(%arg8 : memref<2x128xi32, #tpu.memory_space<vmem>>)
    %dma_start3A_248 = arith.constant 0 : i32
    %dma_start3A_249 = arith.constant 0 : i32
    %dma_start3A_250 = tpu.memref_slice %arg8[%dma_start3A_248, %dma_start3A_249] : memref<2x128xi32, #tpu.memory_space<vmem>> -> memref<1x128xi32, #tpu.memory_space<vmem>>
    %dma_start3A_251 = tpu.memref_squeeze %dma_start3A_250 : memref<1x128xi32, #tpu.memory_space<vmem>> -> memref<128xi32, #tpu.memory_space<vmem>>
    %dma_start3A_252 = arith.constant 0 : i32
    %dma_start3A_253 = arith.constant 0 : i32
    %dma_start3A_254 = tpu.memref_slice %arg2[%dma_start3A_252, %dma_start3A_253] : memref<10000x128xf32, #tpu.memory_space<hbm>> -> memref<10000x128xf32, #tpu.memory_space<hbm>>
    tpu.enqueue_indirect_dma source(%dma_start3A_254 : memref<10000x128xf32, #tpu.memory_space<hbm>>) target(%arg11 : memref<128x128xf32, #tpu.memory_space<vmem>>) offsets(%dma_start3A_251 : memref<128xi32, #tpu.memory_space<vmem>>) semaphore(%arg19 : memref<!tpu.dma_semaphore, #tpu.memory_space<semaphore_mem>>)
    %dma_wait3A_255 = arith.constant 0 : i32
    %dma_wait3A_256 = arith.constant 0 : i32
    %dma_wait3A_257 = tpu.memref_slice %arg8[%dma_wait3A_255, %dma_wait3A_256] : memref<2x128xi32, #tpu.memory_space<vmem>> -> memref<1x128xi32, #tpu.memory_space<vmem>>
    %dma_wait3A_258 = tpu.memref_squeeze %dma_wait3A_257 : memref<1x128xi32, #tpu.memory_space<vmem>> -> memref<128xi32, #tpu.memory_space<vmem>>
    %dma_wait3A_259 = arith.constant 0 : i32
    %dma_wait3A_260 = arith.constant 0 : i32
    %dma_wait3A_261 = tpu.memref_slice %arg2[%dma_wait3A_259, %dma_wait3A_260] : memref<10000x128xf32, #tpu.memory_space<hbm>> -> memref<10000x128xf32, #tpu.memory_space<hbm>>
    tpu.wait_indirect_dma semaphore(%arg19 : memref<!tpu.dma_semaphore, #tpu.memory_space<semaphore_mem>>) src(%dma_wait3A_261 : memref<10000x128xf32, #tpu.memory_space<hbm>>) dst(%arg11 : memref<128x128xf32, #tpu.memory_space<vmem>>)
    %dma_start3A_262 = arith.constant 1 : i32
    %dma_start3A_263 = arith.constant 0 : i32
    %dma_start3A_264 = tpu.memref_slice %arg8[%dma_start3A_262, %dma_start3A_263] : memref<2x128xi32, #tpu.memory_space<vmem>> -> memref<1x128xi32, #tpu.memory_space<vmem>>
    %dma_start3A_265 = tpu.memref_squeeze %dma_start3A_264 : memref<1x128xi32, #tpu.memory_space<vmem>> -> memref<128xi32, #tpu.memory_space<vmem>>
    %dma_start3A_266 = arith.constant 0 : i32
    %dma_start3A_267 = arith.constant 0 : i32
    %dma_start3A_268 = tpu.memref_slice %arg13[%dma_start3A_266, %dma_start3A_267] : memref<10000x128xf32, #tpu.memory_space<vmem_shared>> -> memref<10000x128xf32, #tpu.memory_space<vmem_shared>>
    tpu.enqueue_indirect_dma source(%arg11 : memref<128x128xf32, #tpu.memory_space<vmem>>) target(%dma_start3A_268 : memref<10000x128xf32, #tpu.memory_space<vmem_shared>>) offsets(%dma_start3A_265 : memref<128xi32, #tpu.memory_space<vmem>>) semaphore(%arg22 : memref<!tpu.dma_semaphore, #tpu.memory_space<semaphore_mem>>) {add = true}
    %dma_wait3A_269 = arith.constant 1 : i32
    %dma_wait3A_270 = arith.constant 0 : i32
    %dma_wait3A_271 = tpu.memref_slice %arg7[%dma_wait3A_269, %dma_wait3A_270] : memref<2x128xi32, #tpu.memory_space<vmem>> -> memref<1x128xi32, #tpu.memory_space<vmem>>
    %dma_wait3A_272 = tpu.memref_squeeze %dma_wait3A_271 : memref<1x128xi32, #tpu.memory_space<vmem>> -> memref<128xi32, #tpu.memory_space<vmem>>
    %dma_wait3A_273 = arith.constant 0 : i32
    %dma_wait3A_274 = arith.constant 0 : i32
    %dma_wait3A_275 = tpu.memref_slice %arg13[%dma_wait3A_273, %dma_wait3A_274] : memref<10000x128xf32, #tpu.memory_space<vmem_shared>> -> memref<10000x128xf32, #tpu.memory_space<vmem_shared>>
    tpu.wait_indirect_dma semaphore(%arg21 : memref<!tpu.dma_semaphore, #tpu.memory_space<semaphore_mem>>) src(%arg10 : memref<128x128xf32, #tpu.memory_space<vmem>>) dst(%dma_wait3A_275 : memref<10000x128xf32, #tpu.memory_space<vmem_shared>>)
    %dma_wait3A_276 = arith.constant 1 : i32
    %dma_wait3A_277 = arith.constant 0 : i32
    %dma_wait3A_278 = tpu.memref_slice %arg8[%dma_wait3A_276, %dma_wait3A_277] : memref<2x128xi32, #tpu.memory_space<vmem>> -> memref<1x128xi32, #tpu.memory_space<vmem>>
    %dma_wait3A_279 = tpu.memref_squeeze %dma_wait3A_278 : memref<1x128xi32, #tpu.memory_space<vmem>> -> memref<128xi32, #tpu.memory_space<vmem>>
    %dma_wait3A_280 = arith.constant 0 : i32
    %dma_wait3A_281 = arith.constant 0 : i32
    %dma_wait3A_282 = tpu.memref_slice %arg13[%dma_wait3A_280, %dma_wait3A_281] : memref<10000x128xf32, #tpu.memory_space<vmem_shared>> -> memref<10000x128xf32, #tpu.memory_space<vmem_shared>>
    tpu.wait_indirect_dma semaphore(%arg22 : memref<!tpu.dma_semaphore, #tpu.memory_space<semaphore_mem>>) src(%arg11 : memref<128x128xf32, #tpu.memory_space<vmem>>) dst(%dma_wait3A_282 : memref<10000x128xf32, #tpu.memory_space<vmem_shared>>)
    %lt3A = arith.constant 2 : i32
    %lt3A_283 = arith.cmpi slt, %arg1, %lt3A : i32
    %convert_element_type3A_284 = arith.extui %lt3A_283 : i1 to i32
    %cond3A_285 = arith.constant 0 : i32
    %cond3A_286 = arith.cmpi ne, %convert_element_type3A_284, %cond3A_285 : i32
    scf.if %cond3A_286 {
      %mul3A_298 = arith.constant 2 : i32
      %mul3A_299 = arith.muli %arg0, %mul3A_298 : i32
      %add3A_300 = arith.constant 2496 : i32
      %add3A_301 = arith.addi %add3A_300, %mul3A_299 : i32
      %add3A_302 = arith.addi %add3A_301, %arg1 : i32
      %mul3A_303 = arith.constant 128 : i32
      %mul3A_304 = arith.muli %add3A_302, %mul3A_303 : i32
      "tpu.region"() ({
        %run_scoped3A_319 = tpu.sem_alloc : memref<!tpu.dma_semaphore, #tpu.memory_space<semaphore_mem>>
        %dma_start3A_320 = arith.constant 0 : i32
        %dma_start3A_321 = tpu.memref_slice %arg3[%dma_start3A_320, %mul3A_304] : memref<2x320000xi32, #tpu.memory_space<hbm>> -> memref<2x128xi32, #tpu.memory_space<hbm>>
        %dma_start3A_322 = arith.constant 0 : i32
        %dma_start3A_323 = tpu.memref_slice %arg3[%dma_start3A_322, %mul3A_304] : memref<2x320000xi32, #tpu.memory_space<hbm>> -> memref<2x128xi32, #tpu.memory_space<hbm>>
        tpu.enqueue_dma source(%dma_start3A_323 : memref<2x128xi32, #tpu.memory_space<hbm>>) target(%arg6 : memref<2x128xi32, #tpu.memory_space<vmem>>) target_semaphore(%run_scoped3A_319 : memref<!tpu.dma_semaphore, #tpu.memory_space<semaphore_mem>>)
        %dma_wait3A_324 = arith.constant 0 : i32
        %dma_wait3A_325 = tpu.memref_slice %arg3[%dma_wait3A_324, %mul3A_304] : memref<2x320000xi32, #tpu.memory_space<hbm>> -> memref<2x128xi32, #tpu.memory_space<hbm>>
        %dma_wait3A_326 = arith.constant 0 : i32
        %dma_wait3A_327 = tpu.memref_slice %arg3[%dma_wait3A_326, %mul3A_304] : memref<2x320000xi32, #tpu.memory_space<hbm>> -> memref<2x128xi32, #tpu.memory_space<hbm>>
        tpu.wait_dma2 semaphore(%run_scoped3A_319 : memref<!tpu.dma_semaphore, #tpu.memory_space<semaphore_mem>>) src(%dma_wait3A_327 : memref<2x128xi32, #tpu.memory_space<hbm>>) dst(%arg6 : memref<2x128xi32, #tpu.memory_space<vmem>>)
        tpu.yield
      }) : () -> ()
      %dma_start3A_305 = arith.constant 0 : i32
      %dma_start3A_306 = arith.constant 0 : i32
      %dma_start3A_307 = tpu.memref_slice %arg6[%dma_start3A_305, %dma_start3A_306] : memref<2x128xi32, #tpu.memory_space<vmem>> -> memref<1x128xi32, #tpu.memory_space<vmem>>
      %dma_start3A_308 = tpu.memref_squeeze %dma_start3A_307 : memref<1x128xi32, #tpu.memory_space<vmem>> -> memref<128xi32, #tpu.memory_space<vmem>>
      %dma_start3A_309 = arith.constant 0 : i32
      %dma_start3A_310 = arith.constant 0 : i32
      %dma_start3A_311 = tpu.memref_slice %arg2[%dma_start3A_309, %dma_start3A_310] : memref<10000x128xf32, #tpu.memory_space<hbm>> -> memref<10000x128xf32, #tpu.memory_space<hbm>>
      tpu.enqueue_indirect_dma source(%dma_start3A_311 : memref<10000x128xf32, #tpu.memory_space<hbm>>) target(%arg9 : memref<128x128xf32, #tpu.memory_space<vmem>>) offsets(%dma_start3A_308 : memref<128xi32, #tpu.memory_space<vmem>>) semaphore(%arg17 : memref<!tpu.dma_semaphore, #tpu.memory_space<semaphore_mem>>)
      %dma_wait3A_312 = arith.constant 0 : i32
      %dma_wait3A_313 = arith.constant 0 : i32
      %dma_wait3A_314 = tpu.memref_slice %arg6[%dma_wait3A_312, %dma_wait3A_313] : memref<2x128xi32, #tpu.memory_space<vmem>> -> memref<1x128xi32, #tpu.memory_space<vmem>>
      %dma_wait3A_315 = tpu.memref_squeeze %dma_wait3A_314 : memref<1x128xi32, #tpu.memory_space<vmem>> -> memref<128xi32, #tpu.memory_space<vmem>>
      %dma_wait3A_316 = arith.constant 0 : i32
      %dma_wait3A_317 = arith.constant 0 : i32
      %dma_wait3A_318 = tpu.memref_slice %arg2[%dma_wait3A_316, %dma_wait3A_317] : memref<10000x128xf32, #tpu.memory_space<hbm>> -> memref<10000x128xf32, #tpu.memory_space<hbm>>
      tpu.wait_indirect_dma semaphore(%arg17 : memref<!tpu.dma_semaphore, #tpu.memory_space<semaphore_mem>>) src(%dma_wait3A_318 : memref<10000x128xf32, #tpu.memory_space<hbm>>) dst(%arg9 : memref<128x128xf32, #tpu.memory_space<vmem>>)
      %run_scoped3A = arith.constant 1 : i32
      "tpu.region"() ({
        %run_scoped3A_319 = tpu.sem_alloc : memref<!tpu.dma_semaphore, #tpu.memory_space<semaphore_mem>>
        %dma_start3A_320 = arith.constant 0 : i32
        %dma_start3A_321 = tpu.memref_slice %arg6[%run_scoped3A, %dma_start3A_320] : memref<2x128xi32, #tpu.memory_space<vmem>> -> memref<1x128xi32, #tpu.memory_space<vmem>>
        %dma_start3A_322 = tpu.memref_squeeze %dma_start3A_321 : memref<1x128xi32, #tpu.memory_space<vmem>> -> memref<128xi32, #tpu.memory_space<vmem>>
        %dma_start3A_323 = arith.constant 0 : i32
        %dma_start3A_324 = arith.constant 0 : i32
        %dma_start3A_325 = tpu.memref_slice %arg13[%dma_start3A_323, %dma_start3A_324] : memref<10000x128xf32, #tpu.memory_space<vmem_shared>> -> memref<10000x128xf32, #tpu.memory_space<vmem_shared>>
        tpu.enqueue_indirect_dma source(%arg9 : memref<128x128xf32, #tpu.memory_space<vmem>>) target(%dma_start3A_325 : memref<10000x128xf32, #tpu.memory_space<vmem_shared>>) offsets(%dma_start3A_322 : memref<128xi32, #tpu.memory_space<vmem>>) semaphore(%run_scoped3A_319 : memref<!tpu.dma_semaphore, #tpu.memory_space<semaphore_mem>>) {add = true}
        %dma_wait3A_326 = arith.constant 0 : i32
        %dma_wait3A_327 = tpu.memref_slice %arg6[%run_scoped3A, %dma_wait3A_326] : memref<2x128xi32, #tpu.memory_space<vmem>> -> memref<1x128xi32, #tpu.memory_space<vmem>>
        %dma_wait3A_328 = tpu.memref_squeeze %dma_wait3A_327 : memref<1x128xi32, #tpu.memory_space<vmem>> -> memref<128xi32, #tpu.memory_space<vmem>>
        %dma_wait3A_329 = arith.constant 0 : i32
        %dma_wait3A_330 = arith.constant 0 : i32
        %dma_wait3A_331 = tpu.memref_slice %arg13[%dma_wait3A_329, %dma_wait3A_330] : memref<10000x128xf32, #tpu.memory_space<vmem_shared>> -> memref<10000x128xf32, #tpu.memory_space<vmem_shared>>
        tpu.wait_indirect_dma semaphore(%run_scoped3A_319 : memref<!tpu.dma_semaphore, #tpu.memory_space<semaphore_mem>>) src(%arg9 : memref<128x128xf32, #tpu.memory_space<vmem>>) dst(%dma_wait3A_331 : memref<10000x128xf32, #tpu.memory_space<vmem_shared>>)
        tpu.yield
      }) : () -> ()
    } else {
    }
    %barrier3A_287 = arith.constant 0 : index
    tpu.barrier barrier_id(%barrier3A_287)
    %eq3A_288 = arith.constant 0 : i32
    %eq3A_289 = arith.cmpi eq, %arg0, %eq3A_288 : i32
    %convert_element_type3A_290 = arith.extui %eq3A_289 : i1 to i32
    %cond3A_291 = arith.constant 0 : i32
    %cond3A_292 = arith.cmpi ne, %convert_element_type3A_290, %cond3A_291 : i32
    scf.if %cond3A_292 {
      "tpu.region"() ({
        %run_scoped3A = tpu.sem_alloc : memref<!tpu.dma_semaphore, #tpu.memory_space<semaphore_mem>>
        %dma_start3A_303 = arith.constant 0 : i32
        %dma_start3A_304 = tpu.memref_slice %arg4[%mul3A_4, %dma_start3A_303] : memref<10000x128xf32, #tpu.memory_space<hbm>> -> memref<624x128xf32, #tpu.memory_space<hbm>>
        %dma_start3A_305 = arith.constant 0 : i32
        %dma_start3A_306 = tpu.memref_slice %arg13[%mul3A_4, %dma_start3A_305] : memref<10000x128xf32, #tpu.memory_space<vmem_shared>> -> memref<624x128xf32, #tpu.memory_space<vmem_shared>>
        tpu.enqueue_dma source(%dma_start3A_306 : memref<624x128xf32, #tpu.memory_space<vmem_shared>>) target(%dma_start3A_304 : memref<624x128xf32, #tpu.memory_space<hbm>>) target_semaphore(%run_scoped3A : memref<!tpu.dma_semaphore, #tpu.memory_space<semaphore_mem>>)
        %dma_wait3A_307 = arith.constant 0 : i32
        %dma_wait3A_308 = tpu.memref_slice %arg4[%mul3A_4, %dma_wait3A_307] : memref<10000x128xf32, #tpu.memory_space<hbm>> -> memref<624x128xf32, #tpu.memory_space<hbm>>
        %dma_wait3A_309 = arith.constant 0 : i32
        %dma_wait3A_310 = tpu.memref_slice %arg13[%mul3A_4, %dma_wait3A_309] : memref<10000x128xf32, #tpu.memory_space<vmem_shared>> -> memref<624x128xf32, #tpu.memory_space<vmem_shared>>
        tpu.wait_dma2 semaphore(%run_scoped3A : memref<!tpu.dma_semaphore, #tpu.memory_space<semaphore_mem>>) src(%dma_wait3A_310 : memref<624x128xf32, #tpu.memory_space<vmem_shared>>) dst(%dma_wait3A_308 : memref<624x128xf32, #tpu.memory_space<hbm>>)
        tpu.yield
      }) : () -> ()
      %eq3A_298 = arith.constant 15 : i32
      %eq3A_299 = arith.cmpi eq, %arg1, %eq3A_298 : i32
      %convert_element_type3A_300 = arith.extui %eq3A_299 : i1 to i32
      %cond3A_301 = arith.constant 0 : i32
      %cond3A_302 = arith.cmpi ne, %convert_element_type3A_300, %cond3A_301 : i32
      scf.if %cond3A_302 {
        "tpu.region"() ({
          %run_scoped3A = tpu.sem_alloc : memref<!tpu.dma_semaphore, #tpu.memory_space<semaphore_mem>>
          %dma_start3A_303 = arith.constant 9984 : i32
          %dma_start3A_304 = arith.constant 0 : i32
          %dma_start3A_305 = tpu.memref_slice %arg4[%dma_start3A_303, %dma_start3A_304] : memref<10000x128xf32, #tpu.memory_space<hbm>> -> memref<16x128xf32, #tpu.memory_space<hbm>>
          %dma_start3A_306 = arith.constant 9984 : i32
          %dma_start3A_307 = arith.constant 0 : i32
          %dma_start3A_308 = tpu.memref_slice %arg13[%dma_start3A_306, %dma_start3A_307] : memref<10000x128xf32, #tpu.memory_space<vmem_shared>> -> memref<16x128xf32, #tpu.memory_space<vmem_shared>>
          tpu.enqueue_dma source(%dma_start3A_308 : memref<16x128xf32, #tpu.memory_space<vmem_shared>>) target(%dma_start3A_305 : memref<16x128xf32, #tpu.memory_space<hbm>>) target_semaphore(%run_scoped3A : memref<!tpu.dma_semaphore, #tpu.memory_space<semaphore_mem>>)
          %dma_wait3A_309 = arith.constant 9984 : i32
          %dma_wait3A_310 = arith.constant 0 : i32
          %dma_wait3A_311 = tpu.memref_slice %arg4[%dma_wait3A_309, %dma_wait3A_310] : memref<10000x128xf32, #tpu.memory_space<hbm>> -> memref<16x128xf32, #tpu.memory_space<hbm>>
          %dma_wait3A_312 = arith.constant 9984 : i32
          %dma_wait3A_313 = arith.constant 0 : i32
          %dma_wait3A_314 = tpu.memref_slice %arg13[%dma_wait3A_312, %dma_wait3A_313] : memref<10000x128xf32, #tpu.memory_space<vmem_shared>> -> memref<16x128xf32, #tpu.memory_space<vmem_shared>>
          tpu.wait_dma2 semaphore(%run_scoped3A : memref<!tpu.dma_semaphore, #tpu.memory_space<semaphore_mem>>) src(%dma_wait3A_314 : memref<16x128xf32, #tpu.memory_space<vmem_shared>>) dst(%dma_wait3A_311 : memref<16x128xf32, #tpu.memory_space<hbm>>)
          tpu.yield
        }) : () -> ()
      } else {
      }
    } else {
    }
    %eq3A_293 = arith.constant 1 : i32
    %eq3A_294 = arith.cmpi eq, %arg0, %eq3A_293 : i32
    %convert_element_type3A_295 = arith.extui %eq3A_294 : i1 to i32
    %cond3A_296 = arith.constant 0 : i32
    %cond3A_297 = arith.cmpi ne, %convert_element_type3A_295, %cond3A_296 : i32
    scf.if %cond3A_297 {
      "tpu.region"() ({
        %run_scoped3A = tpu.sem_alloc : memref<!tpu.dma_semaphore, #tpu.memory_space<semaphore_mem>>
        %dma_start3A_303 = arith.constant 0 : i32
        %dma_start3A_304 = tpu.memref_slice %arg5[%mul3A_4, %dma_start3A_303] : memref<10000x128xf32, #tpu.memory_space<hbm>> -> memref<624x128xf32, #tpu.memory_space<hbm>>
        %dma_start3A_305 = arith.constant 0 : i32
        %dma_start3A_306 = tpu.memref_slice %arg13[%mul3A_4, %dma_start3A_305] : memref<10000x128xf32, #tpu.memory_space<vmem_shared>> -> memref<624x128xf32, #tpu.memory_space<vmem_shared>>
        tpu.enqueue_dma source(%dma_start3A_306 : memref<624x128xf32, #tpu.memory_space<vmem_shared>>) target(%dma_start3A_304 : memref<624x128xf32, #tpu.memory_space<hbm>>) target_semaphore(%run_scoped3A : memref<!tpu.dma_semaphore, #tpu.memory_space<semaphore_mem>>)
        %dma_wait3A_307 = arith.constant 0 : i32
        %dma_wait3A_308 = tpu.memref_slice %arg5[%mul3A_4, %dma_wait3A_307] : memref<10000x128xf32, #tpu.memory_space<hbm>> -> memref<624x128xf32, #tpu.memory_space<hbm>>
        %dma_wait3A_309 = arith.constant 0 : i32
        %dma_wait3A_310 = tpu.memref_slice %arg13[%mul3A_4, %dma_wait3A_309] : memref<10000x128xf32, #tpu.memory_space<vmem_shared>> -> memref<624x128xf32, #tpu.memory_space<vmem_shared>>
        tpu.wait_dma2 semaphore(%run_scoped3A : memref<!tpu.dma_semaphore, #tpu.memory_space<semaphore_mem>>) src(%dma_wait3A_310 : memref<624x128xf32, #tpu.memory_space<vmem_shared>>) dst(%dma_wait3A_308 : memref<624x128xf32, #tpu.memory_space<hbm>>)
        tpu.yield
      }) : () -> ()
      %eq3A_298 = arith.constant 15 : i32
      %eq3A_299 = arith.cmpi eq, %arg1, %eq3A_298 : i32
      %convert_element_type3A_300 = arith.extui %eq3A_299 : i1 to i32
      %cond3A_301 = arith.constant 0 : i32
      %cond3A_302 = arith.cmpi ne, %convert_element_type3A_300, %cond3A_301 : i32
      scf.if %cond3A_302 {
        "tpu.region"() ({
          %run_scoped3A = tpu.sem_alloc : memref<!tpu.dma_semaphore, #tpu.memory_space<semaphore_mem>>
          %dma_start3A_303 = arith.constant 9984 : i32
          %dma_start3A_304 = arith.constant 0 : i32
          %dma_start3A_305 = tpu.memref_slice %arg5[%dma_start3A_303, %dma_start3A_304] : memref<10000x128xf32, #tpu.memory_space<hbm>> -> memref<16x128xf32, #tpu.memory_space<hbm>>
          %dma_start3A_306 = arith.constant 9984 : i32
          %dma_start3A_307 = arith.constant 0 : i32
          %dma_start3A_308 = tpu.memref_slice %arg13[%dma_start3A_306, %dma_start3A_307] : memref<10000x128xf32, #tpu.memory_space<vmem_shared>> -> memref<16x128xf32, #tpu.memory_space<vmem_shared>>
          tpu.enqueue_dma source(%dma_start3A_308 : memref<16x128xf32, #tpu.memory_space<vmem_shared>>) target(%dma_start3A_305 : memref<16x128xf32, #tpu.memory_space<hbm>>) target_semaphore(%run_scoped3A : memref<!tpu.dma_semaphore, #tpu.memory_space<semaphore_mem>>)
          %dma_wait3A_309 = arith.constant 9984 : i32
          %dma_wait3A_310 = arith.constant 0 : i32
          %dma_wait3A_311 = tpu.memref_slice %arg5[%dma_wait3A_309, %dma_wait3A_310] : memref<10000x128xf32, #tpu.memory_space<hbm>> -> memref<16x128xf32, #tpu.memory_space<hbm>>
          %dma_wait3A_312 = arith.constant 9984 : i32
          %dma_wait3A_313 = arith.constant 0 : i32
          %dma_wait3A_314 = tpu.memref_slice %arg13[%dma_wait3A_312, %dma_wait3A_313] : memref<10000x128xf32, #tpu.memory_space<vmem_shared>> -> memref<16x128xf32, #tpu.memory_space<vmem_shared>>
          tpu.wait_dma2 semaphore(%run_scoped3A : memref<!tpu.dma_semaphore, #tpu.memory_space<semaphore_mem>>) src(%dma_wait3A_314 : memref<16x128xf32, #tpu.memory_space<vmem_shared>>) dst(%dma_wait3A_311 : memref<16x128xf32, #tpu.memory_space<hbm>>)
          tpu.yield
        }) : () -> ()
      } else {
      }
    } else {
    }
    return
  }
}

#map = affine_map<(d0, d1) -> (0, 0)>
module attributes {stable_mosaic.version = 14 : i64} {
  func.func @k(%arg0: i32, %arg1: i32, %arg2: memref<10000x128xf32, #tpu.memory_space<hbm>>, %arg3: memref<2x320000xi32, #tpu.memory_space<hbm>>, %arg4: memref<10000x128xf32, #tpu.memory_space<hbm>>, %arg5: memref<10000x128xf32, #tpu.memory_space<hbm>>, %arg6: memref<2x128xi32, #tpu.memory_space<vmem>>, %arg7: memref<2x128xi32, #tpu.memory_space<vmem>>, %arg8: memref<2x128xi32, #tpu.memory_space<vmem>>, %arg9: memref<128x128xf32, #tpu.memory_space<vmem>>, %arg10: memref<128x128xf32, #tpu.memory_space<vmem>>, %arg11: memref<128x128xf32, #tpu.memory_space<vmem>>, %arg12: memref<8x128xf32, #tpu.memory_space<vmem>>, %arg13: memref<10000x128xf32, #tpu.memory_space<vmem_shared>>, %arg14: memref<!tpu.dma_semaphore, #tpu.memory_space<semaphore_mem>>, %arg15: memref<!tpu.dma_semaphore, #tpu.memory_space<semaphore_mem>>, %arg16: memref<!tpu.dma_semaphore, #tpu.memory_space<semaphore_mem>>, %arg17: memref<!tpu.dma_semaphore, #tpu.memory_space<semaphore_mem>>, %arg18: memref<!tpu.dma_semaphore, #tpu.memory_space<semaphore_mem>>, %arg19: memref<!tpu.dma_semaphore, #tpu.memory_space<semaphore_mem>>, %arg20: memref<!tpu.dma_semaphore, #tpu.memory_space<semaphore_mem>>, %arg21: memref<!tpu.dma_semaphore, #tpu.memory_space<semaphore_mem>>, %arg22: memref<!tpu.dma_semaphore, #tpu.memory_space<semaphore_mem>>) attributes {dimension_semantics = [#tpu.dimension_semantics<core_parallel>, #tpu.dimension_semantics<subcore_parallel>], iteration_bounds = array<i64: 2, 16>, scalar_prefetch = 0 : i64, scratch_operands = 17 : i64, tpu.core_type = #tpu.core_type<sc_vector_subcore>, window_params = [{transform_indices = #map}, {transform_indices = #map}, {transform_indices = #map}, {transform_indices = #map}]} {
    %scan3A = arith.constant 0 : i32
    %scan3A_0 = arith.constant 8 : i32
    %scan3A_1 = arith.addi %scan3A, %scan3A_0 : i32
    %scan3A_2 = arith.constant 1 : i32
    scf.for %scan3A_298 = %scan3A to %scan3A_1 step %scan3A_2  : i32 {
      %mul3A_299 = arith.constant 1 : i32
      %mul3A_300 = arith.muli %scan3A_298, %mul3A_299 : i32
      %add3A_301 = arith.constant 0 : i32
      %add3A_302 = arith.addi %add3A_301, %mul3A_300 : i32
      %scan3A_303 = arith.constant 0 : i32
      %scan3A_304 = arith.constant 8 : i32
      %scan3A_305 = arith.addi %scan3A_303, %scan3A_304 : i32
      %scan3A_306 = arith.constant 1 : i32
      scf.for %scan3A_308 = %scan3A_303 to %scan3A_305 step %scan3A_306  : i32 {
        %mul3A_309 = arith.constant 16 : i32
        %mul3A_310 = arith.muli %scan3A_308, %mul3A_309 : i32
        %add3A_311 = arith.constant 0 : i32
        %add3A_312 = arith.addi %add3A_311, %mul3A_310 : i32
        %broadcast_in_dim3A = arith.constant 0.000000e+00 : f32
        %broadcast_in_dim3A_313 = vector.broadcast %broadcast_in_dim3A : f32 to vector<16xf32>
        %swap3A = arith.index_cast %add3A_302 : i32 to index
        %swap3A_314 = arith.index_cast %add3A_312 : i32 to index
        %swap3A_315 = tpu.vector_load %arg12[%swap3A, %swap3A_314] {strides = array<i32>} : memref<8x128xf32, #tpu.memory_space<vmem>>, vector<1x16xf32>,
        %swap3A_316 = vector.shape_cast %swap3A_315 : vector<1x16xf32> to vector<16xf32>
        %swap3A_317 = vector.shape_cast %broadcast_in_dim3A_313 : vector<16xf32> to vector<1x16xf32>
        tpu.vector_store %arg12[%swap3A, %swap3A_314], %swap3A_317 {strides = array<i32>} : memref<8x128xf32, #tpu.memory_space<vmem>>, vector<1x16xf32>,
      }
      %scan3A_307 = arith.constant 8 : i32
    }
    %scan3A_3 = arith.constant 8 : i32
    %mul3A = arith.constant 624 : i32
    %mul3A_4 = arith.muli %arg1, %mul3A : i32
    %scan3A_5 = arith.constant 0 : i32
    %scan3A_6 = arith.constant 78 : i32
    %scan3A_7 = arith.addi %scan3A_5, %scan3A_6 : i32
    %scan3A_8 = arith.constant 1 : i32
    scf.for %scan3A_298 = %scan3A_5 to %scan3A_7 step %scan3A_8  : i32 {
      %mul3A_299 = arith.constant 8 : i32
      %mul3A_300 = arith.muli %scan3A_298, %mul3A_299 : i32
      %add3A_301 = arith.constant 0 : i32
      %add3A_302 = arith.addi %add3A_301, %mul3A_300 : i32
      %add3A_303 = arith.addi %mul3A_4, %add3A_302 : i32
      "tpu.region"() ({
        %run_scoped3A = tpu.sem_alloc : memref<!tpu.dma_semaphore, #tpu.memory_space<semaphore_mem>>
        %dma_start3A_304 = arith.constant 0 : i32
        %dma_start3A_305 = tpu.memref_slice %arg13[%add3A_303, %dma_start3A_304] : memref<10000x128xf32, #tpu.memory_space<vmem_shared>> -> memref<8x128xf32, #tpu.memory_space<vmem_shared>>
        %dma_start3A_306 = arith.constant 0 : i32
        %dma_start3A_307 = tpu.memref_slice %arg13[%add3A_303, %dma_start3A_306] : memref<10000x128xf32, #tpu.memory_space<vmem_shared>> -> memref<8x128xf32, #tpu.memory_space<vmem_shared>>
        tpu.enqueue_dma source(%arg12 : memref<8x128xf32, #tpu.memory_space<vmem>>) target(%dma_start3A_307 : memref<8x128xf32, #tpu.memory_space<vmem_shared>>) target_semaphore(%run_scoped3A : memref<!tpu.dma_semaphore, #tpu.memory_space<semaphore_mem>>)
        %dma_wait3A_308 = arith.constant 0 : i32
        %dma_wait3A_309 = tpu.memref_slice %arg13[%add3A_303, %dma_wait3A_308] : memref<10000x128xf32, #tpu.memory_space<vmem_shared>> -> memref<8x128xf32, #tpu.memory_space<vmem_shared>>
        %dma_wait3A_310 = arith.constant 0 : i32
        %dma_wait3A_311 = tpu.memref_slice %arg13[%add3A_303, %dma_wait3A_310] : memref<10000x128xf32, #tpu.memory_space<vmem_shared>> -> memref<8x128xf32, #tpu.memory_space<vmem_shared>>
        tpu.wait_dma2 semaphore(%run_scoped3A : memref<!tpu.dma_semaphore, #tpu.memory_space<semaphore_mem>>) src(%arg12 : memref<8x128xf32, #tpu.memory_space<vmem>>) dst(%dma_wait3A_311 : memref<8x128xf32, #tpu.memory_space<vmem_shared>>)
        tpu.yield
      }) : () -> ()
    }
    %scan3A_9 = arith.constant 78 : i32
    %eq3A = arith.constant 15 : i32
    %eq3A_10 = arith.cmpi eq, %arg1, %eq3A : i32
    %convert_element_type3A = arith.extui %eq3A_10 : i1 to i32
    %cond3A = arith.constant 0 : i32
    %cond3A_11 = arith.cmpi ne, %convert_element_type3A, %cond3A : i32
    scf.if %cond3A_11 {
      %scan3A_298 = arith.constant 0 : i32
      %scan3A_299 = arith.constant 2 : i32
      %scan3A_300 = arith.addi %scan3A_298, %scan3A_299 : i32
      %scan3A_301 = arith.constant 1 : i32
      scf.for %scan3A_303 = %scan3A_298 to %scan3A_300 step %scan3A_301  : i32 {
        %mul3A_304 = arith.constant 8 : i32
        %mul3A_305 = arith.muli %scan3A_303, %mul3A_304 : i32
        %add3A_306 = arith.constant 0 : i32
        %add3A_307 = arith.addi %add3A_306, %mul3A_305 : i32
        %add3A_308 = arith.constant 9984 : i32
        %add3A_309 = arith.addi %add3A_308, %add3A_307 : i32
        "tpu.region"() ({
          %run_scoped3A = tpu.sem_alloc : memref<!tpu.dma_semaphore, #tpu.memory_space<semaphore_mem>>
          %dma_start3A_310 = arith.constant 0 : i32
          %dma_start3A_311 = tpu.memref_slice %arg13[%add3A_309, %dma_start3A_310] : memref<10000x128xf32, #tpu.memory_space<vmem_shared>> -> memref<8x128xf32, #tpu.memory_space<vmem_shared>>
          %dma_start3A_312 = arith.constant 0 : i32
          %dma_start3A_313 = tpu.memref_slice %arg13[%add3A_309, %dma_start3A_312] : memref<10000x128xf32, #tpu.memory_space<vmem_shared>> -> memref<8x128xf32, #tpu.memory_space<vmem_shared>>
          tpu.enqueue_dma source(%arg12 : memref<8x128xf32, #tpu.memory_space<vmem>>) target(%dma_start3A_313 : memref<8x128xf32, #tpu.memory_space<vmem_shared>>) target_semaphore(%run_scoped3A : memref<!tpu.dma_semaphore, #tpu.memory_space<semaphore_mem>>)
          %dma_wait3A_314 = arith.constant 0 : i32
          %dma_wait3A_315 = tpu.memref_slice %arg13[%add3A_309, %dma_wait3A_314] : memref<10000x128xf32, #tpu.memory_space<vmem_shared>> -> memref<8x128xf32, #tpu.memory_space<vmem_shared>>
          %dma_wait3A_316 = arith.constant 0 : i32
          %dma_wait3A_317 = tpu.memref_slice %arg13[%add3A_309, %dma_wait3A_316] : memref<10000x128xf32, #tpu.memory_space<vmem_shared>> -> memref<8x128xf32, #tpu.memory_space<vmem_shared>>
          tpu.wait_dma2 semaphore(%run_scoped3A : memref<!tpu.dma_semaphore, #tpu.memory_space<semaphore_mem>>) src(%arg12 : memref<8x128xf32, #tpu.memory_space<vmem>>) dst(%dma_wait3A_317 : memref<8x128xf32, #tpu.memory_space<vmem_shared>>)
          tpu.yield
        }) : () -> ()
      }
      %scan3A_302 = arith.constant 2 : i32
    } else {
    }
    %barrier3A = arith.constant 0 : index
    tpu.barrier barrier_id(%barrier3A)
    %mul3A_12 = arith.constant 16 : i32
    %mul3A_13 = arith.muli %arg0, %mul3A_12 : i32
    %add3A = arith.addi %mul3A_13, %arg1 : i32
    %mul3A_14 = arith.constant 78 : i32
    %mul3A_15 = arith.muli %add3A, %mul3A_14 : i32
    %add3A_16 = arith.constant 0 : i32
    %add3A_17 = arith.addi %mul3A_15, %add3A_16 : i32
    %mul3A_18 = arith.constant 128 : i32
    %mul3A_19 = arith.muli %add3A_17, %mul3A_18 : i32
    %dma_start3A = arith.constant 0 : i32
    %dma_start3A_20 = tpu.memref_slice %arg3[%dma_start3A, %mul3A_19] : memref<2x320000xi32, #tpu.memory_space<hbm>> -> memref<2x128xi32, #tpu.memory_space<hbm>>
    %dma_start3A_21 = arith.constant 0 : i32
    %dma_start3A_22 = tpu.memref_slice %arg3[%dma_start3A_21, %mul3A_19] : memref<2x320000xi32, #tpu.memory_space<hbm>> -> memref<2x128xi32, #tpu.memory_space<hbm>>
    tpu.enqueue_dma source(%dma_start3A_22 : memref<2x128xi32, #tpu.memory_space<hbm>>) target(%arg6 : memref<2x128xi32, #tpu.memory_space<vmem>>) target_semaphore(%arg14 : memref<!tpu.dma_semaphore, #tpu.memory_space<semaphore_mem>>)
    %add3A_23 = arith.constant 1 : i32
    %add3A_24 = arith.addi %mul3A_15, %add3A_23 : i32
    %mul3A_25 = arith.constant 128 : i32
    %mul3A_26 = arith.muli %add3A_24, %mul3A_25 : i32
    %dma_start3A_27 = arith.constant 0 : i32
    %dma_start3A_28 = tpu.memref_slice %arg3[%dma_start3A_27, %mul3A_26] : memref<2x320000xi32, #tpu.memory_space<hbm>> -> memref<2x128xi32, #tpu.memory_space<hbm>>
    %dma_start3A_29 = arith.constant 0 : i32
    %dma_start3A_30 = tpu.memref_slice %arg3[%dma_start3A_29, %mul3A_26] : memref<2x320000xi32, #tpu.memory_space<hbm>> -> memref<2x128xi32, #tpu.memory_space<hbm>>
    tpu.enqueue_dma source(%dma_start3A_30 : memref<2x128xi32, #tpu.memory_space<hbm>>) target(%arg7 : memref<2x128xi32, #tpu.memory_space<vmem>>) target_semaphore(%arg15 : memref<!tpu.dma_semaphore, #tpu.memory_space<semaphore_mem>>)
    %add3A_31 = arith.constant 0 : i32
    %add3A_32 = arith.addi %mul3A_15, %add3A_31 : i32
    %mul3A_33 = arith.constant 128 : i32
    %mul3A_34 = arith.muli %add3A_32, %mul3A_33 : i32
    %dma_wait3A = arith.constant 0 : i32
    %dma_wait3A_35 = tpu.memref_slice %arg3[%dma_wait3A, %mul3A_34] : memref<2x320000xi32, #tpu.memory_space<hbm>> -> memref<2x128xi32, #tpu.memory_space<hbm>>
    %dma_wait3A_36 = arith.constant 0 : i32
    %dma_wait3A_37 = tpu.memref_slice %arg3[%dma_wait3A_36, %mul3A_34] : memref<2x320000xi32, #tpu.memory_space<hbm>> -> memref<2x128xi32, #tpu.memory_space<hbm>>
    tpu.wait_dma2 semaphore(%arg14 : memref<!tpu.dma_semaphore, #tpu.memory_space<semaphore_mem>>) src(%dma_wait3A_37 : memref<2x128xi32, #tpu.memory_space<hbm>>) dst(%arg6 : memref<2x128xi32, #tpu.memory_space<vmem>>)
    %dma_start3A_38 = arith.constant 0 : i32
    %dma_start3A_39 = arith.constant 0 : i32
    %dma_start3A_40 = tpu.memref_slice %arg6[%dma_start3A_38, %dma_start3A_39] : memref<2x128xi32, #tpu.memory_space<vmem>> -> memref<1x128xi32, #tpu.memory_space<vmem>>
    %dma_start3A_41 = tpu.memref_squeeze %dma_start3A_40 : memref<1x128xi32, #tpu.memory_space<vmem>> -> memref<128xi32, #tpu.memory_space<vmem>>
    %dma_start3A_42 = arith.constant 0 : i32
    %dma_start3A_43 = arith.constant 0 : i32
    %dma_start3A_44 = tpu.memref_slice %arg2[%dma_start3A_42, %dma_start3A_43] : memref<10000x128xf32, #tpu.memory_space<hbm>> -> memref<10000x128xf32, #tpu.memory_space<hbm>>
    tpu.enqueue_indirect_dma source(%dma_start3A_44 : memref<10000x128xf32, #tpu.memory_space<hbm>>) target(%arg9 : memref<128x128xf32, #tpu.memory_space<vmem>>) offsets(%dma_start3A_41 : memref<128xi32, #tpu.memory_space<vmem>>) semaphore(%arg17 : memref<!tpu.dma_semaphore, #tpu.memory_space<semaphore_mem>>)
    %dma_wait3A_45 = arith.constant 0 : i32
    %dma_wait3A_46 = arith.constant 0 : i32
    %dma_wait3A_47 = tpu.memref_slice %arg6[%dma_wait3A_45, %dma_wait3A_46] : memref<2x128xi32, #tpu.memory_space<vmem>> -> memref<1x128xi32, #tpu.memory_space<vmem>>
    %dma_wait3A_48 = tpu.memref_squeeze %dma_wait3A_47 : memref<1x128xi32, #tpu.memory_space<vmem>> -> memref<128xi32, #tpu.memory_space<vmem>>
    %dma_wait3A_49 = arith.constant 0 : i32
    %dma_wait3A_50 = arith.constant 0 : i32
    %dma_wait3A_51 = tpu.memref_slice %arg2[%dma_wait3A_49, %dma_wait3A_50] : memref<10000x128xf32, #tpu.memory_space<hbm>> -> memref<10000x128xf32, #tpu.memory_space<hbm>>
    tpu.wait_indirect_dma semaphore(%arg17 : memref<!tpu.dma_semaphore, #tpu.memory_space<semaphore_mem>>) src(%dma_wait3A_51 : memref<10000x128xf32, #tpu.memory_space<hbm>>) dst(%arg9 : memref<128x128xf32, #tpu.memory_space<vmem>>)
    %dma_start3A_52 = arith.constant 1 : i32
    %dma_start3A_53 = arith.constant 0 : i32
    %dma_start3A_54 = tpu.memref_slice %arg6[%dma_start3A_52, %dma_start3A_53] : memref<2x128xi32, #tpu.memory_space<vmem>> -> memref<1x128xi32, #tpu.memory_space<vmem>>
    %dma_start3A_55 = tpu.memref_squeeze %dma_start3A_54 : memref<1x128xi32, #tpu.memory_space<vmem>> -> memref<128xi32, #tpu.memory_space<vmem>>
    %dma_start3A_56 = arith.constant 0 : i32
    %dma_start3A_57 = arith.constant 0 : i32
    %dma_start3A_58 = tpu.memref_slice %arg13[%dma_start3A_56, %dma_start3A_57] : memref<10000x128xf32, #tpu.memory_space<vmem_shared>> -> memref<10000x128xf32, #tpu.memory_space<vmem_shared>>
    tpu.enqueue_indirect_dma source(%arg9 : memref<128x128xf32, #tpu.memory_space<vmem>>) target(%dma_start3A_58 : memref<10000x128xf32, #tpu.memory_space<vmem_shared>>) offsets(%dma_start3A_55 : memref<128xi32, #tpu.memory_space<vmem>>) semaphore(%arg20 : memref<!tpu.dma_semaphore, #tpu.memory_space<semaphore_mem>>) {add = true}
    %add3A_59 = arith.constant 2 : i32
    %add3A_60 = arith.addi %mul3A_15, %add3A_59 : i32
    %mul3A_61 = arith.constant 128 : i32
    %mul3A_62 = arith.muli %add3A_60, %mul3A_61 : i32
    %dma_start3A_63 = arith.constant 0 : i32
    %dma_start3A_64 = tpu.memref_slice %arg3[%dma_start3A_63, %mul3A_62] : memref<2x320000xi32, #tpu.memory_space<hbm>> -> memref<2x128xi32, #tpu.memory_space<hbm>>
    %dma_start3A_65 = arith.constant 0 : i32
    %dma_start3A_66 = tpu.memref_slice %arg3[%dma_start3A_65, %mul3A_62] : memref<2x320000xi32, #tpu.memory_space<hbm>> -> memref<2x128xi32, #tpu.memory_space<hbm>>
    tpu.enqueue_dma source(%dma_start3A_66 : memref<2x128xi32, #tpu.memory_space<hbm>>) target(%arg8 : memref<2x128xi32, #tpu.memory_space<vmem>>) target_semaphore(%arg16 : memref<!tpu.dma_semaphore, #tpu.memory_space<semaphore_mem>>)
    %add3A_67 = arith.constant 1 : i32
    %add3A_68 = arith.addi %mul3A_15, %add3A_67 : i32
    %mul3A_69 = arith.constant 128 : i32
    %mul3A_70 = arith.muli %add3A_68, %mul3A_69 : i32
    %dma_wait3A_71 = arith.constant 0 : i32
    %dma_wait3A_72 = tpu.memref_slice %arg3[%dma_wait3A_71, %mul3A_70] : memref<2x320000xi32, #tpu.memory_space<hbm>> -> memref<2x128xi32, #tpu.memory_space<hbm>>
    %dma_wait3A_73 = arith.constant 0 : i32
    %dma_wait3A_74 = tpu.memref_slice %arg3[%dma_wait3A_73, %mul3A_70] : memref<2x320000xi32, #tpu.memory_space<hbm>> -> memref<2x128xi32, #tpu.memory_space<hbm>>
    tpu.wait_dma2 semaphore(%arg15 : memref<!tpu.dma_semaphore, #tpu.memory_space<semaphore_mem>>) src(%dma_wait3A_74 : memref<2x128xi32, #tpu.memory_space<hbm>>) dst(%arg7 : memref<2x128xi32, #tpu.memory_space<vmem>>)
    %dma_start3A_75 = arith.constant 0 : i32
    %dma_start3A_76 = arith.constant 0 : i32
    %dma_start3A_77 = tpu.memref_slice %arg7[%dma_start3A_75, %dma_start3A_76] : memref<2x128xi32, #tpu.memory_space<vmem>> -> memref<1x128xi32, #tpu.memory_space<vmem>>
    %dma_start3A_78 = tpu.memref_squeeze %dma_start3A_77 : memref<1x128xi32, #tpu.memory_space<vmem>> -> memref<128xi32, #tpu.memory_space<vmem>>
    %dma_start3A_79 = arith.constant 0 : i32
    %dma_start3A_80 = arith.constant 0 : i32
    %dma_start3A_81 = tpu.memref_slice %arg2[%dma_start3A_79, %dma_start3A_80] : memref<10000x128xf32, #tpu.memory_space<hbm>> -> memref<10000x128xf32, #tpu.memory_space<hbm>>
    tpu.enqueue_indirect_dma source(%dma_start3A_81 : memref<10000x128xf32, #tpu.memory_space<hbm>>) target(%arg10 : memref<128x128xf32, #tpu.memory_space<vmem>>) offsets(%dma_start3A_78 : memref<128xi32, #tpu.memory_space<vmem>>) semaphore(%arg18 : memref<!tpu.dma_semaphore, #tpu.memory_space<semaphore_mem>>)
    %dma_wait3A_82 = arith.constant 0 : i32
    %dma_wait3A_83 = arith.constant 0 : i32
    %dma_wait3A_84 = tpu.memref_slice %arg7[%dma_wait3A_82, %dma_wait3A_83] : memref<2x128xi32, #tpu.memory_space<vmem>> -> memref<1x128xi32, #tpu.memory_space<vmem>>
    %dma_wait3A_85 = tpu.memref_squeeze %dma_wait3A_84 : memref<1x128xi32, #tpu.memory_space<vmem>> -> memref<128xi32, #tpu.memory_space<vmem>>
    %dma_wait3A_86 = arith.constant 0 : i32
    %dma_wait3A_87 = arith.constant 0 : i32
    %dma_wait3A_88 = tpu.memref_slice %arg2[%dma_wait3A_86, %dma_wait3A_87] : memref<10000x128xf32, #tpu.memory_space<hbm>> -> memref<10000x128xf32, #tpu.memory_space<hbm>>
    tpu.wait_indirect_dma semaphore(%arg18 : memref<!tpu.dma_semaphore, #tpu.memory_space<semaphore_mem>>) src(%dma_wait3A_88 : memref<10000x128xf32, #tpu.memory_space<hbm>>) dst(%arg10 : memref<128x128xf32, #tpu.memory_space<vmem>>)
    %dma_start3A_89 = arith.constant 1 : i32
    %dma_start3A_90 = arith.constant 0 : i32
    %dma_start3A_91 = tpu.memref_slice %arg7[%dma_start3A_89, %dma_start3A_90] : memref<2x128xi32, #tpu.memory_space<vmem>> -> memref<1x128xi32, #tpu.memory_space<vmem>>
    %dma_start3A_92 = tpu.memref_squeeze %dma_start3A_91 : memref<1x128xi32, #tpu.memory_space<vmem>> -> memref<128xi32, #tpu.memory_space<vmem>>
    %dma_start3A_93 = arith.constant 0 : i32
    %dma_start3A_94 = arith.constant 0 : i32
    %dma_start3A_95 = tpu.memref_slice %arg13[%dma_start3A_93, %dma_start3A_94] : memref<10000x128xf32, #tpu.memory_space<vmem_shared>> -> memref<10000x128xf32, #tpu.memory_space<vmem_shared>>
    tpu.enqueue_indirect_dma source(%arg10 : memref<128x128xf32, #tpu.memory_space<vmem>>) target(%dma_start3A_95 : memref<10000x128xf32, #tpu.memory_space<vmem_shared>>) offsets(%dma_start3A_92 : memref<128xi32, #tpu.memory_space<vmem>>) semaphore(%arg21 : memref<!tpu.dma_semaphore, #tpu.memory_space<semaphore_mem>>) {add = true}
    %dma_wait3A_96 = arith.constant 1 : i32
    %dma_wait3A_97 = arith.constant 0 : i32
    %dma_wait3A_98 = tpu.memref_slice %arg6[%dma_wait3A_96, %dma_wait3A_97] : memref<2x128xi32, #tpu.memory_space<vmem>> -> memref<1x128xi32, #tpu.memory_space<vmem>>
    %dma_wait3A_99 = tpu.memref_squeeze %dma_wait3A_98 : memref<1x128xi32, #tpu.memory_space<vmem>> -> memref<128xi32, #tpu.memory_space<vmem>>
    %dma_wait3A_100 = arith.constant 0 : i32
    %dma_wait3A_101 = arith.constant 0 : i32
    %dma_wait3A_102 = tpu.memref_slice %arg13[%dma_wait3A_100, %dma_wait3A_101] : memref<10000x128xf32, #tpu.memory_space<vmem_shared>> -> memref<10000x128xf32, #tpu.memory_space<vmem_shared>>
    tpu.wait_indirect_dma semaphore(%arg20 : memref<!tpu.dma_semaphore, #tpu.memory_space<semaphore_mem>>) src(%arg9 : memref<128x128xf32, #tpu.memory_space<vmem>>) dst(%dma_wait3A_102 : memref<10000x128xf32, #tpu.memory_space<vmem_shared>>)
    %add3A_103 = arith.constant 3 : i32
    %add3A_104 = arith.addi %mul3A_15, %add3A_103 : i32
    %mul3A_105 = arith.constant 128 : i32
    %mul3A_106 = arith.muli %add3A_104, %mul3A_105 : i32
    %dma_start3A_107 = arith.constant 0 : i32
    %dma_start3A_108 = tpu.memref_slice %arg3[%dma_start3A_107, %mul3A_106] : memref<2x320000xi32, #tpu.memory_space<hbm>> -> memref<2x128xi32, #tpu.memory_space<hbm>>
    %dma_start3A_109 = arith.constant 0 : i32
    %dma_start3A_110 = tpu.memref_slice %arg3[%dma_start3A_109, %mul3A_106] : memref<2x320000xi32, #tpu.memory_space<hbm>> -> memref<2x128xi32, #tpu.memory_space<hbm>>
    tpu.enqueue_dma source(%dma_start3A_110 : memref<2x128xi32, #tpu.memory_space<hbm>>) target(%arg6 : memref<2x128xi32, #tpu.memory_space<vmem>>) target_semaphore(%arg14 : memref<!tpu.dma_semaphore, #tpu.memory_space<semaphore_mem>>)
    %add3A_111 = arith.constant 2 : i32
    %add3A_112 = arith.addi %mul3A_15, %add3A_111 : i32
    %mul3A_113 = arith.constant 128 : i32
    %mul3A_114 = arith.muli %add3A_112, %mul3A_113 : i32
    %dma_wait3A_115 = arith.constant 0 : i32
    %dma_wait3A_116 = tpu.memref_slice %arg3[%dma_wait3A_115, %mul3A_114] : memref<2x320000xi32, #tpu.memory_space<hbm>> -> memref<2x128xi32, #tpu.memory_space<hbm>>
    %dma_wait3A_117 = arith.constant 0 : i32
    %dma_wait3A_118 = tpu.memref_slice %arg3[%dma_wait3A_117, %mul3A_114] : memref<2x320000xi32, #tpu.memory_space<hbm>> -> memref<2x128xi32, #tpu.memory_space<hbm>>
    tpu.wait_dma2 semaphore(%arg16 : memref<!tpu.dma_semaphore, #tpu.memory_space<semaphore_mem>>) src(%dma_wait3A_118 : memref<2x128xi32, #tpu.memory_space<hbm>>) dst(%arg8 : memref<2x128xi32, #tpu.memory_space<vmem>>)
    %dma_start3A_119 = arith.constant 0 : i32
    %dma_start3A_120 = arith.constant 0 : i32
    %dma_start3A_121 = tpu.memref_slice %arg8[%dma_start3A_119, %dma_start3A_120] : memref<2x128xi32, #tpu.memory_space<vmem>> -> memref<1x128xi32, #tpu.memory_space<vmem>>
    %dma_start3A_122 = tpu.memref_squeeze %dma_start3A_121 : memref<1x128xi32, #tpu.memory_space<vmem>> -> memref<128xi32, #tpu.memory_space<vmem>>
    %dma_start3A_123 = arith.constant 0 : i32
    %dma_start3A_124 = arith.constant 0 : i32
    %dma_start3A_125 = tpu.memref_slice %arg2[%dma_start3A_123, %dma_start3A_124] : memref<10000x128xf32, #tpu.memory_space<hbm>> -> memref<10000x128xf32, #tpu.memory_space<hbm>>
    tpu.enqueue_indirect_dma source(%dma_start3A_125 : memref<10000x128xf32, #tpu.memory_space<hbm>>) target(%arg11 : memref<128x128xf32, #tpu.memory_space<vmem>>) offsets(%dma_start3A_122 : memref<128xi32, #tpu.memory_space<vmem>>) semaphore(%arg19 : memref<!tpu.dma_semaphore, #tpu.memory_space<semaphore_mem>>)
    %dma_wait3A_126 = arith.constant 0 : i32
    %dma_wait3A_127 = arith.constant 0 : i32
    %dma_wait3A_128 = tpu.memref_slice %arg8[%dma_wait3A_126, %dma_wait3A_127] : memref<2x128xi32, #tpu.memory_space<vmem>> -> memref<1x128xi32, #tpu.memory_space<vmem>>
    %dma_wait3A_129 = tpu.memref_squeeze %dma_wait3A_128 : memref<1x128xi32, #tpu.memory_space<vmem>> -> memref<128xi32, #tpu.memory_space<vmem>>
    %dma_wait3A_130 = arith.constant 0 : i32
    %dma_wait3A_131 = arith.constant 0 : i32
    %dma_wait3A_132 = tpu.memref_slice %arg2[%dma_wait3A_130, %dma_wait3A_131] : memref<10000x128xf32, #tpu.memory_space<hbm>> -> memref<10000x128xf32, #tpu.memory_space<hbm>>
    tpu.wait_indirect_dma semaphore(%arg19 : memref<!tpu.dma_semaphore, #tpu.memory_space<semaphore_mem>>) src(%dma_wait3A_132 : memref<10000x128xf32, #tpu.memory_space<hbm>>) dst(%arg11 : memref<128x128xf32, #tpu.memory_space<vmem>>)
    %dma_start3A_133 = arith.constant 1 : i32
    %dma_start3A_134 = arith.constant 0 : i32
    %dma_start3A_135 = tpu.memref_slice %arg8[%dma_start3A_133, %dma_start3A_134] : memref<2x128xi32, #tpu.memory_space<vmem>> -> memref<1x128xi32, #tpu.memory_space<vmem>>
    %dma_start3A_136 = tpu.memref_squeeze %dma_start3A_135 : memref<1x128xi32, #tpu.memory_space<vmem>> -> memref<128xi32, #tpu.memory_space<vmem>>
    %dma_start3A_137 = arith.constant 0 : i32
    %dma_start3A_138 = arith.constant 0 : i32
    %dma_start3A_139 = tpu.memref_slice %arg13[%dma_start3A_137, %dma_start3A_138] : memref<10000x128xf32, #tpu.memory_space<vmem_shared>> -> memref<10000x128xf32, #tpu.memory_space<vmem_shared>>
    tpu.enqueue_indirect_dma source(%arg11 : memref<128x128xf32, #tpu.memory_space<vmem>>) target(%dma_start3A_139 : memref<10000x128xf32, #tpu.memory_space<vmem_shared>>) offsets(%dma_start3A_136 : memref<128xi32, #tpu.memory_space<vmem>>) semaphore(%arg22 : memref<!tpu.dma_semaphore, #tpu.memory_space<semaphore_mem>>) {add = true}
    %dma_wait3A_140 = arith.constant 1 : i32
    %dma_wait3A_141 = arith.constant 0 : i32
    %dma_wait3A_142 = tpu.memref_slice %arg7[%dma_wait3A_140, %dma_wait3A_141] : memref<2x128xi32, #tpu.memory_space<vmem>> -> memref<1x128xi32, #tpu.memory_space<vmem>>
    %dma_wait3A_143 = tpu.memref_squeeze %dma_wait3A_142 : memref<1x128xi32, #tpu.memory_space<vmem>> -> memref<128xi32, #tpu.memory_space<vmem>>
    %dma_wait3A_144 = arith.constant 0 : i32
    %dma_wait3A_145 = arith.constant 0 : i32
    %dma_wait3A_146 = tpu.memref_slice %arg13[%dma_wait3A_144, %dma_wait3A_145] : memref<10000x128xf32, #tpu.memory_space<vmem_shared>> -> memref<10000x128xf32, #tpu.memory_space<vmem_shared>>
    tpu.wait_indirect_dma semaphore(%arg21 : memref<!tpu.dma_semaphore, #tpu.memory_space<semaphore_mem>>) src(%arg10 : memref<128x128xf32, #tpu.memory_space<vmem>>) dst(%dma_wait3A_146 : memref<10000x128xf32, #tpu.memory_space<vmem_shared>>)
    %add3A_147 = arith.constant 4 : i32
    %add3A_148 = arith.addi %mul3A_15, %add3A_147 : i32
    %mul3A_149 = arith.constant 128 : i32
    %mul3A_150 = arith.muli %add3A_148, %mul3A_149 : i32
    %dma_start3A_151 = arith.constant 0 : i32
    %dma_start3A_152 = tpu.memref_slice %arg3[%dma_start3A_151, %mul3A_150] : memref<2x320000xi32, #tpu.memory_space<hbm>> -> memref<2x128xi32, #tpu.memory_space<hbm>>
    %dma_start3A_153 = arith.constant 0 : i32
    %dma_start3A_154 = tpu.memref_slice %arg3[%dma_start3A_153, %mul3A_150] : memref<2x320000xi32, #tpu.memory_space<hbm>> -> memref<2x128xi32, #tpu.memory_space<hbm>>
    tpu.enqueue_dma source(%dma_start3A_154 : memref<2x128xi32, #tpu.memory_space<hbm>>) target(%arg7 : memref<2x128xi32, #tpu.memory_space<vmem>>) target_semaphore(%arg15 : memref<!tpu.dma_semaphore, #tpu.memory_space<semaphore_mem>>)
    %add3A_155 = arith.constant 3 : i32
    %add3A_156 = arith.addi %mul3A_15, %add3A_155 : i32
    %mul3A_157 = arith.constant 128 : i32
    %mul3A_158 = arith.muli %add3A_156, %mul3A_157 : i32
    %dma_wait3A_159 = arith.constant 0 : i32
    %dma_wait3A_160 = tpu.memref_slice %arg3[%dma_wait3A_159, %mul3A_158] : memref<2x320000xi32, #tpu.memory_space<hbm>> -> memref<2x128xi32, #tpu.memory_space<hbm>>
    %dma_wait3A_161 = arith.constant 0 : i32
    %dma_wait3A_162 = tpu.memref_slice %arg3[%dma_wait3A_161, %mul3A_158] : memref<2x320000xi32, #tpu.memory_space<hbm>> -> memref<2x128xi32, #tpu.memory_space<hbm>>
    tpu.wait_dma2 semaphore(%arg14 : memref<!tpu.dma_semaphore, #tpu.memory_space<semaphore_mem>>) src(%dma_wait3A_162 : memref<2x128xi32, #tpu.memory_space<hbm>>) dst(%arg6 : memref<2x128xi32, #tpu.memory_space<vmem>>)
    %dma_start3A_163 = arith.constant 0 : i32
    %dma_start3A_164 = arith.constant 0 : i32
    %dma_start3A_165 = tpu.memref_slice %arg6[%dma_start3A_163, %dma_start3A_164] : memref<2x128xi32, #tpu.memory_space<vmem>> -> memref<1x128xi32, #tpu.memory_space<vmem>>
    %dma_start3A_166 = tpu.memref_squeeze %dma_start3A_165 : memref<1x128xi32, #tpu.memory_space<vmem>> -> memref<128xi32, #tpu.memory_space<vmem>>
    %dma_start3A_167 = arith.constant 0 : i32
    %dma_start3A_168 = arith.constant 0 : i32
    %dma_start3A_169 = tpu.memref_slice %arg2[%dma_start3A_167, %dma_start3A_168] : memref<10000x128xf32, #tpu.memory_space<hbm>> -> memref<10000x128xf32, #tpu.memory_space<hbm>>
    tpu.enqueue_indirect_dma source(%dma_start3A_169 : memref<10000x128xf32, #tpu.memory_space<hbm>>) target(%arg9 : memref<128x128xf32, #tpu.memory_space<vmem>>) offsets(%dma_start3A_166 : memref<128xi32, #tpu.memory_space<vmem>>) semaphore(%arg17 : memref<!tpu.dma_semaphore, #tpu.memory_space<semaphore_mem>>)
    %scan3A_170 = arith.constant 0 : i32
    %scan3A_171 = arith.constant 24 : i32
    %scan3A_172 = arith.addi %scan3A_170, %scan3A_171 : i32
    %scan3A_173 = arith.constant 1 : i32
    scf.for %scan3A_298 = %scan3A_170 to %scan3A_172 step %scan3A_173  : i32 {
      %mul3A_299 = arith.constant 1 : i32
      %mul3A_300 = arith.muli %scan3A_298, %mul3A_299 : i32
      %add3A_301 = arith.constant 0 : i32
      %add3A_302 = arith.addi %add3A_301, %mul3A_300 : i32
      %mul3A_303 = arith.constant 3 : i32
      %mul3A_304 = arith.muli %mul3A_303, %add3A_302 : i32
      %add3A_305 = arith.constant 3 : i32
      %add3A_306 = arith.addi %mul3A_304, %add3A_305 : i32
      %add3A_307 = arith.constant 0 : i32
      %add3A_308 = arith.addi %add3A_306, %add3A_307 : i32
      %dma_wait3A_309 = arith.constant 0 : i32
      %dma_wait3A_310 = arith.constant 0 : i32
      %dma_wait3A_311 = tpu.memref_slice %arg6[%dma_wait3A_309, %dma_wait3A_310] : memref<2x128xi32, #tpu.memory_space<vmem>> -> memref<1x128xi32, #tpu.memory_space<vmem>>
      %dma_wait3A_312 = tpu.memref_squeeze %dma_wait3A_311 : memref<1x128xi32, #tpu.memory_space<vmem>> -> memref<128xi32, #tpu.memory_space<vmem>>
      %dma_wait3A_313 = arith.constant 0 : i32
      %dma_wait3A_314 = arith.constant 0 : i32
      %dma_wait3A_315 = tpu.memref_slice %arg2[%dma_wait3A_313, %dma_wait3A_314] : memref<10000x128xf32, #tpu.memory_space<hbm>> -> memref<10000x128xf32, #tpu.memory_space<hbm>>
      tpu.wait_indirect_dma semaphore(%arg17 : memref<!tpu.dma_semaphore, #tpu.memory_space<semaphore_mem>>) src(%dma_wait3A_315 : memref<10000x128xf32, #tpu.memory_space<hbm>>) dst(%arg9 : memref<128x128xf32, #tpu.memory_space<vmem>>)
      %dma_start3A_316 = arith.constant 1 : i32
      %dma_start3A_317 = arith.constant 0 : i32
      %dma_start3A_318 = tpu.memref_slice %arg6[%dma_start3A_316, %dma_start3A_317] : memref<2x128xi32, #tpu.memory_space<vmem>> -> memref<1x128xi32, #tpu.memory_space<vmem>>
      %dma_start3A_319 = tpu.memref_squeeze %dma_start3A_318 : memref<1x128xi32, #tpu.memory_space<vmem>> -> memref<128xi32, #tpu.memory_space<vmem>>
      %dma_start3A_320 = arith.constant 0 : i32
      %dma_start3A_321 = arith.constant 0 : i32
      %dma_start3A_322 = tpu.memref_slice %arg13[%dma_start3A_320, %dma_start3A_321] : memref<10000x128xf32, #tpu.memory_space<vmem_shared>> -> memref<10000x128xf32, #tpu.memory_space<vmem_shared>>
      tpu.enqueue_indirect_dma source(%arg9 : memref<128x128xf32, #tpu.memory_space<vmem>>) target(%dma_start3A_322 : memref<10000x128xf32, #tpu.memory_space<vmem_shared>>) offsets(%dma_start3A_319 : memref<128xi32, #tpu.memory_space<vmem>>) semaphore(%arg20 : memref<!tpu.dma_semaphore, #tpu.memory_space<semaphore_mem>>) {add = true}
      %sub3A = arith.constant 1 : i32
      %sub3A_323 = arith.subi %add3A_308, %sub3A : i32
      %dma_wait3A_324 = arith.constant 1 : i32
      %dma_wait3A_325 = arith.constant 0 : i32
      %dma_wait3A_326 = tpu.memref_slice %arg8[%dma_wait3A_324, %dma_wait3A_325] : memref<2x128xi32, #tpu.memory_space<vmem>> -> memref<1x128xi32, #tpu.memory_space<vmem>>
      %dma_wait3A_327 = tpu.memref_squeeze %dma_wait3A_326 : memref<1x128xi32, #tpu.memory_space<vmem>> -> memref<128xi32, #tpu.memory_space<vmem>>
      %dma_wait3A_328 = arith.constant 0 : i32
      %dma_wait3A_329 = arith.constant 0 : i32
      %dma_wait3A_330 = tpu.memref_slice %arg13[%dma_wait3A_328, %dma_wait3A_329] : memref<10000x128xf32, #tpu.memory_space<vmem_shared>> -> memref<10000x128xf32, #tpu.memory_space<vmem_shared>>
      tpu.wait_indirect_dma semaphore(%arg22 : memref<!tpu.dma_semaphore, #tpu.memory_space<semaphore_mem>>) src(%arg11 : memref<128x128xf32, #tpu.memory_space<vmem>>) dst(%dma_wait3A_330 : memref<10000x128xf32, #tpu.memory_space<vmem_shared>>)
      %add3A_331 = arith.constant 2 : i32
      %add3A_332 = arith.addi %add3A_308, %add3A_331 : i32
      %add3A_333 = arith.addi %mul3A_15, %add3A_332 : i32
      %mul3A_334 = arith.constant 128 : i32
      %mul3A_335 = arith.muli %add3A_333, %mul3A_334 : i32
      %dma_start3A_336 = arith.constant 0 : i32
      %dma_start3A_337 = tpu.memref_slice %arg3[%dma_start3A_336, %mul3A_335] : memref<2x320000xi32, #tpu.memory_space<hbm>> -> memref<2x128xi32, #tpu.memory_space<hbm>>
      %dma_start3A_338 = arith.constant 0 : i32
      %dma_start3A_339 = tpu.memref_slice %arg3[%dma_start3A_338, %mul3A_335] : memref<2x320000xi32, #tpu.memory_space<hbm>> -> memref<2x128xi32, #tpu.memory_space<hbm>>
      tpu.enqueue_dma source(%dma_start3A_339 : memref<2x128xi32, #tpu.memory_space<hbm>>) target(%arg8 : memref<2x128xi32, #tpu.memory_space<vmem>>) target_semaphore(%arg16 : memref<!tpu.dma_semaphore, #tpu.memory_space<semaphore_mem>>)
      %add3A_340 = arith.constant 1 : i32
      %add3A_341 = arith.addi %add3A_308, %add3A_340 : i32
      %add3A_342 = arith.addi %mul3A_15, %add3A_341 : i32
      %mul3A_343 = arith.constant 128 : i32
      %mul3A_344 = arith.muli %add3A_342, %mul3A_343 : i32
      %dma_wait3A_345 = arith.constant 0 : i32
      %dma_wait3A_346 = tpu.memref_slice %arg3[%dma_wait3A_345, %mul3A_344] : memref<2x320000xi32, #tpu.memory_space<hbm>> -> memref<2x128xi32, #tpu.memory_space<hbm>>
      %dma_wait3A_347 = arith.constant 0 : i32
      %dma_wait3A_348 = tpu.memref_slice %arg3[%dma_wait3A_347, %mul3A_344] : memref<2x320000xi32, #tpu.memory_space<hbm>> -> memref<2x128xi32, #tpu.memory_space<hbm>>
      tpu.wait_dma2 semaphore(%arg15 : memref<!tpu.dma_semaphore, #tpu.memory_space<semaphore_mem>>) src(%dma_wait3A_348 : memref<2x128xi32, #tpu.memory_space<hbm>>) dst(%arg7 : memref<2x128xi32, #tpu.memory_space<vmem>>)
      %add3A_349 = arith.constant 1 : i32
      %add3A_350 = arith.addi %add3A_308, %add3A_349 : i32
      %dma_start3A_351 = arith.constant 0 : i32
      %dma_start3A_352 = arith.constant 0 : i32
      %dma_start3A_353 = tpu.memref_slice %arg7[%dma_start3A_351, %dma_start3A_352] : memref<2x128xi32, #tpu.memory_space<vmem>> -> memref<1x128xi32, #tpu.memory_space<vmem>>
      %dma_start3A_354 = tpu.memref_squeeze %dma_start3A_353 : memref<1x128xi32, #tpu.memory_space<vmem>> -> memref<128xi32, #tpu.memory_space<vmem>>
      %dma_start3A_355 = arith.constant 0 : i32
      %dma_start3A_356 = arith.constant 0 : i32
      %dma_start3A_357 = tpu.memref_slice %arg2[%dma_start3A_355, %dma_start3A_356] : memref<10000x128xf32, #tpu.memory_space<hbm>> -> memref<10000x128xf32, #tpu.memory_space<hbm>>
      tpu.enqueue_indirect_dma source(%dma_start3A_357 : memref<10000x128xf32, #tpu.memory_space<hbm>>) target(%arg10 : memref<128x128xf32, #tpu.memory_space<vmem>>) offsets(%dma_start3A_354 : memref<128xi32, #tpu.memory_space<vmem>>) semaphore(%arg18 : memref<!tpu.dma_semaphore, #tpu.memory_space<semaphore_mem>>)
      %add3A_358 = arith.constant 1 : i32
      %add3A_359 = arith.addi %add3A_306, %add3A_358 : i32
      %dma_wait3A_360 = arith.constant 0 : i32
      %dma_wait3A_361 = arith.constant 0 : i32
      %dma_wait3A_362 = tpu.memref_slice %arg7[%dma_wait3A_360, %dma_wait3A_361] : memref<2x128xi32, #tpu.memory_space<vmem>> -> memref<1x128xi32, #tpu.memory_space<vmem>>
      %dma_wait3A_363 = tpu.memref_squeeze %dma_wait3A_362 : memref<1x128xi32, #tpu.memory_space<vmem>> -> memref<128xi32, #tpu.memory_space<vmem>>
      %dma_wait3A_364 = arith.constant 0 : i32
      %dma_wait3A_365 = arith.constant 0 : i32
      %dma_wait3A_366 = tpu.memref_slice %arg2[%dma_wait3A_364, %dma_wait3A_365] : memref<10000x128xf32, #tpu.memory_space<hbm>> -> memref<10000x128xf32, #tpu.memory_space<hbm>>
      tpu.wait_indirect_dma semaphore(%arg18 : memref<!tpu.dma_semaphore, #tpu.memory_space<semaphore_mem>>) src(%dma_wait3A_366 : memref<10000x128xf32, #tpu.memory_space<hbm>>) dst(%arg10 : memref<128x128xf32, #tpu.memory_space<vmem>>)
      %dma_start3A_367 = arith.constant 1 : i32
      %dma_start3A_368 = arith.constant 0 : i32
      %dma_start3A_369 = tpu.memref_slice %arg7[%dma_start3A_367, %dma_start3A_368] : memref<2x128xi32, #tpu.memory_space<vmem>> -> memref<1x128xi32, #tpu.memory_space<vmem>>
      %dma_start3A_370 = tpu.memref_squeeze %dma_start3A_369 : memref<1x128xi32, #tpu.memory_space<vmem>> -> memref<128xi32, #tpu.memory_space<vmem>>
      %dma_start3A_371 = arith.constant 0 : i32
      %dma_start3A_372 = arith.constant 0 : i32
      %dma_start3A_373 = tpu.memref_slice %arg13[%dma_start3A_371, %dma_start3A_372] : memref<10000x128xf32, #tpu.memory_space<vmem_shared>> -> memref<10000x128xf32, #tpu.memory_space<vmem_shared>>
      tpu.enqueue_indirect_dma source(%arg10 : memref<128x128xf32, #tpu.memory_space<vmem>>) target(%dma_start3A_373 : memref<10000x128xf32, #tpu.memory_space<vmem_shared>>) offsets(%dma_start3A_370 : memref<128xi32, #tpu.memory_space<vmem>>) semaphore(%arg21 : memref<!tpu.dma_semaphore, #tpu.memory_space<semaphore_mem>>) {add = true}
      %sub3A_374 = arith.constant 1 : i32
      %sub3A_375 = arith.subi %add3A_359, %sub3A_374 : i32
      %dma_wait3A_376 = arith.constant 1 : i32
      %dma_wait3A_377 = arith.constant 0 : i32
      %dma_wait3A_378 = tpu.memref_slice %arg6[%dma_wait3A_376, %dma_wait3A_377] : memref<2x128xi32, #tpu.memory_space<vmem>> -> memref<1x128xi32, #tpu.memory_space<vmem>>
      %dma_wait3A_379 = tpu.memref_squeeze %dma_wait3A_378 : memref<1x128xi32, #tpu.memory_space<vmem>> -> memref<128xi32, #tpu.memory_space<vmem>>
      %dma_wait3A_380 = arith.constant 0 : i32
      %dma_wait3A_381 = arith.constant 0 : i32
      %dma_wait3A_382 = tpu.memref_slice %arg13[%dma_wait3A_380, %dma_wait3A_381] : memref<10000x128xf32, #tpu.memory_space<vmem_shared>> -> memref<10000x128xf32, #tpu.memory_space<vmem_shared>>
      tpu.wait_indirect_dma semaphore(%arg20 : memref<!tpu.dma_semaphore, #tpu.memory_space<semaphore_mem>>) src(%arg9 : memref<128x128xf32, #tpu.memory_space<vmem>>) dst(%dma_wait3A_382 : memref<10000x128xf32, #tpu.memory_space<vmem_shared>>)
      %add3A_383 = arith.constant 2 : i32
      %add3A_384 = arith.addi %add3A_359, %add3A_383 : i32
      %add3A_385 = arith.addi %mul3A_15, %add3A_384 : i32
      %mul3A_386 = arith.constant 128 : i32
      %mul3A_387 = arith.muli %add3A_385, %mul3A_386 : i32
      %dma_start3A_388 = arith.constant 0 : i32
      %dma_start3A_389 = tpu.memref_slice %arg3[%dma_start3A_388, %mul3A_387] : memref<2x320000xi32, #tpu.memory_space<hbm>> -> memref<2x128xi32, #tpu.memory_space<hbm>>
      %dma_start3A_390 = arith.constant 0 : i32
      %dma_start3A_391 = tpu.memref_slice %arg3[%dma_start3A_390, %mul3A_387] : memref<2x320000xi32, #tpu.memory_space<hbm>> -> memref<2x128xi32, #tpu.memory_space<hbm>>
      tpu.enqueue_dma source(%dma_start3A_391 : memref<2x128xi32, #tpu.memory_space<hbm>>) target(%arg6 : memref<2x128xi32, #tpu.memory_space<vmem>>) target_semaphore(%arg14 : memref<!tpu.dma_semaphore, #tpu.memory_space<semaphore_mem>>)
      %add3A_392 = arith.constant 1 : i32
      %add3A_393 = arith.addi %add3A_359, %add3A_392 : i32
      %add3A_394 = arith.addi %mul3A_15, %add3A_393 : i32
      %mul3A_395 = arith.constant 128 : i32
      %mul3A_396 = arith.muli %add3A_394, %mul3A_395 : i32
      %dma_wait3A_397 = arith.constant 0 : i32
      %dma_wait3A_398 = tpu.memref_slice %arg3[%dma_wait3A_397, %mul3A_396] : memref<2x320000xi32, #tpu.memory_space<hbm>> -> memref<2x128xi32, #tpu.memory_space<hbm>>
      %dma_wait3A_399 = arith.constant 0 : i32
      %dma_wait3A_400 = tpu.memref_slice %arg3[%dma_wait3A_399, %mul3A_396] : memref<2x320000xi32, #tpu.memory_space<hbm>> -> memref<2x128xi32, #tpu.memory_space<hbm>>
      tpu.wait_dma2 semaphore(%arg16 : memref<!tpu.dma_semaphore, #tpu.memory_space<semaphore_mem>>) src(%dma_wait3A_400 : memref<2x128xi32, #tpu.memory_space<hbm>>) dst(%arg8 : memref<2x128xi32, #tpu.memory_space<vmem>>)
      %add3A_401 = arith.constant 1 : i32
      %add3A_402 = arith.addi %add3A_359, %add3A_401 : i32
      %dma_start3A_403 = arith.constant 0 : i32
      %dma_start3A_404 = arith.constant 0 : i32
      %dma_start3A_405 = tpu.memref_slice %arg8[%dma_start3A_403, %dma_start3A_404] : memref<2x128xi32, #tpu.memory_space<vmem>> -> memref<1x128xi32, #tpu.memory_space<vmem>>
      %dma_start3A_406 = tpu.memref_squeeze %dma_start3A_405 : memref<1x128xi32, #tpu.memory_space<vmem>> -> memref<128xi32, #tpu.memory_space<vmem>>
      %dma_start3A_407 = arith.constant 0 : i32
      %dma_start3A_408 = arith.constant 0 : i32
      %dma_start3A_409 = tpu.memref_slice %arg2[%dma_start3A_407, %dma_start3A_408] : memref<10000x128xf32, #tpu.memory_space<hbm>> -> memref<10000x128xf32, #tpu.memory_space<hbm>>
      tpu.enqueue_indirect_dma source(%dma_start3A_409 : memref<10000x128xf32, #tpu.memory_space<hbm>>) target(%arg11 : memref<128x128xf32, #tpu.memory_space<vmem>>) offsets(%dma_start3A_406 : memref<128xi32, #tpu.memory_space<vmem>>) semaphore(%arg19 : memref<!tpu.dma_semaphore, #tpu.memory_space<semaphore_mem>>)
      %add3A_410 = arith.constant 2 : i32
      %add3A_411 = arith.addi %add3A_306, %add3A_410 : i32
      %dma_wait3A_412 = arith.constant 0 : i32
      %dma_wait3A_413 = arith.constant 0 : i32
      %dma_wait3A_414 = tpu.memref_slice %arg8[%dma_wait3A_412, %dma_wait3A_413] : memref<2x128xi32, #tpu.memory_space<vmem>> -> memref<1x128xi32, #tpu.memory_space<vmem>>
      %dma_wait3A_415 = tpu.memref_squeeze %dma_wait3A_414 : memref<1x128xi32, #tpu.memory_space<vmem>> -> memref<128xi32, #tpu.memory_space<vmem>>
      %dma_wait3A_416 = arith.constant 0 : i32
      %dma_wait3A_417 = arith.constant 0 : i32
      %dma_wait3A_418 = tpu.memref_slice %arg2[%dma_wait3A_416, %dma_wait3A_417] : memref<10000x128xf32, #tpu.memory_space<hbm>> -> memref<10000x128xf32, #tpu.memory_space<hbm>>
      tpu.wait_indirect_dma semaphore(%arg19 : memref<!tpu.dma_semaphore, #tpu.memory_space<semaphore_mem>>) src(%dma_wait3A_418 : memref<10000x128xf32, #tpu.memory_space<hbm>>) dst(%arg11 : memref<128x128xf32, #tpu.memory_space<vmem>>)
      %dma_start3A_419 = arith.constant 1 : i32
      %dma_start3A_420 = arith.constant 0 : i32
      %dma_start3A_421 = tpu.memref_slice %arg8[%dma_start3A_419, %dma_start3A_420] : memref<2x128xi32, #tpu.memory_space<vmem>> -> memref<1x128xi32, #tpu.memory_space<vmem>>
      %dma_start3A_422 = tpu.memref_squeeze %dma_start3A_421 : memref<1x128xi32, #tpu.memory_space<vmem>> -> memref<128xi32, #tpu.memory_space<vmem>>
      %dma_start3A_423 = arith.constant 0 : i32
      %dma_start3A_424 = arith.constant 0 : i32
      %dma_start3A_425 = tpu.memref_slice %arg13[%dma_start3A_423, %dma_start3A_424] : memref<10000x128xf32, #tpu.memory_space<vmem_shared>> -> memref<10000x128xf32, #tpu.memory_space<vmem_shared>>
      tpu.enqueue_indirect_dma source(%arg11 : memref<128x128xf32, #tpu.memory_space<vmem>>) target(%dma_start3A_425 : memref<10000x128xf32, #tpu.memory_space<vmem_shared>>) offsets(%dma_start3A_422 : memref<128xi32, #tpu.memory_space<vmem>>) semaphore(%arg22 : memref<!tpu.dma_semaphore, #tpu.memory_space<semaphore_mem>>) {add = true}
      %sub3A_426 = arith.constant 1 : i32
      %sub3A_427 = arith.subi %add3A_411, %sub3A_426 : i32
      %dma_wait3A_428 = arith.constant 1 : i32
      %dma_wait3A_429 = arith.constant 0 : i32
      %dma_wait3A_430 = tpu.memref_slice %arg7[%dma_wait3A_428, %dma_wait3A_429] : memref<2x128xi32, #tpu.memory_space<vmem>> -> memref<1x128xi32, #tpu.memory_space<vmem>>
      %dma_wait3A_431 = tpu.memref_squeeze %dma_wait3A_430 : memref<1x128xi32, #tpu.memory_space<vmem>> -> memref<128xi32, #tpu.memory_space<vmem>>
      %dma_wait3A_432 = arith.constant 0 : i32
      %dma_wait3A_433 = arith.constant 0 : i32
      %dma_wait3A_434 = tpu.memref_slice %arg13[%dma_wait3A_432, %dma_wait3A_433] : memref<10000x128xf32, #tpu.memory_space<vmem_shared>> -> memref<10000x128xf32, #tpu.memory_space<vmem_shared>>
      tpu.wait_indirect_dma semaphore(%arg21 : memref<!tpu.dma_semaphore, #tpu.memory_space<semaphore_mem>>) src(%arg10 : memref<128x128xf32, #tpu.memory_space<vmem>>) dst(%dma_wait3A_434 : memref<10000x128xf32, #tpu.memory_space<vmem_shared>>)
      %add3A_435 = arith.constant 2 : i32
      %add3A_436 = arith.addi %add3A_411, %add3A_435 : i32
      %add3A_437 = arith.addi %mul3A_15, %add3A_436 : i32
      %mul3A_438 = arith.constant 128 : i32
      %mul3A_439 = arith.muli %add3A_437, %mul3A_438 : i32
      %dma_start3A_440 = arith.constant 0 : i32
      %dma_start3A_441 = tpu.memref_slice %arg3[%dma_start3A_440, %mul3A_439] : memref<2x320000xi32, #tpu.memory_space<hbm>> -> memref<2x128xi32, #tpu.memory_space<hbm>>
      %dma_start3A_442 = arith.constant 0 : i32
      %dma_start3A_443 = tpu.memref_slice %arg3[%dma_start3A_442, %mul3A_439] : memref<2x320000xi32, #tpu.memory_space<hbm>> -> memref<2x128xi32, #tpu.memory_space<hbm>>
      tpu.enqueue_dma source(%dma_start3A_443 : memref<2x128xi32, #tpu.memory_space<hbm>>) target(%arg7 : memref<2x128xi32, #tpu.memory_space<vmem>>) target_semaphore(%arg15 : memref<!tpu.dma_semaphore, #tpu.memory_space<semaphore_mem>>)
      %add3A_444 = arith.constant 1 : i32
      %add3A_445 = arith.addi %add3A_411, %add3A_444 : i32
      %add3A_446 = arith.addi %mul3A_15, %add3A_445 : i32
      %mul3A_447 = arith.constant 128 : i32
      %mul3A_448 = arith.muli %add3A_446, %mul3A_447 : i32
      %dma_wait3A_449 = arith.constant 0 : i32
      %dma_wait3A_450 = tpu.memref_slice %arg3[%dma_wait3A_449, %mul3A_448] : memref<2x320000xi32, #tpu.memory_space<hbm>> -> memref<2x128xi32, #tpu.memory_space<hbm>>
      %dma_wait3A_451 = arith.constant 0 : i32
      %dma_wait3A_452 = tpu.memref_slice %arg3[%dma_wait3A_451, %mul3A_448] : memref<2x320000xi32, #tpu.memory_space<hbm>> -> memref<2x128xi32, #tpu.memory_space<hbm>>
      tpu.wait_dma2 semaphore(%arg14 : memref<!tpu.dma_semaphore, #tpu.memory_space<semaphore_mem>>) src(%dma_wait3A_452 : memref<2x128xi32, #tpu.memory_space<hbm>>) dst(%arg6 : memref<2x128xi32, #tpu.memory_space<vmem>>)
      %add3A_453 = arith.constant 1 : i32
      %add3A_454 = arith.addi %add3A_411, %add3A_453 : i32
      %dma_start3A_455 = arith.constant 0 : i32
      %dma_start3A_456 = arith.constant 0 : i32
      %dma_start3A_457 = tpu.memref_slice %arg6[%dma_start3A_455, %dma_start3A_456] : memref<2x128xi32, #tpu.memory_space<vmem>> -> memref<1x128xi32, #tpu.memory_space<vmem>>
      %dma_start3A_458 = tpu.memref_squeeze %dma_start3A_457 : memref<1x128xi32, #tpu.memory_space<vmem>> -> memref<128xi32, #tpu.memory_space<vmem>>
      %dma_start3A_459 = arith.constant 0 : i32
      %dma_start3A_460 = arith.constant 0 : i32
      %dma_start3A_461 = tpu.memref_slice %arg2[%dma_start3A_459, %dma_start3A_460] : memref<10000x128xf32, #tpu.memory_space<hbm>> -> memref<10000x128xf32, #tpu.memory_space<hbm>>
      tpu.enqueue_indirect_dma source(%dma_start3A_461 : memref<10000x128xf32, #tpu.memory_space<hbm>>) target(%arg9 : memref<128x128xf32, #tpu.memory_space<vmem>>) offsets(%dma_start3A_458 : memref<128xi32, #tpu.memory_space<vmem>>) semaphore(%arg17 : memref<!tpu.dma_semaphore, #tpu.memory_space<semaphore_mem>>)
    }
    %scan3A_174 = arith.constant 24 : i32
    %dma_wait3A_175 = arith.constant 0 : i32
    %dma_wait3A_176 = arith.constant 0 : i32
    %dma_wait3A_177 = tpu.memref_slice %arg6[%dma_wait3A_175, %dma_wait3A_176] : memref<2x128xi32, #tpu.memory_space<vmem>> -> memref<1x128xi32, #tpu.memory_space<vmem>>
    %dma_wait3A_178 = tpu.memref_squeeze %dma_wait3A_177 : memref<1x128xi32, #tpu.memory_space<vmem>> -> memref<128xi32, #tpu.memory_space<vmem>>
    %dma_wait3A_179 = arith.constant 0 : i32
    %dma_wait3A_180 = arith.constant 0 : i32
    %dma_wait3A_181 = tpu.memref_slice %arg2[%dma_wait3A_179, %dma_wait3A_180] : memref<10000x128xf32, #tpu.memory_space<hbm>> -> memref<10000x128xf32, #tpu.memory_space<hbm>>
    tpu.wait_indirect_dma semaphore(%arg17 : memref<!tpu.dma_semaphore, #tpu.memory_space<semaphore_mem>>) src(%dma_wait3A_181 : memref<10000x128xf32, #tpu.memory_space<hbm>>) dst(%arg9 : memref<128x128xf32, #tpu.memory_space<vmem>>)
    %dma_start3A_182 = arith.constant 1 : i32
    %dma_start3A_183 = arith.constant 0 : i32
    %dma_start3A_184 = tpu.memref_slice %arg6[%dma_start3A_182, %dma_start3A_183] : memref<2x128xi32, #tpu.memory_space<vmem>> -> memref<1x128xi32, #tpu.memory_space<vmem>>
    %dma_start3A_185 = tpu.memref_squeeze %dma_start3A_184 : memref<1x128xi32, #tpu.memory_space<vmem>> -> memref<128xi32, #tpu.memory_space<vmem>>
    %dma_start3A_186 = arith.constant 0 : i32
    %dma_start3A_187 = arith.constant 0 : i32
    %dma_start3A_188 = tpu.memref_slice %arg13[%dma_start3A_186, %dma_start3A_187] : memref<10000x128xf32, #tpu.memory_space<vmem_shared>> -> memref<10000x128xf32, #tpu.memory_space<vmem_shared>>
    tpu.enqueue_indirect_dma source(%arg9 : memref<128x128xf32, #tpu.memory_space<vmem>>) target(%dma_start3A_188 : memref<10000x128xf32, #tpu.memory_space<vmem_shared>>) offsets(%dma_start3A_185 : memref<128xi32, #tpu.memory_space<vmem>>) semaphore(%arg20 : memref<!tpu.dma_semaphore, #tpu.memory_space<semaphore_mem>>) {add = true}
    %dma_wait3A_189 = arith.constant 1 : i32
    %dma_wait3A_190 = arith.constant 0 : i32
    %dma_wait3A_191 = tpu.memref_slice %arg8[%dma_wait3A_189, %dma_wait3A_190] : memref<2x128xi32, #tpu.memory_space<vmem>> -> memref<1x128xi32, #tpu.memory_space<vmem>>
    %dma_wait3A_192 = tpu.memref_squeeze %dma_wait3A_191 : memref<1x128xi32, #tpu.memory_space<vmem>> -> memref<128xi32, #tpu.memory_space<vmem>>
    %dma_wait3A_193 = arith.constant 0 : i32
    %dma_wait3A_194 = arith.constant 0 : i32
    %dma_wait3A_195 = tpu.memref_slice %arg13[%dma_wait3A_193, %dma_wait3A_194] : memref<10000x128xf32, #tpu.memory_space<vmem_shared>> -> memref<10000x128xf32, #tpu.memory_space<vmem_shared>>
    tpu.wait_indirect_dma semaphore(%arg22 : memref<!tpu.dma_semaphore, #tpu.memory_space<semaphore_mem>>) src(%arg11 : memref<128x128xf32, #tpu.memory_space<vmem>>) dst(%dma_wait3A_195 : memref<10000x128xf32, #tpu.memory_space<vmem_shared>>)
    %add3A_196 = arith.constant 77 : i32
    %add3A_197 = arith.addi %mul3A_15, %add3A_196 : i32
    %mul3A_198 = arith.constant 128 : i32
    %mul3A_199 = arith.muli %add3A_197, %mul3A_198 : i32
    %dma_start3A_200 = arith.constant 0 : i32
    %dma_start3A_201 = tpu.memref_slice %arg3[%dma_start3A_200, %mul3A_199] : memref<2x320000xi32, #tpu.memory_space<hbm>> -> memref<2x128xi32, #tpu.memory_space<hbm>>
    %dma_start3A_202 = arith.constant 0 : i32
    %dma_start3A_203 = tpu.memref_slice %arg3[%dma_start3A_202, %mul3A_199] : memref<2x320000xi32, #tpu.memory_space<hbm>> -> memref<2x128xi32, #tpu.memory_space<hbm>>
    tpu.enqueue_dma source(%dma_start3A_203 : memref<2x128xi32, #tpu.memory_space<hbm>>) target(%arg8 : memref<2x128xi32, #tpu.memory_space<vmem>>) target_semaphore(%arg16 : memref<!tpu.dma_semaphore, #tpu.memory_space<semaphore_mem>>)
    %add3A_204 = arith.constant 76 : i32
    %add3A_205 = arith.addi %mul3A_15, %add3A_204 : i32
    %mul3A_206 = arith.constant 128 : i32
    %mul3A_207 = arith.muli %add3A_205, %mul3A_206 : i32
    %dma_wait3A_208 = arith.constant 0 : i32
    %dma_wait3A_209 = tpu.memref_slice %arg3[%dma_wait3A_208, %mul3A_207] : memref<2x320000xi32, #tpu.memory_space<hbm>> -> memref<2x128xi32, #tpu.memory_space<hbm>>
    %dma_wait3A_210 = arith.constant 0 : i32
    %dma_wait3A_211 = tpu.memref_slice %arg3[%dma_wait3A_210, %mul3A_207] : memref<2x320000xi32, #tpu.memory_space<hbm>> -> memref<2x128xi32, #tpu.memory_space<hbm>>
    tpu.wait_dma2 semaphore(%arg15 : memref<!tpu.dma_semaphore, #tpu.memory_space<semaphore_mem>>) src(%dma_wait3A_211 : memref<2x128xi32, #tpu.memory_space<hbm>>) dst(%arg7 : memref<2x128xi32, #tpu.memory_space<vmem>>)
    %dma_start3A_212 = arith.constant 0 : i32
    %dma_start3A_213 = arith.constant 0 : i32
    %dma_start3A_214 = tpu.memref_slice %arg7[%dma_start3A_212, %dma_start3A_213] : memref<2x128xi32, #tpu.memory_space<vmem>> -> memref<1x128xi32, #tpu.memory_space<vmem>>
    %dma_start3A_215 = tpu.memref_squeeze %dma_start3A_214 : memref<1x128xi32, #tpu.memory_space<vmem>> -> memref<128xi32, #tpu.memory_space<vmem>>
    %dma_start3A_216 = arith.constant 0 : i32
    %dma_start3A_217 = arith.constant 0 : i32
    %dma_start3A_218 = tpu.memref_slice %arg2[%dma_start3A_216, %dma_start3A_217] : memref<10000x128xf32, #tpu.memory_space<hbm>> -> memref<10000x128xf32, #tpu.memory_space<hbm>>
    tpu.enqueue_indirect_dma source(%dma_start3A_218 : memref<10000x128xf32, #tpu.memory_space<hbm>>) target(%arg10 : memref<128x128xf32, #tpu.memory_space<vmem>>) offsets(%dma_start3A_215 : memref<128xi32, #tpu.memory_space<vmem>>) semaphore(%arg18 : memref<!tpu.dma_semaphore, #tpu.memory_space<semaphore_mem>>)
    %dma_wait3A_219 = arith.constant 0 : i32
    %dma_wait3A_220 = arith.constant 0 : i32
    %dma_wait3A_221 = tpu.memref_slice %arg7[%dma_wait3A_219, %dma_wait3A_220] : memref<2x128xi32, #tpu.memory_space<vmem>> -> memref<1x128xi32, #tpu.memory_space<vmem>>
    %dma_wait3A_222 = tpu.memref_squeeze %dma_wait3A_221 : memref<1x128xi32, #tpu.memory_space<vmem>> -> memref<128xi32, #tpu.memory_space<vmem>>
    %dma_wait3A_223 = arith.constant 0 : i32
    %dma_wait3A_224 = arith.constant 0 : i32
    %dma_wait3A_225 = tpu.memref_slice %arg2[%dma_wait3A_223, %dma_wait3A_224] : memref<10000x128xf32, #tpu.memory_space<hbm>> -> memref<10000x128xf32, #tpu.memory_space<hbm>>
    tpu.wait_indirect_dma semaphore(%arg18 : memref<!tpu.dma_semaphore, #tpu.memory_space<semaphore_mem>>) src(%dma_wait3A_225 : memref<10000x128xf32, #tpu.memory_space<hbm>>) dst(%arg10 : memref<128x128xf32, #tpu.memory_space<vmem>>)
    %dma_start3A_226 = arith.constant 1 : i32
    %dma_start3A_227 = arith.constant 0 : i32
    %dma_start3A_228 = tpu.memref_slice %arg7[%dma_start3A_226, %dma_start3A_227] : memref<2x128xi32, #tpu.memory_space<vmem>> -> memref<1x128xi32, #tpu.memory_space<vmem>>
    %dma_start3A_229 = tpu.memref_squeeze %dma_start3A_228 : memref<1x128xi32, #tpu.memory_space<vmem>> -> memref<128xi32, #tpu.memory_space<vmem>>
    %dma_start3A_230 = arith.constant 0 : i32
    %dma_start3A_231 = arith.constant 0 : i32
    %dma_start3A_232 = tpu.memref_slice %arg13[%dma_start3A_230, %dma_start3A_231] : memref<10000x128xf32, #tpu.memory_space<vmem_shared>> -> memref<10000x128xf32, #tpu.memory_space<vmem_shared>>
    tpu.enqueue_indirect_dma source(%arg10 : memref<128x128xf32, #tpu.memory_space<vmem>>) target(%dma_start3A_232 : memref<10000x128xf32, #tpu.memory_space<vmem_shared>>) offsets(%dma_start3A_229 : memref<128xi32, #tpu.memory_space<vmem>>) semaphore(%arg21 : memref<!tpu.dma_semaphore, #tpu.memory_space<semaphore_mem>>) {add = true}
    %dma_wait3A_233 = arith.constant 1 : i32
    %dma_wait3A_234 = arith.constant 0 : i32
    %dma_wait3A_235 = tpu.memref_slice %arg6[%dma_wait3A_233, %dma_wait3A_234] : memref<2x128xi32, #tpu.memory_space<vmem>> -> memref<1x128xi32, #tpu.memory_space<vmem>>
    %dma_wait3A_236 = tpu.memref_squeeze %dma_wait3A_235 : memref<1x128xi32, #tpu.memory_space<vmem>> -> memref<128xi32, #tpu.memory_space<vmem>>
    %dma_wait3A_237 = arith.constant 0 : i32
    %dma_wait3A_238 = arith.constant 0 : i32
    %dma_wait3A_239 = tpu.memref_slice %arg13[%dma_wait3A_237, %dma_wait3A_238] : memref<10000x128xf32, #tpu.memory_space<vmem_shared>> -> memref<10000x128xf32, #tpu.memory_space<vmem_shared>>
    tpu.wait_indirect_dma semaphore(%arg20 : memref<!tpu.dma_semaphore, #tpu.memory_space<semaphore_mem>>) src(%arg9 : memref<128x128xf32, #tpu.memory_space<vmem>>) dst(%dma_wait3A_239 : memref<10000x128xf32, #tpu.memory_space<vmem_shared>>)
    %add3A_240 = arith.constant 77 : i32
    %add3A_241 = arith.addi %mul3A_15, %add3A_240 : i32
    %mul3A_242 = arith.constant 128 : i32
    %mul3A_243 = arith.muli %add3A_241, %mul3A_242 : i32
    %dma_wait3A_244 = arith.constant 0 : i32
    %dma_wait3A_245 = tpu.memref_slice %arg3[%dma_wait3A_244, %mul3A_243] : memref<2x320000xi32, #tpu.memory_space<hbm>> -> memref<2x128xi32, #tpu.memory_space<hbm>>
    %dma_wait3A_246 = arith.constant 0 : i32
    %dma_wait3A_247 = tpu.memref_slice %arg3[%dma_wait3A_246, %mul3A_243] : memref<2x320000xi32, #tpu.memory_space<hbm>> -> memref<2x128xi32, #tpu.memory_space<hbm>>
    tpu.wait_dma2 semaphore(%arg16 : memref<!tpu.dma_semaphore, #tpu.memory_space<semaphore_mem>>) src(%dma_wait3A_247 : memref<2x128xi32, #tpu.memory_space<hbm>>) dst(%arg8 : memref<2x128xi32, #tpu.memory_space<vmem>>)
    %dma_start3A_248 = arith.constant 0 : i32
    %dma_start3A_249 = arith.constant 0 : i32
    %dma_start3A_250 = tpu.memref_slice %arg8[%dma_start3A_248, %dma_start3A_249] : memref<2x128xi32, #tpu.memory_space<vmem>> -> memref<1x128xi32, #tpu.memory_space<vmem>>
    %dma_start3A_251 = tpu.memref_squeeze %dma_start3A_250 : memref<1x128xi32, #tpu.memory_space<vmem>> -> memref<128xi32, #tpu.memory_space<vmem>>
    %dma_start3A_252 = arith.constant 0 : i32
    %dma_start3A_253 = arith.constant 0 : i32
    %dma_start3A_254 = tpu.memref_slice %arg2[%dma_start3A_252, %dma_start3A_253] : memref<10000x128xf32, #tpu.memory_space<hbm>> -> memref<10000x128xf32, #tpu.memory_space<hbm>>
    tpu.enqueue_indirect_dma source(%dma_start3A_254 : memref<10000x128xf32, #tpu.memory_space<hbm>>) target(%arg11 : memref<128x128xf32, #tpu.memory_space<vmem>>) offsets(%dma_start3A_251 : memref<128xi32, #tpu.memory_space<vmem>>) semaphore(%arg19 : memref<!tpu.dma_semaphore, #tpu.memory_space<semaphore_mem>>)
    %dma_wait3A_255 = arith.constant 0 : i32
    %dma_wait3A_256 = arith.constant 0 : i32
    %dma_wait3A_257 = tpu.memref_slice %arg8[%dma_wait3A_255, %dma_wait3A_256] : memref<2x128xi32, #tpu.memory_space<vmem>> -> memref<1x128xi32, #tpu.memory_space<vmem>>
    %dma_wait3A_258 = tpu.memref_squeeze %dma_wait3A_257 : memref<1x128xi32, #tpu.memory_space<vmem>> -> memref<128xi32, #tpu.memory_space<vmem>>
    %dma_wait3A_259 = arith.constant 0 : i32
    %dma_wait3A_260 = arith.constant 0 : i32
    %dma_wait3A_261 = tpu.memref_slice %arg2[%dma_wait3A_259, %dma_wait3A_260] : memref<10000x128xf32, #tpu.memory_space<hbm>> -> memref<10000x128xf32, #tpu.memory_space<hbm>>
    tpu.wait_indirect_dma semaphore(%arg19 : memref<!tpu.dma_semaphore, #tpu.memory_space<semaphore_mem>>) src(%dma_wait3A_261 : memref<10000x128xf32, #tpu.memory_space<hbm>>) dst(%arg11 : memref<128x128xf32, #tpu.memory_space<vmem>>)
    %dma_start3A_262 = arith.constant 1 : i32
    %dma_start3A_263 = arith.constant 0 : i32
    %dma_start3A_264 = tpu.memref_slice %arg8[%dma_start3A_262, %dma_start3A_263] : memref<2x128xi32, #tpu.memory_space<vmem>> -> memref<1x128xi32, #tpu.memory_space<vmem>>
    %dma_start3A_265 = tpu.memref_squeeze %dma_start3A_264 : memref<1x128xi32, #tpu.memory_space<vmem>> -> memref<128xi32, #tpu.memory_space<vmem>>
    %dma_start3A_266 = arith.constant 0 : i32
    %dma_start3A_267 = arith.constant 0 : i32
    %dma_start3A_268 = tpu.memref_slice %arg13[%dma_start3A_266, %dma_start3A_267] : memref<10000x128xf32, #tpu.memory_space<vmem_shared>> -> memref<10000x128xf32, #tpu.memory_space<vmem_shared>>
    tpu.enqueue_indirect_dma source(%arg11 : memref<128x128xf32, #tpu.memory_space<vmem>>) target(%dma_start3A_268 : memref<10000x128xf32, #tpu.memory_space<vmem_shared>>) offsets(%dma_start3A_265 : memref<128xi32, #tpu.memory_space<vmem>>) semaphore(%arg22 : memref<!tpu.dma_semaphore, #tpu.memory_space<semaphore_mem>>) {add = true}
    %dma_wait3A_269 = arith.constant 1 : i32
    %dma_wait3A_270 = arith.constant 0 : i32
    %dma_wait3A_271 = tpu.memref_slice %arg7[%dma_wait3A_269, %dma_wait3A_270] : memref<2x128xi32, #tpu.memory_space<vmem>> -> memref<1x128xi32, #tpu.memory_space<vmem>>
    %dma_wait3A_272 = tpu.memref_squeeze %dma_wait3A_271 : memref<1x128xi32, #tpu.memory_space<vmem>> -> memref<128xi32, #tpu.memory_space<vmem>>
    %dma_wait3A_273 = arith.constant 0 : i32
    %dma_wait3A_274 = arith.constant 0 : i32
    %dma_wait3A_275 = tpu.memref_slice %arg13[%dma_wait3A_273, %dma_wait3A_274] : memref<10000x128xf32, #tpu.memory_space<vmem_shared>> -> memref<10000x128xf32, #tpu.memory_space<vmem_shared>>
    tpu.wait_indirect_dma semaphore(%arg21 : memref<!tpu.dma_semaphore, #tpu.memory_space<semaphore_mem>>) src(%arg10 : memref<128x128xf32, #tpu.memory_space<vmem>>) dst(%dma_wait3A_275 : memref<10000x128xf32, #tpu.memory_space<vmem_shared>>)
    %dma_wait3A_276 = arith.constant 1 : i32
    %dma_wait3A_277 = arith.constant 0 : i32
    %dma_wait3A_278 = tpu.memref_slice %arg8[%dma_wait3A_276, %dma_wait3A_277] : memref<2x128xi32, #tpu.memory_space<vmem>> -> memref<1x128xi32, #tpu.memory_space<vmem>>
    %dma_wait3A_279 = tpu.memref_squeeze %dma_wait3A_278 : memref<1x128xi32, #tpu.memory_space<vmem>> -> memref<128xi32, #tpu.memory_space<vmem>>
    %dma_wait3A_280 = arith.constant 0 : i32
    %dma_wait3A_281 = arith.constant 0 : i32
    %dma_wait3A_282 = tpu.memref_slice %arg13[%dma_wait3A_280, %dma_wait3A_281] : memref<10000x128xf32, #tpu.memory_space<vmem_shared>> -> memref<10000x128xf32, #tpu.memory_space<vmem_shared>>
    tpu.wait_indirect_dma semaphore(%arg22 : memref<!tpu.dma_semaphore, #tpu.memory_space<semaphore_mem>>) src(%arg11 : memref<128x128xf32, #tpu.memory_space<vmem>>) dst(%dma_wait3A_282 : memref<10000x128xf32, #tpu.memory_space<vmem_shared>>)
    %lt3A = arith.constant 2 : i32
    %lt3A_283 = arith.cmpi slt, %arg1, %lt3A : i32
    %convert_element_type3A_284 = arith.extui %lt3A_283 : i1 to i32
    %cond3A_285 = arith.constant 0 : i32
    %cond3A_286 = arith.cmpi ne, %convert_element_type3A_284, %cond3A_285 : i32
    scf.if %cond3A_286 {
      %mul3A_298 = arith.constant 2 : i32
      %mul3A_299 = arith.muli %arg0, %mul3A_298 : i32
      %add3A_300 = arith.constant 2496 : i32
      %add3A_301 = arith.addi %add3A_300, %mul3A_299 : i32
      %add3A_302 = arith.addi %add3A_301, %arg1 : i32
      %mul3A_303 = arith.constant 128 : i32
      %mul3A_304 = arith.muli %add3A_302, %mul3A_303 : i32
      "tpu.region"() ({
        %run_scoped3A_319 = tpu.sem_alloc : memref<!tpu.dma_semaphore, #tpu.memory_space<semaphore_mem>>
        %dma_start3A_320 = arith.constant 0 : i32
        %dma_start3A_321 = tpu.memref_slice %arg3[%dma_start3A_320, %mul3A_304] : memref<2x320000xi32, #tpu.memory_space<hbm>> -> memref<2x128xi32, #tpu.memory_space<hbm>>
        %dma_start3A_322 = arith.constant 0 : i32
        %dma_start3A_323 = tpu.memref_slice %arg3[%dma_start3A_322, %mul3A_304] : memref<2x320000xi32, #tpu.memory_space<hbm>> -> memref<2x128xi32, #tpu.memory_space<hbm>>
        tpu.enqueue_dma source(%dma_start3A_323 : memref<2x128xi32, #tpu.memory_space<hbm>>) target(%arg6 : memref<2x128xi32, #tpu.memory_space<vmem>>) target_semaphore(%run_scoped3A_319 : memref<!tpu.dma_semaphore, #tpu.memory_space<semaphore_mem>>)
        %dma_wait3A_324 = arith.constant 0 : i32
        %dma_wait3A_325 = tpu.memref_slice %arg3[%dma_wait3A_324, %mul3A_304] : memref<2x320000xi32, #tpu.memory_space<hbm>> -> memref<2x128xi32, #tpu.memory_space<hbm>>
        %dma_wait3A_326 = arith.constant 0 : i32
        %dma_wait3A_327 = tpu.memref_slice %arg3[%dma_wait3A_326, %mul3A_304] : memref<2x320000xi32, #tpu.memory_space<hbm>> -> memref<2x128xi32, #tpu.memory_space<hbm>>
        tpu.wait_dma2 semaphore(%run_scoped3A_319 : memref<!tpu.dma_semaphore, #tpu.memory_space<semaphore_mem>>) src(%dma_wait3A_327 : memref<2x128xi32, #tpu.memory_space<hbm>>) dst(%arg6 : memref<2x128xi32, #tpu.memory_space<vmem>>)
        tpu.yield
      }) : () -> ()
      %dma_start3A_305 = arith.constant 0 : i32
      %dma_start3A_306 = arith.constant 0 : i32
      %dma_start3A_307 = tpu.memref_slice %arg6[%dma_start3A_305, %dma_start3A_306] : memref<2x128xi32, #tpu.memory_space<vmem>> -> memref<1x128xi32, #tpu.memory_space<vmem>>
      %dma_start3A_308 = tpu.memref_squeeze %dma_start3A_307 : memref<1x128xi32, #tpu.memory_space<vmem>> -> memref<128xi32, #tpu.memory_space<vmem>>
      %dma_start3A_309 = arith.constant 0 : i32
      %dma_start3A_310 = arith.constant 0 : i32
      %dma_start3A_311 = tpu.memref_slice %arg2[%dma_start3A_309, %dma_start3A_310] : memref<10000x128xf32, #tpu.memory_space<hbm>> -> memref<10000x128xf32, #tpu.memory_space<hbm>>
      tpu.enqueue_indirect_dma source(%dma_start3A_311 : memref<10000x128xf32, #tpu.memory_space<hbm>>) target(%arg9 : memref<128x128xf32, #tpu.memory_space<vmem>>) offsets(%dma_start3A_308 : memref<128xi32, #tpu.memory_space<vmem>>) semaphore(%arg17 : memref<!tpu.dma_semaphore, #tpu.memory_space<semaphore_mem>>)
      %dma_wait3A_312 = arith.constant 0 : i32
      %dma_wait3A_313 = arith.constant 0 : i32
      %dma_wait3A_314 = tpu.memref_slice %arg6[%dma_wait3A_312, %dma_wait3A_313] : memref<2x128xi32, #tpu.memory_space<vmem>> -> memref<1x128xi32, #tpu.memory_space<vmem>>
      %dma_wait3A_315 = tpu.memref_squeeze %dma_wait3A_314 : memref<1x128xi32, #tpu.memory_space<vmem>> -> memref<128xi32, #tpu.memory_space<vmem>>
      %dma_wait3A_316 = arith.constant 0 : i32
      %dma_wait3A_317 = arith.constant 0 : i32
      %dma_wait3A_318 = tpu.memref_slice %arg2[%dma_wait3A_316, %dma_wait3A_317] : memref<10000x128xf32, #tpu.memory_space<hbm>> -> memref<10000x128xf32, #tpu.memory_space<hbm>>
      tpu.wait_indirect_dma semaphore(%arg17 : memref<!tpu.dma_semaphore, #tpu.memory_space<semaphore_mem>>) src(%dma_wait3A_318 : memref<10000x128xf32, #tpu.memory_space<hbm>>) dst(%arg9 : memref<128x128xf32, #tpu.memory_space<vmem>>)
      %run_scoped3A = arith.constant 1 : i32
      "tpu.region"() ({
        %run_scoped3A_319 = tpu.sem_alloc : memref<!tpu.dma_semaphore, #tpu.memory_space<semaphore_mem>>
        %dma_start3A_320 = arith.constant 0 : i32
        %dma_start3A_321 = tpu.memref_slice %arg6[%run_scoped3A, %dma_start3A_320] : memref<2x128xi32, #tpu.memory_space<vmem>> -> memref<1x128xi32, #tpu.memory_space<vmem>>
        %dma_start3A_322 = tpu.memref_squeeze %dma_start3A_321 : memref<1x128xi32, #tpu.memory_space<vmem>> -> memref<128xi32, #tpu.memory_space<vmem>>
        %dma_start3A_323 = arith.constant 0 : i32
        %dma_start3A_324 = arith.constant 0 : i32
        %dma_start3A_325 = tpu.memref_slice %arg13[%dma_start3A_323, %dma_start3A_324] : memref<10000x128xf32, #tpu.memory_space<vmem_shared>> -> memref<10000x128xf32, #tpu.memory_space<vmem_shared>>
        tpu.enqueue_indirect_dma source(%arg9 : memref<128x128xf32, #tpu.memory_space<vmem>>) target(%dma_start3A_325 : memref<10000x128xf32, #tpu.memory_space<vmem_shared>>) offsets(%dma_start3A_322 : memref<128xi32, #tpu.memory_space<vmem>>) semaphore(%run_scoped3A_319 : memref<!tpu.dma_semaphore, #tpu.memory_space<semaphore_mem>>) {add = true}
        %dma_wait3A_326 = arith.constant 0 : i32
        %dma_wait3A_327 = tpu.memref_slice %arg6[%run_scoped3A, %dma_wait3A_326] : memref<2x128xi32, #tpu.memory_space<vmem>> -> memref<1x128xi32, #tpu.memory_space<vmem>>
        %dma_wait3A_328 = tpu.memref_squeeze %dma_wait3A_327 : memref<1x128xi32, #tpu.memory_space<vmem>> -> memref<128xi32, #tpu.memory_space<vmem>>
        %dma_wait3A_329 = arith.constant 0 : i32
        %dma_wait3A_330 = arith.constant 0 : i32
        %dma_wait3A_331 = tpu.memref_slice %arg13[%dma_wait3A_329, %dma_wait3A_330] : memref<10000x128xf32, #tpu.memory_space<vmem_shared>> -> memref<10000x128xf32, #tpu.memory_space<vmem_shared>>
        tpu.wait_indirect_dma semaphore(%run_scoped3A_319 : memref<!tpu.dma_semaphore, #tpu.memory_space<semaphore_mem>>) src(%arg9 : memref<128x128xf32, #tpu.memory_space<vmem>>) dst(%dma_wait3A_331 : memref<10000x128xf32, #tpu.memory_space<vmem_shared>>)
        tpu.yield
      }) : () -> ()
    } else {
    }
    %barrier3A_287 = arith.constant 0 : index
    tpu.barrier barrier_id(%barrier3A_287)
    %eq3A_288 = arith.constant 0 : i32
    %eq3A_289 = arith.cmpi eq, %arg0, %eq3A_288 : i32
    %convert_element_type3A_290 = arith.extui %eq3A_289 : i1 to i32
    %cond3A_291 = arith.constant 0 : i32
    %cond3A_292 = arith.cmpi ne, %convert_element_type3A_290, %cond3A_291 : i32
    scf.if %cond3A_292 {
      "tpu.region"() ({
        %run_scoped3A = tpu.sem_alloc : memref<!tpu.dma_semaphore, #tpu.memory_space<semaphore_mem>>
        %dma_start3A_303 = arith.constant 0 : i32
        %dma_start3A_304 = tpu.memref_slice %arg4[%mul3A_4, %dma_start3A_303] : memref<10000x128xf32, #tpu.memory_space<hbm>> -> memref<624x128xf32, #tpu.memory_space<hbm>>
        %dma_start3A_305 = arith.constant 0 : i32
        %dma_start3A_306 = tpu.memref_slice %arg13[%mul3A_4, %dma_start3A_305] : memref<10000x128xf32, #tpu.memory_space<vmem_shared>> -> memref<624x128xf32, #tpu.memory_space<vmem_shared>>
        tpu.enqueue_dma source(%dma_start3A_306 : memref<624x128xf32, #tpu.memory_space<vmem_shared>>) target(%dma_start3A_304 : memref<624x128xf32, #tpu.memory_space<hbm>>) target_semaphore(%run_scoped3A : memref<!tpu.dma_semaphore, #tpu.memory_space<semaphore_mem>>)
        %dma_wait3A_307 = arith.constant 0 : i32
        %dma_wait3A_308 = tpu.memref_slice %arg4[%mul3A_4, %dma_wait3A_307] : memref<10000x128xf32, #tpu.memory_space<hbm>> -> memref<624x128xf32, #tpu.memory_space<hbm>>
        %dma_wait3A_309 = arith.constant 0 : i32
        %dma_wait3A_310 = tpu.memref_slice %arg13[%mul3A_4, %dma_wait3A_309] : memref<10000x128xf32, #tpu.memory_space<vmem_shared>> -> memref<624x128xf32, #tpu.memory_space<vmem_shared>>
        tpu.wait_dma2 semaphore(%run_scoped3A : memref<!tpu.dma_semaphore, #tpu.memory_space<semaphore_mem>>) src(%dma_wait3A_310 : memref<624x128xf32, #tpu.memory_space<vmem_shared>>) dst(%dma_wait3A_308 : memref<624x128xf32, #tpu.memory_space<hbm>>)
        tpu.yield
      }) : () -> ()
      %eq3A_298 = arith.constant 15 : i32
      %eq3A_299 = arith.cmpi eq, %arg1, %eq3A_298 : i32
      %convert_element_type3A_300 = arith.extui %eq3A_299 : i1 to i32
      %cond3A_301 = arith.constant 0 : i32
      %cond3A_302 = arith.cmpi ne, %convert_element_type3A_300, %cond3A_301 : i32
      scf.if %cond3A_302 {
        "tpu.region"() ({
          %run_scoped3A = tpu.sem_alloc : memref<!tpu.dma_semaphore, #tpu.memory_space<semaphore_mem>>
          %dma_start3A_303 = arith.constant 9984 : i32
          %dma_start3A_304 = arith.constant 0 : i32
          %dma_start3A_305 = tpu.memref_slice %arg4[%dma_start3A_303, %dma_start3A_304] : memref<10000x128xf32, #tpu.memory_space<hbm>> -> memref<16x128xf32, #tpu.memory_space<hbm>>
          %dma_start3A_306 = arith.constant 9984 : i32
          %dma_start3A_307 = arith.constant 0 : i32
          %dma_start3A_308 = tpu.memref_slice %arg13[%dma_start3A_306, %dma_start3A_307] : memref<10000x128xf32, #tpu.memory_space<vmem_shared>> -> memref<16x128xf32, #tpu.memory_space<vmem_shared>>
          tpu.enqueue_dma source(%dma_start3A_308 : memref<16x128xf32, #tpu.memory_space<vmem_shared>>) target(%dma_start3A_305 : memref<16x128xf32, #tpu.memory_space<hbm>>) target_semaphore(%run_scoped3A : memref<!tpu.dma_semaphore, #tpu.memory_space<semaphore_mem>>)
          %dma_wait3A_309 = arith.constant 9984 : i32
          %dma_wait3A_310 = arith.constant 0 : i32
          %dma_wait3A_311 = tpu.memref_slice %arg4[%dma_wait3A_309, %dma_wait3A_310] : memref<10000x128xf32, #tpu.memory_space<hbm>> -> memref<16x128xf32, #tpu.memory_space<hbm>>
          %dma_wait3A_312 = arith.constant 9984 : i32
          %dma_wait3A_313 = arith.constant 0 : i32
          %dma_wait3A_314 = tpu.memref_slice %arg13[%dma_wait3A_312, %dma_wait3A_313] : memref<10000x128xf32, #tpu.memory_space<vmem_shared>> -> memref<16x128xf32, #tpu.memory_space<vmem_shared>>
          tpu.wait_dma2 semaphore(%run_scoped3A : memref<!tpu.dma_semaphore, #tpu.memory_space<semaphore_mem>>) src(%dma_wait3A_314 : memref<16x128xf32, #tpu.memory_space<vmem_shared>>) dst(%dma_wait3A_311 : memref<16x128xf32, #tpu.memory_space<hbm>>)
          tpu.yield
        }) : () -> ()
      } else {
      }
    } else {
    }
    %eq3A_293 = arith.constant 1 : i32
    %eq3A_294 = arith.cmpi eq, %arg0, %eq3A_293 : i32
    %convert_element_type3A_295 = arith.extui %eq3A_294 : i1 to i32
    %cond3A_296 = arith.constant 0 : i32
    %cond3A_297 = arith.cmpi ne, %convert_element_type3A_295, %cond3A_296 : i32
    scf.if %cond3A_297 {
      "tpu.region"() ({
        %run_scoped3A = tpu.sem_alloc : memref<!tpu.dma_semaphore, #tpu.memory_space<semaphore_mem>>
        %dma_start3A_303 = arith.constant 0 : i32
        %dma_start3A_304 = tpu.memref_slice %arg5[%mul3A_4, %dma_start3A_303] : memref<10000x128xf32, #tpu.memory_space<hbm>> -> memref<624x128xf32, #tpu.memory_space<hbm>>
        %dma_start3A_305 = arith.constant 0 : i32
        %dma_start3A_306 = tpu.memref_slice %arg13[%mul3A_4, %dma_start3A_305] : memref<10000x128xf32, #tpu.memory_space<vmem_shared>> -> memref<624x128xf32, #tpu.memory_space<vmem_shared>>
        tpu.enqueue_dma source(%dma_start3A_306 : memref<624x128xf32, #tpu.memory_space<vmem_shared>>) target(%dma_start3A_304 : memref<624x128xf32, #tpu.memory_space<hbm>>) target_semaphore(%run_scoped3A : memref<!tpu.dma_semaphore, #tpu.memory_space<semaphore_mem>>)
        %dma_wait3A_307 = arith.constant 0 : i32
        %dma_wait3A_308 = tpu.memref_slice %arg5[%mul3A_4, %dma_wait3A_307] : memref<10000x128xf32, #tpu.memory_space<hbm>> -> memref<624x128xf32, #tpu.memory_space<hbm>>
        %dma_wait3A_309 = arith.constant 0 : i32
        %dma_wait3A_310 = tpu.memref_slice %arg13[%mul3A_4, %dma_wait3A_309] : memref<10000x128xf32, #tpu.memory_space<vmem_shared>> -> memref<624x128xf32, #tpu.memory_space<vmem_shared>>
        tpu.wait_dma2 semaphore(%run_scoped3A : memref<!tpu.dma_semaphore, #tpu.memory_space<semaphore_mem>>) src(%dma_wait3A_310 : memref<624x128xf32, #tpu.memory_space<vmem_shared>>) dst(%dma_wait3A_308 : memref<624x128xf32, #tpu.memory_space<hbm>>)
        tpu.yield
      }) : () -> ()
      %eq3A_298 = arith.constant 15 : i32
      %eq3A_299 = arith.cmpi eq, %arg1, %eq3A_298 : i32
      %convert_element_type3A_300 = arith.extui %eq3A_299 : i1 to i32
      %cond3A_301 = arith.constant 0 : i32
      %cond3A_302 = arith.cmpi ne, %convert_element_type3A_300, %cond3A_301 : i32
      scf.if %cond3A_302 {
        "tpu.region"() ({
          %run_scoped3A = tpu.sem_alloc : memref<!tpu.dma_semaphore, #tpu.memory_space<semaphore_mem>>
          %dma_start3A_303 = arith.constant 9984 : i32
          %dma_start3A_304 = arith.constant 0 : i32
          %dma_start3A_305 = tpu.memref_slice %arg5[%dma_start3A_303, %dma_start3A_304] : memref<10000x128xf32, #tpu.memory_space<hbm>> -> memref<16x128xf32, #tpu.memory_space<hbm>>
          %dma_start3A_306 = arith.constant 9984 : i32
          %dma_start3A_307 = arith.constant 0 : i32
          %dma_start3A_308 = tpu.memref_slice %arg13[%dma_start3A_306, %dma_start3A_307] : memref<10000x128xf32, #tpu.memory_space<vmem_shared>> -> memref<16x128xf32, #tpu.memory_space<vmem_shared>>
          tpu.enqueue_dma source(%dma_start3A_308 : memref<16x128xf32, #tpu.memory_space<vmem_shared>>) target(%dma_start3A_305 : memref<16x128xf32, #tpu.memory_space<hbm>>) target_semaphore(%run_scoped3A : memref<!tpu.dma_semaphore, #tpu.memory_space<semaphore_mem>>)
          %dma_wait3A_309 = arith.constant 9984 : i32
          %dma_wait3A_310 = arith.constant 0 : i32
          %dma_wait3A_311 = tpu.memref_slice %arg5[%dma_wait3A_309, %dma_wait3A_310] : memref<10000x128xf32, #tpu.memory_space<hbm>> -> memref<16x128xf32, #tpu.memory_space<hbm>>
          %dma_wait3A_312 = arith.constant 9984 : i32
          %dma_wait3A_313 = arith.constant 0 : i32
          %dma_wait3A_314 = tpu.memref_slice %arg13[%dma_wait3A_312, %dma_wait3A_313] : memref<10000x128xf32, #tpu.memory_space<vmem_shared>> -> memref<16x128xf32, #tpu.memory_space<vmem_shared>>
          tpu.wait_dma2 semaphore(%run_scoped3A : memref<!tpu.dma_semaphore, #tpu.memory_space<semaphore_mem>>) src(%dma_wait3A_314 : memref<16x128xf32, #tpu.memory_space<vmem_shared>>) dst(%dma_wait3A_311 : memref<16x128xf32, #tpu.memory_space<hbm>>)
          tpu.yield
        }) : () -> ()
      } else {
      }
    } else {
    }
    return
  }
}

module attributes {stable_mosaic.version = 14 : i64} {
  func.func @_fold_mm_body(%arg0: i32, %arg1: memref<2000x128xf32, #tpu.memory_space<vmem>>, %arg2: memref<128x128xf32, #tpu.memory_space<vmem>>, %arg3: memref<128x128xf32, #tpu.memory_space<vmem>>, %arg4: memref<1x128xf32, #tpu.memory_space<vmem>>, %arg5: memref<2000x128xf32, #tpu.memory_space<vmem>>, %arg6: memref<128x128xf32, #tpu.memory_space<vmem>>, %arg7: memref<1x128xf32, #tpu.memory_space<vmem>>) attributes {dimension_semantics = [#tpu.dimension_semantics<arbitrary>], iteration_bounds = array<i64: 5>, scalar_prefetch = 0 : i64, scratch_operands = 2 : i64, tpu.core_type = #tpu.core_type<tc>, window_params = [{transform_indices = @transform_0, window_bounds = array<i64: 2000, 128>}, {pipeline_mode = #tpu.pipeline_mode<synchronous>, transform_indices = @transform_1, window_bounds = array<i64: 128, 128>}, {pipeline_mode = #tpu.pipeline_mode<synchronous>, transform_indices = @transform_2, window_bounds = array<i64: 128, 128>}, {pipeline_mode = #tpu.pipeline_mode<synchronous>, transform_indices = @transform_3, window_bounds = array<i64: 1, 128>}, {transform_indices = @transform_4, window_bounds = array<i64: 2000, 128>}]} {
    %eq3A = arith.constant 0 : i32
    %eq3A_0 = arith.cmpi eq, %arg0, %eq3A : i32
    %convert_element_type3A = arith.extui %eq3A_0 : i1 to i32
    %cond3A = arith.constant 0 : i32
    %cond3A_1 = arith.cmpi ne, %convert_element_type3A, %cond3A : i32
    scf.if %cond3A_1 {
      %get3A_14 = arith.constant 0 : index
      %get3A_15 = arith.constant 0 : index
      %get3A_16 = vector.load %arg2[%get3A_14, %get3A_15] : memref<128x128xf32, #tpu.memory_space<vmem>>, vector<128x128xf32>
      %get3A_17 = arith.constant 0 : index
      %get3A_18 = arith.constant 0 : index
      %get3A_19 = vector.load %arg3[%get3A_17, %get3A_18] : memref<128x128xf32, #tpu.memory_space<vmem>>, vector<128x128xf32>
      %dot_general3A_20 = arith.constant dense<0.000000e+00> : vector<128x128xf32>
      %dot_general3A_21 = tpu.matmul %get3A_16, %get3A_19, %dot_general3A_20 {dimension_numbers = #tpu.dot_dimension_numbers<[1], [0], [0], [1], [0, 0, 1, 1], [], []>, transpose_lhs_hint = false} : vector<128x128xf32>, vector<128x128xf32>, vector<128x128xf32> -> vector<128x128xf32>
      %swap3A_22 = arith.constant 0 : index
      %swap3A_23 = arith.constant 0 : index
      %swap3A_24 = vector.load %arg6[%swap3A_22, %swap3A_23] : memref<128x128xf32, #tpu.memory_space<vmem>>, vector<128x128xf32>
      tpu.vector_store %arg6[%swap3A_22, %swap3A_23], %dot_general3A_21 {strides = array<i32>} : memref<128x128xf32, #tpu.memory_space<vmem>>, vector<128x128xf32>,
      %get3A_25 = arith.constant 0 : index
      %get3A_26 = arith.constant 0 : index
      %get3A_27 = vector.load %arg4[%get3A_25, %get3A_26] : memref<1x128xf32, #tpu.memory_space<vmem>>, vector<1x128xf32>
      %get3A_28 = arith.constant 0 : index
      %get3A_29 = arith.constant 0 : index
      %get3A_30 = vector.load %arg3[%get3A_28, %get3A_29] : memref<128x128xf32, #tpu.memory_space<vmem>>, vector<128x128xf32>
      %dot_general3A_31 = arith.constant dense<0.000000e+00> : vector<1x128xf32>
      %dot_general3A_32 = tpu.matmul %get3A_27, %get3A_30, %dot_general3A_31 {dimension_numbers = #tpu.dot_dimension_numbers<[1], [0], [0], [1], [0, 0, 1, 1], [], []>, transpose_lhs_hint = false} : vector<1x128xf32>, vector<128x128xf32>, vector<1x128xf32> -> vector<1x128xf32>
      %swap3A_33 = arith.constant 0 : index
      %swap3A_34 = arith.constant 0 : index
      %swap3A_35 = vector.load %arg7[%swap3A_33, %swap3A_34] : memref<1x128xf32, #tpu.memory_space<vmem>>, vector<1x128xf32>
      tpu.vector_store %arg7[%swap3A_33, %swap3A_34], %dot_general3A_32 {strides = array<i32>} : memref<1x128xf32, #tpu.memory_space<vmem>>, vector<1x128xf32>,
    } else {
    }
    %get3A = arith.constant 0 : index
    %get3A_2 = arith.constant 0 : index
    %get3A_3 = vector.load %arg1[%get3A, %get3A_2] : memref<2000x128xf32, #tpu.memory_space<vmem>>, vector<2000x128xf32>
    %get3A_4 = arith.constant 0 : index
    %get3A_5 = arith.constant 0 : index
    %get3A_6 = vector.load %arg6[%get3A_4, %get3A_5] : memref<128x128xf32, #tpu.memory_space<vmem>>, vector<128x128xf32>
    %dot_general3A = arith.constant dense<0.000000e+00> : vector<2000x128xf32>
    %dot_general3A_7 = tpu.matmul %get3A_3, %get3A_6, %dot_general3A {dimension_numbers = #tpu.dot_dimension_numbers<[1], [0], [0], [1], [0, 0, 1, 1], [], []>, transpose_lhs_hint = false} : vector<2000x128xf32>, vector<128x128xf32>, vector<2000x128xf32> -> vector<2000x128xf32>
    %get3A_8 = arith.constant 0 : index
    %get3A_9 = arith.constant 0 : index
    %get3A_10 = vector.load %arg7[%get3A_8, %get3A_9] : memref<1x128xf32, #tpu.memory_space<vmem>>, vector<1x128xf32>
    %add3A = vector.broadcast %get3A_10 : vector<1x128xf32> to vector<2000x128xf32>
    %add3A_11 = arith.addf %dot_general3A_7, %add3A : vector<2000x128xf32>
    %swap3A = arith.constant 0 : index
    %swap3A_12 = arith.constant 0 : index
    %swap3A_13 = vector.load %arg5[%swap3A, %swap3A_12] : memref<2000x128xf32, #tpu.memory_space<vmem>>, vector<2000x128xf32>
    tpu.vector_store %arg5[%swap3A, %swap3A_12], %add3A_11 {strides = array<i32>} : memref<2000x128xf32, #tpu.memory_space<vmem>>, vector<2000x128xf32>,
    return
  }
  func.func @transform_0(%arg0: i32) -> (i32, i32) {
    %c0_i32 = arith.constant 0 : i32
    %c0_i32_0 = arith.constant 0 : i32
    return %arg0, %c0_i32 : i32, i32
  }
  func.func @transform_1(%arg0: i32) -> (i32, i32) {
    %c0_i32 = arith.constant 0 : i32
    %c0_i32_0 = arith.constant 0 : i32
    %c0_i32_1 = arith.constant 0 : i32
    return %c0_i32, %c0_i32_0 : i32, i32
  }
  func.func @transform_2(%arg0: i32) -> (i32, i32) {
    %c0_i32 = arith.constant 0 : i32
    %c0_i32_0 = arith.constant 0 : i32
    %c0_i32_1 = arith.constant 0 : i32
    return %c0_i32, %c0_i32_0 : i32, i32
  }
  func.func @transform_3(%arg0: i32) -> (i32, i32) {
    %c0_i32 = arith.constant 0 : i32
    %c0_i32_0 = arith.constant 0 : i32
    %c0_i32_1 = arith.constant 0 : i32
    return %c0_i32, %c0_i32_0 : i32, i32
  }
  func.func @transform_4(%arg0: i32) -> (i32, i32) {
    %c0_i32 = arith.constant 0 : i32
    %c0_i32_0 = arith.constant 0 : i32
    return %arg0, %c0_i32 : i32, i32
  }
}

module attributes {stable_mosaic.version = 14 : i64} {
  func.func @_agg_relu_mm_body(%arg0: i32, %arg1: memref<2000x128xf32, #tpu.memory_space<vmem>>, %arg2: memref<2000x128xf32, #tpu.memory_space<vmem>>, %arg3: memref<2000x128xf32, #tpu.memory_space<vmem>>, %arg4: memref<128x128xf32, #tpu.memory_space<vmem>>, %arg5: memref<1x128xf32, #tpu.memory_space<vmem>>, %arg6: memref<2000x128xf32, #tpu.memory_space<vmem>>) attributes {dimension_semantics = [#tpu.dimension_semantics<arbitrary>], iteration_bounds = array<i64: 5>, scalar_prefetch = 0 : i64, scratch_operands = 0 : i64, tpu.core_type = #tpu.core_type<tc>, window_params = [{transform_indices = @transform_0, window_bounds = array<i64: 2000, 128>}, {transform_indices = @transform_1, window_bounds = array<i64: 2000, 128>}, {transform_indices = @transform_2, window_bounds = array<i64: 2000, 128>}, {pipeline_mode = #tpu.pipeline_mode<synchronous>, transform_indices = @transform_3, window_bounds = array<i64: 128, 128>}, {pipeline_mode = #tpu.pipeline_mode<synchronous>, transform_indices = @transform_4, window_bounds = array<i64: 1, 128>}, {transform_indices = @transform_5, window_bounds = array<i64: 2000, 128>}]} {
    %get3A = arith.constant 0 : index
    %get3A_0 = arith.constant 0 : index
    %get3A_1 = vector.load %arg1[%get3A, %get3A_0] : memref<2000x128xf32, #tpu.memory_space<vmem>>, vector<2000x128xf32>
    %get3A_2 = arith.constant 0 : index
    %get3A_3 = arith.constant 0 : index
    %get3A_4 = vector.load %arg2[%get3A_2, %get3A_3] : memref<2000x128xf32, #tpu.memory_space<vmem>>, vector<2000x128xf32>
    %add3A = arith.addf %get3A_1, %get3A_4 : vector<2000x128xf32>
    %get3A_5 = arith.constant 0 : index
    %get3A_6 = arith.constant 0 : index
    %get3A_7 = vector.load %arg3[%get3A_5, %get3A_6] : memref<2000x128xf32, #tpu.memory_space<vmem>>, vector<2000x128xf32>
    %add3A_8 = arith.addf %add3A, %get3A_7 : vector<2000x128xf32>
    %get3A_9 = arith.constant 0 : index
    %get3A_10 = arith.constant 0 : index
    %get3A_11 = vector.load %arg5[%get3A_9, %get3A_10] : memref<1x128xf32, #tpu.memory_space<vmem>>, vector<1x128xf32>
    %add3A_12 = vector.broadcast %get3A_11 : vector<1x128xf32> to vector<2000x128xf32>
    %add3A_13 = arith.addf %add3A_8, %add3A_12 : vector<2000x128xf32>
    %max3A = arith.constant 0.000000e+00 : f32
    %max3A_14 = vector.broadcast %max3A : f32 to vector<2000x128xf32>
    %max3A_15 = arith.maximumf %add3A_13, %max3A_14 : vector<2000x128xf32>
    %get3A_16 = arith.constant 0 : index
    %get3A_17 = arith.constant 0 : index
    %get3A_18 = vector.load %arg4[%get3A_16, %get3A_17] : memref<128x128xf32, #tpu.memory_space<vmem>>, vector<128x128xf32>
    %dot_general3A = arith.constant dense<0.000000e+00> : vector<2000x128xf32>
    %dot_general3A_19 = tpu.matmul %max3A_15, %get3A_18, %dot_general3A {dimension_numbers = #tpu.dot_dimension_numbers<[1], [0], [0], [1], [0, 0, 1, 1], [], []>, transpose_lhs_hint = false} : vector<2000x128xf32>, vector<128x128xf32>, vector<2000x128xf32> -> vector<2000x128xf32>
    %swap3A = arith.constant 0 : index
    %swap3A_20 = arith.constant 0 : index
    %swap3A_21 = vector.load %arg6[%swap3A, %swap3A_20] : memref<2000x128xf32, #tpu.memory_space<vmem>>, vector<2000x128xf32>
    tpu.vector_store %arg6[%swap3A, %swap3A_20], %dot_general3A_19 {strides = array<i32>} : memref<2000x128xf32, #tpu.memory_space<vmem>>, vector<2000x128xf32>,
    return
  }
  func.func @transform_0(%arg0: i32) -> (i32, i32) {
    %c0_i32 = arith.constant 0 : i32
    %c0_i32_0 = arith.constant 0 : i32
    return %arg0, %c0_i32 : i32, i32
  }
  func.func @transform_1(%arg0: i32) -> (i32, i32) {
    %c0_i32 = arith.constant 0 : i32
    %c0_i32_0 = arith.constant 0 : i32
    return %arg0, %c0_i32 : i32, i32
  }
  func.func @transform_2(%arg0: i32) -> (i32, i32) {
    %c0_i32 = arith.constant 0 : i32
    %c0_i32_0 = arith.constant 0 : i32
    return %arg0, %c0_i32 : i32, i32
  }
  func.func @transform_3(%arg0: i32) -> (i32, i32) {
    %c0_i32 = arith.constant 0 : i32
    %c0_i32_0 = arith.constant 0 : i32
    %c0_i32_1 = arith.constant 0 : i32
    return %c0_i32, %c0_i32_0 : i32, i32
  }
  func.func @transform_4(%arg0: i32) -> (i32, i32) {
    %c0_i32 = arith.constant 0 : i32
    %c0_i32_0 = arith.constant 0 : i32
    %c0_i32_1 = arith.constant 0 : i32
    return %c0_i32, %c0_i32_0 : i32, i32
  }
  func.func @transform_5(%arg0: i32) -> (i32, i32) {
    %c0_i32 = arith.constant 0 : i32
    %c0_i32_0 = arith.constant 0 : i32
    return %arg0, %c0_i32 : i32, i32
  }
}

module attributes {stable_mosaic.version = 14 : i64} {
  func.func @_final_add_body(%arg0: i32, %arg1: memref<2000x128xf32, #tpu.memory_space<vmem>>, %arg2: memref<2000x128xf32, #tpu.memory_space<vmem>>, %arg3: memref<2000x128xf32, #tpu.memory_space<vmem>>, %arg4: memref<1x128xf32, #tpu.memory_space<vmem>>, %arg5: memref<2000x128xf32, #tpu.memory_space<vmem>>) attributes {dimension_semantics = [#tpu.dimension_semantics<arbitrary>], iteration_bounds = array<i64: 5>, scalar_prefetch = 0 : i64, scratch_operands = 0 : i64, tpu.core_type = #tpu.core_type<tc>, window_params = [{transform_indices = @transform_0, window_bounds = array<i64: 2000, 128>}, {transform_indices = @transform_1, window_bounds = array<i64: 2000, 128>}, {transform_indices = @transform_2, window_bounds = array<i64: 2000, 128>}, {pipeline_mode = #tpu.pipeline_mode<synchronous>, transform_indices = @transform_3, window_bounds = array<i64: 1, 128>}, {transform_indices = @transform_4, window_bounds = array<i64: 2000, 128>}]} {
    %get3A = arith.constant 0 : index
    %get3A_0 = arith.constant 0 : index
    %get3A_1 = vector.load %arg1[%get3A, %get3A_0] : memref<2000x128xf32, #tpu.memory_space<vmem>>, vector<2000x128xf32>
    %get3A_2 = arith.constant 0 : index
    %get3A_3 = arith.constant 0 : index
    %get3A_4 = vector.load %arg2[%get3A_2, %get3A_3] : memref<2000x128xf32, #tpu.memory_space<vmem>>, vector<2000x128xf32>
    %add3A = arith.addf %get3A_1, %get3A_4 : vector<2000x128xf32>
    %get3A_5 = arith.constant 0 : index
    %get3A_6 = arith.constant 0 : index
    %get3A_7 = vector.load %arg3[%get3A_5, %get3A_6] : memref<2000x128xf32, #tpu.memory_space<vmem>>, vector<2000x128xf32>
    %add3A_8 = arith.addf %add3A, %get3A_7 : vector<2000x128xf32>
    %get3A_9 = arith.constant 0 : index
    %get3A_10 = arith.constant 0 : index
    %get3A_11 = vector.load %arg4[%get3A_9, %get3A_10] : memref<1x128xf32, #tpu.memory_space<vmem>>, vector<1x128xf32>
    %add3A_12 = vector.broadcast %get3A_11 : vector<1x128xf32> to vector<2000x128xf32>
    %add3A_13 = arith.addf %add3A_8, %add3A_12 : vector<2000x128xf32>
    %swap3A = arith.constant 0 : index
    %swap3A_14 = arith.constant 0 : index
    %swap3A_15 = vector.load %arg5[%swap3A, %swap3A_14] : memref<2000x128xf32, #tpu.memory_space<vmem>>, vector<2000x128xf32>
    tpu.vector_store %arg5[%swap3A, %swap3A_14], %add3A_13 {strides = array<i32>} : memref<2000x128xf32, #tpu.memory_space<vmem>>, vector<2000x128xf32>,
    return
  }
  func.func @transform_0(%arg0: i32) -> (i32, i32) {
    %c0_i32 = arith.constant 0 : i32
    %c0_i32_0 = arith.constant 0 : i32
    return %arg0, %c0_i32 : i32, i32
  }
  func.func @transform_1(%arg0: i32) -> (i32, i32) {
    %c0_i32 = arith.constant 0 : i32
    %c0_i32_0 = arith.constant 0 : i32
    return %arg0, %c0_i32 : i32, i32
  }
  func.func @transform_2(%arg0: i32) -> (i32, i32) {
    %c0_i32 = arith.constant 0 : i32
    %c0_i32_0 = arith.constant 0 : i32
    return %arg0, %c0_i32 : i32, i32
  }
  func.func @transform_3(%arg0: i32) -> (i32, i32) {
    %c0_i32 = arith.constant 0 : i32
    %c0_i32_0 = arith.constant 0 : i32
    %c0_i32_1 = arith.constant 0 : i32
    return %c0_i32, %c0_i32_0 : i32, i32
  }
  func.func @transform_4(%arg0: i32) -> (i32, i32) {
    %c0_i32 = arith.constant 0 : i32
    %c0_i32_0 = arith.constant 0 : i32
    return %arg0, %c0_i32 : i32, i32
  }
}

</mosaic_0001>

<sc_bundles>
// kernel: kernel.10.cloned.1.call-start
scs
__scs_entry_jumppad:
0x0: {  	(pc) =	sbr.rel $0x88, $3  }
0x1: {  	(tag) =	ssettag $0x0;
	lr =	simm.s32 $0x1  }
0x2: {  	[smem:$0x3F99] =	sst lr;
	_ =	strace $0xD0000000  }
0x3: {  	_ = 	snop  }
0x4: {  	_ = 	snop  }
0x5: {  	_ = 	snop  }
0x6: {  	_ = 	snop  }
0x7: {  	_ = 	snop  }
__scs_overlays_trampoline_lowered:
0x8: {  	[smem:$0x3FA8] =	sst s0  }
0x9: {  	[smem:$0x3FA9] =	sst s1  }
0xa: {  	[smem:$0x3FAA] =	sst s2  }
0xb: {  	[smem:$0x3FAB] =	sst s3  }
0xc: {  	[smem:$0x3FAC] =	sst s4  }
0xd: {  	[smem:$0x3FAD] =	sst s5  }
0xe: {  	[smem:$0x3FAE] =	sst s6  }
0xf: {  	[smem:$0x3FAF] =	sst s7  }
0x10: {  	[smem:$0x3FB0] =	sst s8  }
0x11: {  	[smem:$0x3FB1] =	sst s9;
	s0 =	simm.s32 @!p0 $0x0  }
0x12: {  	s1 =	sld [smem:$0x3F97];
	s0 =	simm.s32 @p0 $0x1  }
0x13: {  	[smem:$0x3FB2] =	sst s0;
	s0 =	simm.s32 @!p1 $0x0  }
0x14: {  	s2 =	sld [smem:$0x3F96];
	s0 =	simm.s32 @p1 $0x1  }
0x15: {  	[smem:$0x3FB3] =	sst s0;
	s0 =	simm.s32 @!p2 $0x0  }
0x16: {  	s3 =	sld [smem:$0x3FDB];
	s0 =	simm.s32 @p2 $0x1  }
0x17: {  	s4 =	simm.s32 $0x1BF5;
	[smem:$0x3FB5] =	sst s0  }
0x18: {  	s0 =	sld [smem:$0x3F98];
	_ =	swait.ge [sflag:s4], $0x0  }
0x19: {  	s7 =	sld [smem:$0x3F99]  }
0x1a: {  	s8 =	sadd.s32 $0xFFFFE003, lr  }
0x1b: {  	s9 =	sadd.s32 $0xFFFFFEF7, lr;
	s5 =	simm.s32 $0xFFFFFFFF;
	p2 =	slt.u32 s8, $0xFFFFF086  }
0x1c: {  	p1 =	slt.u32 s9, $0xF7A;
	s5 =	simm.s32 @!p2 $0x0  }
0x1d: {  	s5 =	simm.s32 @p1 $0x1;
	p0 =	seq.s32 s7, s2  }
0x1e: {  	s7 =	smul.u32 @!p0 $0xF7A, s2;
	p2 =	seq.s32 @!p0 s5, $0x0  }
0x1f: {  	s9 =	smul.u32 $0xF7A, s1;
	s8 =	simm.s32 @!p0 $0x1BF5;
	p2 =	por !p2, p0  }
0x20: {  	[sflag:s8] =	ssyncset.s32 @!p0 $0xFFFFF086;
	s6 =	sadd.s32 @!p0 s3, s7;
	s7 =	simm.s32 @!p0 $0x108  }
0x21: {  	s3 =	sadd.s32 s3, s9;
	s6 =	sadd.s32 @!p0 $0x88, s6;
	s7 =	simm.s32 @p2 $0x1082  }
0x22: {  	[simem:s7], [sflag:s8] =	dma.local @!p0 [hbm:s6], $0xF7A  }
0x23: {  	s9 =	sor.u32 $0xD0000000, s2;
	s6 =	simm.s32 $0x108;
	_ =	swait.ge @!p0 [sflag:s8], $0x0  }
0x24: {  	s3 =	sadd.s32 $0x88, s3;
	s6 =	simm.s32 @!p1 $0x1082;
	[sflag:s4] =	ssyncset.s32 $0xFFFFF086  }
0x25: {  	[simem:s6], [sflag:s4] =	dma.local [hbm:s3], $0xF7A  }
0x26: {  	[smem:$0x3F99] =	sst s1;
	(tag) =	ssettag s2;
	_ =	strace s9  }
0x27: {  	s1 =	sld [smem:$0x3FA9]  }
0x28: {  	s2 =	sld [smem:$0x3FAA]  }
0x29: {  	s4 =	sld [smem:$0x3FAC]  }
0x2a: {  	p0 =	seq.s32 s5, $0x0;
	s5 =	sld [smem:$0x3FAD]  }
0x2b: {  	s6 =	sld [smem:$0x3FAE]  }
0x2c: {  	s7 =	sld [smem:$0x3FAF]  }
0x2d: {  	s3 =	simm.s32 $0x108;
	s8 =	sld [smem:$0x3FB0]  }
0x2e: {  	s3 =	simm.s32 @!p0 $0x1082;
	s9 =	sld [smem:$0x3FB1]  }
0x2f: {  	lr =	sadd.s32 s0, s3;
	s0 =	sld [smem:$0x3FA8]  }
0x30: {  	s3 =	sld [smem:$0x3FAB]  }
0x31: {  	[smem:$0x3FB4] =	sst s10  }
0x32: {  	s10 =	sld [smem:$0x3FB2];
	_ =	sdelay $0x3  }
0x33: {  	p0 =	seq.s32 s10, $0x1;
	s10 =	sld [smem:$0x3FB4];
	_ =	sdelay $0x3  }
0x34: {  	[smem:$0x3FB4] =	sst s10  }
0x35: {  	s10 =	sld [smem:$0x3FB3];
	_ =	sdelay $0x3  }
0x36: {  	p1 =	seq.s32 s10, $0x1;
	s10 =	sld [smem:$0x3FB4];
	_ =	sdelay $0x3  }
0x37: {  	[smem:$0x3FB4] =	sst s10  }
0x38: {  	s10 =	sld [smem:$0x3FB5]  }
0x39: {  	_ = 	snop;
	(pc) =	sbr.ind lr, $3  }
0x3a: {  	_ = 	snop  }
0x3b: {  	_ = 	snop  }
0x3c: {  	p2 =	seq.s32 s10, $0x1;
	s10 =	sld [smem:$0x3FB4]  }
0x3d: {  	_ =	shalt  }
0x3e: {  	_ =	shalt  }
0x3f: {  	_ =	shalt  }
0x40: {  	_ =	shalt  }
0x41: {  	_ =	shalt  }
0x42: {  	_ =	shalt  }
0x43: {  	_ =	shalt  }
0x44: {  	_ =	shalt  }
0x45: {  	_ =	shalt  }
0x46: {  	_ =	shalt  }
0x47: {  	_ =	shalt  }
0x48: {  	_ =	shalt  }
0x49: {  	_ =	shalt  }
0x4a: {  	_ =	shalt  }
0x4b: {  	_ =	shalt  }
0x4c: {  	_ =	shalt  }
0x4d: {  	_ =	shalt  }
0x4e: {  	_ =	shalt  }
0x4f: {  	_ =	shalt  }
0x50: {  	_ =	shalt  }
0x51: {  	_ =	shalt  }
0x52: {  	_ =	shalt  }
0x53: {  	_ =	shalt  }
0x54: {  	_ =	shalt  }
0x55: {  	_ =	shalt  }
0x56: {  	_ =	shalt  }
0x57: {  	_ =	shalt  }
0x58: {  	_ =	shalt  }
0x59: {  	_ =	shalt  }
0x5a: {  	_ =	shalt  }
0x5b: {  	_ =	shalt  }
0x5c: {  	_ =	shalt  }
0x5d: {  	_ =	shalt  }
0x5e: {  	_ =	shalt  }
0x5f: {  	_ =	shalt  }
0x60: {  	_ =	shalt  }
0x61: {  	_ =	shalt  }
0x62: {  	_ =	shalt  }
0x63: {  	_ =	shalt  }
0x64: {  	_ =	shalt  }
0x65: {  	_ =	shalt  }
0x66: {  	_ =	shalt  }
0x67: {  	_ =	shalt  }
0x68: {  	_ =	shalt  }
0x69: {  	_ =	shalt  }
0x6a: {  	_ =	shalt  }
0x6b: {  	_ =	shalt  }
0x6c: {  	_ =	shalt  }
0x6d: {  	_ =	shalt  }
0x6e: {  	_ =	shalt  }
0x6f: {  	_ =	shalt  }
0x70: {  	_ =	shalt  }
0x71: {  	_ =	shalt  }
0x72: {  	_ =	shalt  }
0x73: {  	_ =	shalt  }
0x74: {  	_ =	shalt  }
0x75: {  	_ =	shalt  }
0x76: {  	_ =	shalt  }
0x77: {  	_ =	shalt  }
0x78: {  	_ =	shalt  }
0x79: {  	_ =	shalt  }
0x7a: {  	_ =	shalt  }
0x7b: {  	_ =	shalt  }
0x7c: {  	_ =	shalt  }
0x7d: {  	_ =	shalt  }
0x7e: {  	_ =	shalt  }
0x7f: {  	_ =	shalt  }
0x80: {  	_ =	shalt  }
0x81: {  	_ =	shalt  }
0x82: {  	_ =	shalt  }
0x83: {  	_ =	shalt  }
0x84: {  	_ =	shalt  }
0x85: {  	_ =	shalt  }
0x86: {  	_ =	shalt  }
0x87: {  	_ =	shalt  }
.Lfunc_end0:
.L_simem_size_0:
called_computation.1_lowered:
.L_overlay_start_0:
0x88: {  	s2 =	sld [smem:$0x3FD9]  }
0x89: {  	s3 =	sld [smem:$0x3FFE];
	_ =	sdelay $0x1  }
0x8a: {  	s1 =	srdreg.scid  }
0x8b: {  	s0 =	sand.u32 $0x1, s1  }
0x8c: {  	s17 =	sshll.u32 s0, $0xA;
	s2 =	sadd.s32 s3, s2  }
0x8d: {  	s2 =	sadd.s32 s2, s17  }
0x8e: {  	[smem:$0x3FC0] =	sst s2  }
0x8f: {  	_ = 	snop  }
0x90: {  	s2 =	sld [smem:$0x3FC8]  }
0x91: {  	s18 =	sld [smem:$0x3FD0];
	(tm) =	ssettm $0x1  }
0x92: {  	s4 =	sld [smem:$0x3FFB];
	_ =	sdelay $0x3  }
0x93: {  	_ =	strace s4  }
0x94: {  	s4 =	sld [smem:$0x3FFC];
	_ =	sdelay $0x3  }
0x95: {  	_ =	strace s4  }
0x96: {  	s4 =	sld [smem:$0x3FFD];
	_ =	sdelay $0x3  }
0x97: {  	_ =	strace s4  }
0x98: {  	_ =	strace $0x8FFFFFFF  }
0x99: {  	s19 =	sld [smem:$0x3FDB];
	_ =	sdelay $0x1  }
0x9a: {  	s5 =	simm.s32 $_scs_section_size  }
0x9b: {  	s6 =	simm.s32 $_size__tile_overlayer_lowered;
	s7 =	simm.s32 $_tile_overlayer_lowered  }
0x9c: {  	s22 =	simm.s32 $0x1BFF;
	s21 =	sshll.u32 s7, $0x1;
	s4 =	sadd.s32 s5, s19  }
0x9d: {  	s8 =	simm.s32 $0x0;
	s20 =	sshll.u32 s6, $0x1;
	s6 =	sadd.s32 s21, s4  }
0x9e: {  	[timem:s8], [sflag:s22] =	dma.local [hbm:s6], s20  }
0x9f: {  	_ =	swait.ge [sflag:s22], s20  }
0xa0: {  	s5 =	ssub.s32 $0x0, s20;
	[sflag:s22] =	ssyncset.done $0x0  }
0xa1: {  	[sflag:s22] =	ssyncadd.s32 s5;
	_ =	sdelay $0x1  }
0xa2: {  	s23 =	simm.s32 $0x1B8B  }
0xa3: {  	_ =	swait.ge [sflag:s23], $0x1  }
0xa4: {  	[sflag:s23] =	ssyncset.done $0x0  }
0xa5: {  	s25 =	simm.s32 $0x1B8E;
	s24 =	sld [smem:$0x3FFE];
	[sflag:s23] =	ssyncadd.s32 $0xFFFFFFFF  }
0xa6: {  	s26 =	simm.s32 $execute0_lowered;
	[smem:$0x3FD2] =	sst s25  }
0xa7: {  	s6 =	sshll.u32 s26, $0x1;
	_ =	strace $0x80000049;
	[dreg:$0x1] =	wrdreg $0xFFFFFFFF  }
0xa8: {  	s28 =	simm.s32 $_size_execute0_lowered;
	s4 =	sadd.s32 s4, s6;
	[dreg:$0x0] =	wrdreg $0x0  }
0xa9: {  	s6 =	sshll.u32 s28, $0x1;
	[dreg:$0x2] =	wrdreg s4  }
0xaa: {  	[dreg:$0x3] =	wrdreg s6  }
0xab: {  	[dreg:$0x4] =	wrdreg $0xC0  }
0xac: {  	_ =	task [dreg:s8], $0x5FFFF  }
0xad: {  	[dreg:$0x1] =	wrdreg $0xFFFFFFFF  }
0xae: {  	[dreg:$0x0] =	wrdreg $0x60  }
0xaf: {  	[dreg:$0x2] =	wrdreg s18  }
0xb0: {  	[dreg:$0x3] =	wrdreg s2  }
0xb1: {  	[dreg:$0x4] =	wrdreg s24  }
0xb2: {  	[dreg:$0x5] =	wrdreg $0xC7000  }
0xb3: {  	[dreg:$0x6] =	wrdreg $0x9  }
0xb4: {  	_ =	task.clear_ibuf [dreg:s8], $0x7FFFF;
	_ =	strace $0x90000049  }
0xb5: {  	s29 =	simm.s32 $0x9;
	_ =	strace $0x8000004B  }
0xb6: {  	_ =	swait.ge [sflag:s29], $0x1  }
0xb7: {  	[sflag:s29] =	ssyncadd.s32 $0xFFFFFFFF  }
0xb8: {  	_ =	strace $0x9000004B  }
0xb9: {  	_ =	sfence  }
0xba: {  	s30 =	sld [smem:$0x0];
	_ =	sdelay $0x2  }
0xbb: {  	s31 =	sshll.u32 s1, $0xD;
	s1 =	sshrl.u32 s1, $0x2  }
0xbc: {  	s3 =	sand.u32 $0x4000, s31;
	s1 =	sadd.s32 s1, s30  }
0xbd: {  	s0 =	sor.u32 s3, s0;
	s1 =	sshll.u32 s1, $0x11  }
0xbe: {  	s0 =	sor.u32 s1, s0  }
0xbf: {  	s0 =	sadd.s32 $0x8F2B, s0  }
0xc0: {  	[sflag:s0] =	ssyncadd.remote.s32 $0x1  }
0xc1: {  	_ =	sfence.sel $0xFFFF  }
0xc2: {  	[dreg:$0x0] =	wrdreg $0xFFFFFFFF;
	(pc) =	sbr.abs _section_cstart, $3  }
0xc3: {  	[dreg:$0x1] =	wrdreg $0xFFFFFFFF  }
0xc4: {  	_ =	task.clear_ibuf [dreg:s8], $0x2FFFF;
	_ =	strace $0x9FFFFFFF  }
0xc5: {  	(tm) =	ssettm $0x7FFFFFFF  }
tec
execute0_lowered:
.L_overlay_start_1:
0x0: {  	(tag) =	ssettag $0x1  }
0x1: {  	s1 =	rddreg [dreg:$0x0]  }
0x2: {  	s0 =	rddreg [dreg:$0x1]  }
0x3: {  	s4 =	rddreg [dreg:$0x2]  }
0x4: {  	s2 =	rddreg [dreg:$0x3]  }
0x5: {  	s3 =	simm.s32 $0x0;
	s5 =	srdreg.scid;
	s13 =	stileid.u32  }
0x6: {  	s28 =	simm.s32 $0x300;
	s29 =	simm.s32 $0x4;
	s30 =	simm.s32 $0x200  }
0x7: {  	s31 =	simm.s32 $0x2;
	[smem:$0x7FF] =	sst s3;
	s5 =	sand.u32 $0x1, s5  }
0x8: {  	s14 =	sadd.s32 $0x2A00, s4;
	s7 =	smul.u32 $0x4E000, s13;
	s15 =	sadd.s32 $0x29C00, s4  }
0x9: {  	s26 =	sadd.s32 $0x20, s0;
	s20 =	sshll.u32 s13, $0x5;
	s12 =	smul.u32 $0x4E, s13  }
0xa: {  	s21 =	smul.u32 $0x2700, s13;
	s16 =	sadd.s32 $0x138000, s2;
	p1 =	sne.s32 s13, $0xF  }
0xb: {  	p2 =	sgt.u32 s13, $0x1;
	p3 =	seq.s32 s13, $0xF;
	_ =	strace $0x8000004A  }
0xc: {  	s6 =	sshll.u32 s5, $0x4;
	s24 =	ssub.s32 $0x2, s5;
	s10 =	smul.u32 $0x4E0, s5  }
0xd: {  	s11 =	sshll.u32 s5, $0x6;
	p0 =	seq.s32 s5, $0x1;
	[dreg:$0x5] =	wrdreg s14  }
0xe: {  	[dreg:$0x6] =	wrdreg s15;
	s6 =	sor.u32 s13, s6;
	s9 =	sshrl.u32 s24, $0x1  }
0xf: {  	s7 =	sshrl.u32 s7, $0x2;
	s23 =	sadd.s32 s14, s21;
	s8 =	smul.u32 $0x4E00, s6  }
0x10: {  	s6 =	smul.u32 $0x9C0, s6;
	s4 =	ssub.s32 s24, s9;
	s7 =	sadd.s32 s7, s2  }
0x11: {  	s22 =	sadd.s32 s12, s10;
	[dreg:$0xe] =	wrdreg s23;
	s24 =	sadd.s32 s15, s21  }
0x12: {  	s23 =	simm.s32 $0xA;
	s15 =	simm.s32 $0x180;
	s9 =	simm.s32 $0x280  }
0x13: {  	s10 =	simm.s32 $0x8;
	s12 =	simm.s32 $0x0;
	s5 =	sshll.u32 s22, $0x5  }
0x14: {  	[dreg:$0xf] =	wrdreg s24;
	s4 =	smax.u32 s4, $0x1;
	s22 =	simm.s32 $0xC300  }
0x15: {  	s24 =	simm.s32 $0x100;
	s8 =	sshrl.u32 s8, $0x3;
	s25 =	sadd.s32 s0, s6  }
0x16: {  	s6 =	sadd.s32 s6, s26;
	[dreg:$0x10] =	wrdreg s4;
	s26 =	sadd.s32 s26, s5  }
0x17: {  	s4 =	simm.s32 $0x8300;
	[dreg:$0x7] =	wrdreg s25;
	s8 =	sadd.s32 s0, s8  }
0x18: {  	[dreg:$0x8] =	wrdreg s6;
	s6 =	sadd.s32 s20, s0;
	s0 =	sadd.s32 s0, s5  }
0x19: {  	s25 =	sadd.s32 $0x138400, s2;
	s21 =	sadd.s32 $0x80, s26;
	s26 =	simm.s32 $0x80  }
0x1a: {  	s5 =	simm.s32 $0x5;
	s17 =	sadd.s32 $0x40, s8;
	s18 =	sadd.s32 $0x60, s8  }
0x1b: {  	s19 =	sadd.s32 $0x80, s8;
	s8 =	sadd.s32 $0x9A0, s8;
	[dreg:$0x11] =	wrdreg s25  }
.Ltmp0:
0x1c: {  	s6 =	sadd.s32 s11, s6;
	[dreg:$0x9] =	wrdreg s17;
	(pc) =	sbr.rel .LBB2_1-.Ltmp0, $4  }
0x1d: {  	s20 =	sadd.s32 $0xC0, s0;
	s25 =	simm.s32 $0x1;
	[dreg:$0xa] =	wrdreg s18  }
0x1e: {  	s0 =	simm.s32 $0x4300;
	s11 =	simm.s32 $0x9;
	[dreg:$0xb] =	wrdreg s19  }
0x1f: {  	[dreg:$0xc] =	wrdreg s8;
	s6 =	sadd.s32 $0x13800, s6;
	s17 =	simm.s32 $0x3  }
0x20: {  	v0 =	vimm.f32 $0.0e+00;
	s8 =	simm.s32 $0x6;
	[dreg:$0xd] =	wrdreg s6;
	s6 =	simm.s32 $0x7  }
.LBB2_8:
0x21: {  	s14 =	sadd.s32 $0x27000, s14;
	s18 =	sshrl.u32 s16, $0x3  }
0x22: {  	[hbm:s14], [sflag:s13] =	dma.local [spmem:s18], $0x100  }
0x23: {  	_ =	swait.ge [sflag:s23], $0x100  }
0x24: {  	[sflag:s23] =	ssyncset.done $0x0  }
0x25: {  	[sflag:s23] =	ssyncadd.s32 $0xFFFFFF00  }
.LBB2_9:
0x26: {  	s12 =	sadd.s32 $0x1, s12;
	s13 =	rddreg [dreg:$0x10]  }
0x27: {  	p4 =	sne.s32 s12, s13  }
.Ltmp1:
0x28: {  	_ = 	snop;
	(pc) =	sbr.rel @!p4 .LBB2_10-.Ltmp1, $1  }
0x29: {  	_ =	sdelay $0x3  }
.LBB2_1:
0x2a: {  	[tilespmem:$0xC300] =	vst v0  }
0x2b: {  	[tilespmem:$0xC310] =	vst v0  }
0x2c: {  	[tilespmem:$0xC320] =	vst v0  }
0x2d: {  	[tilespmem:$0xC330] =	vst v0  }
0x2e: {  	[tilespmem:$0xC340] =	vst v0  }
0x2f: {  	[tilespmem:$0xC350] =	vst v0  }
0x30: {  	[tilespmem:$0xC360] =	vst v0  }
0x31: {  	[tilespmem:$0xC370] =	vst v0  }
0x32: {  	[tilespmem:$0xC380] =	vst v0  }
0x33: {  	[tilespmem:$0xC390] =	vst v0  }
0x34: {  	[tilespmem:$0xC3A0] =	vst v0  }
0x35: {  	[tilespmem:$0xC3B0] =	vst v0  }
0x36: {  	[tilespmem:$0xC3C0] =	vst v0  }
0x37: {  	[tilespmem:$0xC3D0] =	vst v0  }
0x38: {  	[tilespmem:$0xC3E0] =	vst v0  }
0x39: {  	[tilespmem:$0xC3F0] =	vst v0  }
0x3a: {  	[tilespmem:$0xC400] =	vst v0  }
0x3b: {  	[tilespmem:$0xC410] =	vst v0  }
0x3c: {  	[tilespmem:$0xC420] =	vst v0  }
0x3d: {  	[tilespmem:$0xC430] =	vst v0  }
0x3e: {  	[tilespmem:$0xC440] =	vst v0  }
0x3f: {  	[tilespmem:$0xC450] =	vst v0  }
0x40: {  	[tilespmem:$0xC460] =	vst v0  }
0x41: {  	[tilespmem:$0xC470] =	vst v0  }
0x42: {  	[tilespmem:$0xC480] =	vst v0  }
0x43: {  	[tilespmem:$0xC490] =	vst v0  }
0x44: {  	[tilespmem:$0xC4A0] =	vst v0  }
0x45: {  	[tilespmem:$0xC4B0] =	vst v0  }
0x46: {  	[tilespmem:$0xC4C0] =	vst v0  }
0x47: {  	[tilespmem:$0xC4D0] =	vst v0  }
0x48: {  	[tilespmem:$0xC4E0] =	vst v0  }
0x49: {  	[tilespmem:$0xC4F0] =	vst v0  }
0x4a: {  	[tilespmem:$0xC500] =	vst v0  }
0x4b: {  	[tilespmem:$0xC510] =	vst v0  }
0x4c: {  	[tilespmem:$0xC520] =	vst v0  }
0x4d: {  	[tilespmem:$0xC530] =	vst v0  }
0x4e: {  	[tilespmem:$0xC540] =	vst v0  }
0x4f: {  	[tilespmem:$0xC550] =	vst v0  }
0x50: {  	[tilespmem:$0xC560] =	vst v0  }
0x51: {  	[tilespmem:$0xC570] =	vst v0  }
0x52: {  	[tilespmem:$0xC580] =	vst v0  }
0x53: {  	[tilespmem:$0xC590] =	vst v0  }
0x54: {  	[tilespmem:$0xC5A0] =	vst v0  }
0x55: {  	[tilespmem:$0xC5B0] =	vst v0  }
0x56: {  	[tilespmem:$0xC5C0] =	vst v0  }
0x57: {  	[tilespmem:$0xC5D0] =	vst v0  }
0x58: {  	[tilespmem:$0xC5E0] =	vst v0  }
0x59: {  	[tilespmem:$0xC5F0] =	vst v0  }
0x5a: {  	[tilespmem:$0xC600] =	vst v0  }
0x5b: {  	[tilespmem:$0xC610] =	vst v0  }
0x5c: {  	[tilespmem:$0xC620] =	vst v0  }
0x5d: {  	[tilespmem:$0xC630] =	vst v0  }
0x5e: {  	[tilespmem:$0xC640] =	vst v0  }
0x5f: {  	[tilespmem:$0xC650] =	vst v0  }
0x60: {  	[tilespmem:$0xC660] =	vst v0  }
0x61: {  	[tilespmem:$0xC670] =	vst v0  }
0x62: {  	[tilespmem:$0xC680] =	vst v0  }
0x63: {  	[tilespmem:$0xC690] =	vst v0  }
0x64: {  	[tilespmem:$0xC6A0] =	vst v0  }
0x65: {  	[tilespmem:$0xC6B0] =	vst v0  }
0x66: {  	[tilespmem:$0xC6C0] =	vst v0  }
0x67: {  	[tilespmem:$0xC6D0] =	vst v0  }
0x68: {  	[tilespmem:$0xC6E0] =	vst v0  }
0x69: {  	[tilespmem:$0xC6F0] =	vst v0;
	s13 =	sadd.s32 $0x0, s7  }
0x6a: {  	[spmem:s13] =	stream.linear.scatter [tilespmem:s22], [sflag:$0xA], $0x400, $0x38;
	[tilespmem:$0x1FF80] =	vst v63  }
0x6b: {  	s13 =	simm.s32 $0x1000;
	_ =	swait.ge [sflag:s23], $0x400  }
.LBB2_2:
0x6c: {  	s14 =	sshra.s32 s13, $0x2;
	[sflag:s23] =	ssyncset.done $0x0;
	p4 =	sne.s32 s13, $0x4D000  }
.Ltmp2:
0x6d: {  	s14 =	sadd.s32 s14, s7;
	[sflag:s23] =	ssyncadd.s32 $0xFFFFFC00;
	(pc) =	sbr.rel @p4 .LBB2_2-.Ltmp2, $3  }
0x6e: {  	[spmem:s14] =	stream.linear.scatter [tilespmem:s22], [sflag:$0xA], $0x400, $0x38;
	[tilespmem:$0x1FF80] =	vst v63  }
0x6f: {  	s13 =	sadd.s32 $0x1000, s13;
	_ =	sdelay $0x1  }
0x70: {  	_ =	swait.ge [sflag:s23], $0x400  }
0x71: {  	[sflag:s23] =	ssyncset.done $0x0  }
0x72: {  	s13 =	simm.s32 @!p1 $0xC300;
	s14 =	simm.s32 @!p1 $0xA;
	[sflag:s23] =	ssyncadd.s32 $0xFFFFFC00  }
0x73: {  	[spmem:s16] =	stream.linear.scatter @!p1 [tilespmem:s13], [sflag:$0xA], $0x400, $0x38;
	[tilespmem:$0x1FF80] =	vst v63  }
0x74: {  	_ =	swait.ge @!p1 [sflag:s14], $0x400  }
0x75: {  	[sflag:s14] =	ssyncset.done @!p1 $0x0  }
0x76: {  	s18 =	rddreg [dreg:$0x11];
	[sflag:s14] =	ssyncadd.s32 @!p1 $0xFFFFFC00  }
0x77: {  	[spmem:s18] =	stream.linear.scatter @!p1 [tilespmem:s13], [sflag:$0xA], $0x400, $0x38;
	[tilespmem:$0x1FF80] =	vst v63  }
0x78: {  	_ =	swait.ge @!p1 [sflag:s14], $0x400  }
0x79: {  	[sflag:s14] =	ssyncset.done @!p1 $0x0  }
0x7a: {  	[sflag:s14] =	ssyncadd.s32 @!p1 $0xFFFFFC00  }
0x7b: {  	[bflag:$0x0] =	sbarrier.arrive $0xFFFF  }
0x7c: {  	s13 =	simm.s32 $0x0;
	s19 =	rddreg [dreg:$0x7]  }
0x7d: {  	[tilespmem:s13], [sflag:$0x1] =	stream.linear.gather [hbm4b:s19+s13], $0x100, $0x38;
	[tilespmem:$0x1FF80] =	vst v63  }
0x7e: {  	s18 =	rddreg [dreg:$0x8]  }
0x7f: {  	[tilespmem:s24], [sflag:$0x2] =	stream.linear.gather [hbm4b:s18+s13], $0x100, $0x38;
	[tilespmem:$0x1FF80] =	vst v63  }
0x80: {  	_ =	swait.ge [sflag:s25], $0x100  }
0x81: {  	[sflag:s25] =	ssyncset.done $0x0  }
0x82: {  	[sflag:s25] =	ssyncadd.s32 $0xFFFFFF00  }
0x83: {  	[tilespmem:s28], [sflag:$0x4] =	stream.indirect.gather [hbm4b:s1+s26], $0x80, s13, s26, $0xb8;
	[tilespmem:$0x1FF80] =	vst v63  }
0x84: {  	_ =	swait.ge [sflag:s29], $0x4000  }
0x85: {  	[sflag:s29] =	ssyncset.done $0x0  }
0x86: {  	[sflag:s29] =	ssyncadd.s32 $0xFFFFC000  }
0x87: {  	[spmem:s2] =	stream.indirect.scatter.add.f32 [tilespmem:s28], [sflag:$0x7], $0x80, s26, s26, $0xb8;
	[tilespmem:$0x1FF80] =	vst v63  }
0x88: {  	s19 =	rddreg [dreg:$0x9]  }
0x89: {  	[tilespmem:s30], [sflag:$0x3] =	stream.linear.gather [hbm4b:s19+s13], $0x100, $0x38;
	[tilespmem:$0x1FF80] =	vst v63  }
0x8a: {  	_ =	swait.ge [sflag:s31], $0x100  }
0x8b: {  	[sflag:s31] =	ssyncset.done $0x0  }
0x8c: {  	[sflag:s31] =	ssyncadd.s32 $0xFFFFFF00  }
0x8d: {  	[tilespmem:s0], [sflag:$0x5] =	stream.indirect.gather [hbm4b:s1+s26], $0x80, s24, s26, $0xb8;
	[tilespmem:$0x1FF80] =	vst v63  }
0x8e: {  	_ =	swait.ge [sflag:s5], $0x4000  }
0x8f: {  	[sflag:s5] =	ssyncset.done $0x0  }
0x90: {  	[sflag:s5] =	ssyncadd.s32 $0xFFFFC000  }
0x91: {  	[spmem:s2] =	stream.indirect.scatter.add.f32 [tilespmem:s0], [sflag:$0x8], $0x80, s15, s26, $0xb8;
	[tilespmem:$0x1FF80] =	vst v63  }
0x92: {  	_ =	swait.ge [sflag:s6], $0x4000  }
0x93: {  	[sflag:s6] =	ssyncset.done $0x0  }
0x94: {  	s18 =	rddreg [dreg:$0xa];
	[sflag:s6] =	ssyncadd.s32 $0xFFFFC000  }
0x95: {  	[tilespmem:s13], [sflag:$0x1] =	stream.linear.gather [hbm4b:s18+s13], $0x100, $0x38;
	[tilespmem:$0x1FF80] =	vst v63  }
0x96: {  	_ =	swait.ge [sflag:s17], $0x100  }
0x97: {  	[sflag:s17] =	ssyncset.done $0x0  }
0x98: {  	[sflag:s17] =	ssyncadd.s32 $0xFFFFFF00  }
0x99: {  	[tilespmem:s4], [sflag:$0x6] =	stream.indirect.gather [hbm4b:s1+s26], $0x80, s30, s26, $0xb8;
	[tilespmem:$0x1FF80] =	vst v63  }
0x9a: {  	_ =	swait.ge [sflag:s8], $0x4000  }
0x9b: {  	[sflag:s8] =	ssyncset.done $0x0  }
0x9c: {  	[sflag:s8] =	ssyncadd.s32 $0xFFFFC000  }
0x9d: {  	[spmem:s2] =	stream.indirect.scatter.add.f32 [tilespmem:s4], [sflag:$0x9], $0x80, s9, s26, $0xb8;
	[tilespmem:$0x1FF80] =	vst v63  }
0x9e: {  	_ =	swait.ge [sflag:s10], $0x4000  }
0x9f: {  	[sflag:s10] =	ssyncset.done $0x0  }
0xa0: {  	s19 =	rddreg [dreg:$0xb];
	[sflag:s10] =	ssyncadd.s32 $0xFFFFC000  }
0xa1: {  	[tilespmem:s24], [sflag:$0x2] =	stream.linear.gather [hbm4b:s19+s13], $0x100, $0x38;
	[tilespmem:$0x1FF80] =	vst v63  }
0xa2: {  	_ =	swait.ge [sflag:s25], $0x100  }
0xa3: {  	[sflag:s25] =	ssyncset.done $0x0  }
0xa4: {  	[sflag:s25] =	ssyncadd.s32 $0xFFFFFF00  }
0xa5: {  	[tilespmem:s28], [sflag:$0x4] =	stream.indirect.gather [hbm4b:s1+s26], $0x80, s13, s26, $0xb8;
	[tilespmem:$0x1FF80] =	vst v63  }
0xa6: {  	_ =	swait.ge [sflag:s29], $0x4000  }
0xa7: {  	[sflag:s29] =	ssyncset.done $0x0  }
0xa8: {  	[sflag:s29] =	ssyncadd.s32 $0xFFFFC000  }
0xa9: {  	[spmem:s2] =	stream.indirect.scatter.add.f32 [tilespmem:s28], [sflag:$0x7], $0x80, s26, s26, $0xb8;
	[tilespmem:$0x1FF80] =	vst v63  }
0xaa: {  	_ =	swait.ge [sflag:s11], $0x4000  }
0xab: {  	[sflag:s11] =	ssyncset.done $0x0  }
0xac: {  	s18 =	sadd.s32 $0x0, s21;
	[sflag:s11] =	ssyncadd.s32 $0xFFFFC000  }
0xad: {  	[tilespmem:s30], [sflag:$0x3] =	stream.linear.gather [hbm4b:s18+s3], $0x100, $0x38;
	[tilespmem:$0x1FF80] =	vst v63  }
0xae: {  	_ =	swait.ge [sflag:s31], $0x100  }
0xaf: {  	[sflag:s31] =	ssyncset.done $0x0  }
0xb0: {  	[sflag:s31] =	ssyncadd.s32 $0xFFFFFF00  }
0xb1: {  	[tilespmem:s0], [sflag:$0x5] =	stream.indirect.gather [hbm4b:s1+s26], $0x80, s24, s26, $0xb8;
	[tilespmem:$0x1FF80] =	vst v63  }
0xb2: {  	_ =	swait.ge [sflag:s5], $0x4000  }
0xb3: {  	[sflag:s5] =	ssyncset.done $0x0  }
0xb4: {  	[sflag:s5] =	ssyncadd.s32 $0xFFFFC000  }
0xb5: {  	[spmem:s2] =	stream.indirect.scatter.add.f32 [tilespmem:s0], [sflag:$0x8], $0x80, s15, s26, $0xb8;
	[tilespmem:$0x1FF80] =	vst v63  }
0xb6: {  	_ =	swait.ge [sflag:s6], $0x4000  }
0xb7: {  	[sflag:s6] =	ssyncset.done $0x0  }
0xb8: {  	s19 =	sadd.s32 $0x0, s20;
	[sflag:s6] =	ssyncadd.s32 $0xFFFFC000  }
0xb9: {  	[tilespmem:s3], [sflag:$0x1] =	stream.linear.gather [hbm4b:s19+s3], $0x100, $0x38;
	[tilespmem:$0x1FF80] =	vst v63  }
0xba: {  	_ =	swait.ge [sflag:s17], $0x100  }
0xbb: {  	[sflag:s17] =	ssyncset.done $0x0  }
0xbc: {  	[sflag:s17] =	ssyncadd.s32 $0xFFFFFF00  }
0xbd: {  	[tilespmem:s4], [sflag:$0x6] =	stream.indirect.gather [hbm4b:s1+s26], $0x80, s30, s26, $0xb8;
	[tilespmem:$0x1FF80] =	vst v63  }
0xbe: {  	_ =	swait.ge [sflag:s8], $0x4000  }
0xbf: {  	[sflag:s8] =	ssyncset.done $0x0  }
0xc0: {  	[sflag:s8] =	ssyncadd.s32 $0xFFFFC000  }
0xc1: {  	[spmem:s2] =	stream.indirect.scatter.add.f32 [tilespmem:s4], [sflag:$0x9], $0x80, s9, s26, $0xb8;
	[tilespmem:$0x1FF80] =	vst v63  }
0xc2: {  	_ =	swait.ge [sflag:s10], $0x4000  }
0xc3: {  	[sflag:s10] =	ssyncset.done $0x0  }
0xc4: {  	s13 =	sadd.s32 $0x20, s19;
	[sflag:s10] =	ssyncadd.s32 $0xFFFFC000  }
0xc5: {  	[tilespmem:s24], [sflag:$0x2] =	stream.linear.gather [hbm4b:s13+s3], $0x100, $0x38;
	[tilespmem:$0x1FF80] =	vst v63  }
0xc6: {  	_ =	swait.ge [sflag:s25], $0x100  }
0xc7: {  	[sflag:s25] =	ssyncset.done $0x0  }
0xc8: {  	s13 =	simm.s32 $0x60;
	[sflag:s25] =	ssyncadd.s32 $0xFFFFFF00  }
.LBB2_4:
0xc9: {  	[tilespmem:s28], [sflag:$0x4] =	stream.indirect.gather [hbm4b:s1+s26], $0x80, s3, s26, $0xb8;
	[tilespmem:$0x1FF80] =	vst v63  }
0xca: {  	s14 =	smov.u32 s13  }
0xcb: {  	p4 =	sne.s32 s13, $0x8A0;
	s13 =	sadd.s32 $0x60, s13;
	_ =	swait.ge [sflag:s29], $0x4000  }
0xcc: {  	[sflag:s29] =	ssyncset.done $0x0  }
0xcd: {  	[sflag:s29] =	ssyncadd.s32 $0xFFFFC000  }
0xce: {  	[spmem:s2] =	stream.indirect.scatter.add.f32 [tilespmem:s28], [sflag:$0x7], $0x80, s26, s26, $0xb8;
	[tilespmem:$0x1FF80] =	vst v63  }
0xcf: {  	_ =	swait.ge [sflag:s11], $0x4000  }
0xd0: {  	[sflag:s11] =	ssyncset.done $0x0  }
0xd1: {  	s18 =	sadd.s32 s14, s21;
	[sflag:s11] =	ssyncadd.s32 $0xFFFFC000  }
0xd2: {  	[tilespmem:s30], [sflag:$0x3] =	stream.linear.gather [hbm4b:s18+s3], $0x100, $0x38;
	[tilespmem:$0x1FF80] =	vst v63  }
0xd3: {  	_ =	swait.ge [sflag:s31], $0x100  }
0xd4: {  	[sflag:s31] =	ssyncset.done $0x0  }
0xd5: {  	[sflag:s31] =	ssyncadd.s32 $0xFFFFFF00  }
0xd6: {  	[tilespmem:s0], [sflag:$0x5] =	stream.indirect.gather [hbm4b:s1+s26], $0x80, s24, s26, $0xb8;
	[tilespmem:$0x1FF80] =	vst v63  }
0xd7: {  	_ =	swait.ge [sflag:s5], $0x4000  }
0xd8: {  	[sflag:s5] =	ssyncset.done $0x0  }
0xd9: {  	[sflag:s5] =	ssyncadd.s32 $0xFFFFC000  }
0xda: {  	[spmem:s2] =	stream.indirect.scatter.add.f32 [tilespmem:s0], [sflag:$0x8], $0x80, s15, s26, $0xb8;
	[tilespmem:$0x1FF80] =	vst v63  }
0xdb: {  	_ =	swait.ge [sflag:s6], $0x4000  }
0xdc: {  	[sflag:s6] =	ssyncset.done $0x0  }
0xdd: {  	s14 =	sadd.s32 s14, s20;
	[sflag:s6] =	ssyncadd.s32 $0xFFFFC000  }
0xde: {  	[tilespmem:s3], [sflag:$0x1] =	stream.linear.gather [hbm4b:s14+s3], $0x100, $0x38;
	[tilespmem:$0x1FF80] =	vst v63  }
0xdf: {  	_ =	swait.ge [sflag:s17], $0x100  }
0xe0: {  	[sflag:s17] =	ssyncset.done $0x0  }
0xe1: {  	[sflag:s17] =	ssyncadd.s32 $0xFFFFFF00  }
0xe2: {  	[tilespmem:s4], [sflag:$0x6] =	stream.indirect.gather [hbm4b:s1+s26], $0x80, s30, s26, $0xb8;
	[tilespmem:$0x1FF80] =	vst v63  }
0xe3: {  	_ =	swait.ge [sflag:s8], $0x4000  }
0xe4: {  	[sflag:s8] =	ssyncset.done $0x0  }
0xe5: {  	[sflag:s8] =	ssyncadd.s32 $0xFFFFC000  }
0xe6: {  	[spmem:s2] =	stream.indirect.scatter.add.f32 [tilespmem:s4], [sflag:$0x9], $0x80, s9, s26, $0xb8;
	[tilespmem:$0x1FF80] =	vst v63  }
0xe7: {  	_ =	swait.ge [sflag:s10], $0x4000  }
0xe8: {  	[sflag:s10] =	ssyncset.done $0x0  }
.Ltmp3:
0xe9: {  	s14 =	sadd.s32 $0x20, s14;
	[sflag:s10] =	ssyncadd.s32 $0xFFFFC000;
	(pc) =	sbr.rel @p4 .LBB2_4-.Ltmp3, $4  }
0xea: {  	[tilespmem:s24], [sflag:$0x2] =	stream.linear.gather [hbm4b:s14+s3], $0x100, $0x38;
	[tilespmem:$0x1FF80] =	vst v63  }
0xeb: {  	_ =	swait.ge [sflag:s25], $0x100  }
0xec: {  	[sflag:s25] =	ssyncset.done $0x0  }
0xed: {  	[sflag:s25] =	ssyncadd.s32 $0xFFFFFF00  }
0xee: {  	[tilespmem:s28], [sflag:$0x4] =	stream.indirect.gather [hbm4b:s1+s26], $0x80, s3, s26, $0xb8;
	[tilespmem:$0x1FF80] =	vst v63  }
0xef: {  	_ =	swait.ge [sflag:s29], $0x4000  }
0xf0: {  	[sflag:s29] =	ssyncset.done $0x0  }
0xf1: {  	[sflag:s29] =	ssyncadd.s32 $0xFFFFC000  }
0xf2: {  	[spmem:s2] =	stream.indirect.scatter.add.f32 [tilespmem:s28], [sflag:$0x7], $0x80, s26, s26, $0xb8;
	[tilespmem:$0x1FF80] =	vst v63  }
0xf3: {  	_ =	swait.ge [sflag:s11], $0x4000  }
0xf4: {  	[sflag:s11] =	ssyncset.done $0x0  }
0xf5: {  	s13 =	rddreg [dreg:$0xc];
	[sflag:s11] =	ssyncadd.s32 $0xFFFFC000  }
0xf6: {  	[tilespmem:s30], [sflag:$0x3] =	stream.linear.gather [hbm4b:s13+s3], $0x100, $0x38;
	[tilespmem:$0x1FF80] =	vst v63  }
0xf7: {  	_ =	swait.ge [sflag:s31], $0x100  }
0xf8: {  	[sflag:s31] =	ssyncset.done $0x0  }
0xf9: {  	[sflag:s31] =	ssyncadd.s32 $0xFFFFFF00  }
0xfa: {  	[tilespmem:s0], [sflag:$0x5] =	stream.indirect.gather [hbm4b:s1+s26], $0x80, s24, s26, $0xb8;
	[tilespmem:$0x1FF80] =	vst v63  }
0xfb: {  	_ =	swait.ge [sflag:s5], $0x4000  }
0xfc: {  	[sflag:s5] =	ssyncset.done $0x0  }
0xfd: {  	[sflag:s5] =	ssyncadd.s32 $0xFFFFC000  }
0xfe: {  	[spmem:s2] =	stream.indirect.scatter.add.f32 [tilespmem:s0], [sflag:$0x8], $0x80, s15, s26, $0xb8;
	[tilespmem:$0x1FF80] =	vst v63  }
0xff: {  	_ =	swait.ge [sflag:s6], $0x4000  }
0x100: {  	[sflag:s6] =	ssyncset.done $0x0  }
0x101: {  	[sflag:s6] =	ssyncadd.s32 $0xFFFFC000  }
0x102: {  	_ =	swait.ge [sflag:s17], $0x100  }
0x103: {  	[sflag:s17] =	ssyncset.done $0x0  }
0x104: {  	[sflag:s17] =	ssyncadd.s32 $0xFFFFFF00  }
0x105: {  	[tilespmem:s4], [sflag:$0x6] =	stream.indirect.gather [hbm4b:s1+s26], $0x80, s30, s26, $0xb8;
	[tilespmem:$0x1FF80] =	vst v63  }
0x106: {  	_ =	swait.ge [sflag:s8], $0x4000  }
0x107: {  	[sflag:s8] =	ssyncset.done $0x0  }
0x108: {  	[sflag:s8] =	ssyncadd.s32 $0xFFFFC000  }
0x109: {  	[spmem:s2] =	stream.indirect.scatter.add.f32 [tilespmem:s4], [sflag:$0x9], $0x80, s9, s26, $0xb8;
	[tilespmem:$0x1FF80] =	vst v63  }
0x10a: {  	_ =	swait.ge [sflag:s10], $0x4000  }
0x10b: {  	[sflag:s10] =	ssyncset.done $0x0  }
0x10c: {  	[sflag:s10] =	ssyncadd.s32 $0xFFFFC000  }
0x10d: {  	_ =	swait.ge [sflag:s11], $0x4000  }
0x10e: {  	[sflag:s11] =	ssyncset.done $0x0  }
0x10f: {  	s13 =	simm.s32 @!p2 $0x0;
	s14 =	rddreg [dreg:$0xd];
	[sflag:s11] =	ssyncadd.s32 $0xFFFFC000  }
0x110: {  	[tilespmem:s13], [sflag:$0xA] =	stream.linear.gather @!p2 [hbm4b:s14+s13], $0x100, $0x38;
	[tilespmem:$0x1FF80] =	vst v63  }
0x111: {  	s14 =	simm.s32 @!p2 $0xA  }
0x112: {  	_ =	swait.ge @!p2 [sflag:s14], $0x100  }
0x113: {  	[sflag:s14] =	ssyncset.done @!p2 $0x0  }
0x114: {  	s18 =	simm.s32 @!p2 $0x80;
	s19 =	simm.s32 @!p2 $0x300;
	[sflag:s14] =	ssyncadd.s32 @!p2 $0xFFFFFF00  }
0x115: {  	[tilespmem:s19], [sflag:$0x4] =	stream.indirect.gather @!p2 [hbm4b:s1+s18], $0x80, s13, s18, $0xb8;
	[tilespmem:$0x1FF80] =	vst v63  }
0x116: {  	s13 =	simm.s32 @!p2 $0x4  }
0x117: {  	_ =	swait.ge @!p2 [sflag:s13], $0x4000  }
0x118: {  	[sflag:s13] =	ssyncset.done @!p2 $0x0  }
0x119: {  	[sflag:s13] =	ssyncadd.s32 @!p2 $0xFFFFC000  }
0x11a: {  	[spmem:s2] =	stream.indirect.scatter.add.f32 @!p2 [tilespmem:s19], [sflag:$0xA], $0x80, s18, s18, $0xb8;
	[tilespmem:$0x1FF80] =	vst v63  }
.Ltmp4:
0x11b: {  	_ =	swait.ge @!p2 [sflag:s14], $0x4000;
	(pc) =	sbr.rel @!p0 .LBB2_6-.Ltmp4, $4  }
0x11c: {  	[sflag:s14] =	ssyncset.done @!p2 $0x0  }
0x11d: {  	s19 =	stileid.u32;
	[sflag:s14] =	ssyncadd.s32 @!p2 $0xFFFFC000  }
0x11e: {  	s18 =	sshll.u32 s19, $0x6;
	[bflag:$0x0] =	sbarrier.arrive $0xFFFF  }
0x11f: {  	s13 =	sor.u32 $0x1C0A, s18;
	s14 =	sshrl.u32 s7, $0x3  }
0x120: {  	s13 =	sor.u32 $0x1C0A, s18;
	s19 =	rddreg [dreg:$0xf]  }
0x121: {  	[hbm:s19], [sflag:s13] =	dma.local [spmem:s14], $0x2700  }
.Ltmp5:
0x122: {  	_ = 	snop;
	(pc) =	sbr.rel @p1 .LBB2_9-.Ltmp5, $4  }
.Ltmp6:
0x123: {  	_ = 	snop;
	(pc) =	sbr.rel @!p1 .LBB2_8-.Ltmp6, $4  }
0x124: {  	_ =	swait.ge [sflag:s23], $0x2700  }
0x125: {  	[sflag:s23] =	ssyncset.done $0x0  }
0x126: {  	s14 =	rddreg [dreg:$0x6];
	[sflag:s23] =	ssyncadd.s32 $0xFFFFD900  }
0x127: {  	_ = 	snop  }
.LBB2_6:
0x128: {  	s18 =	rddreg [dreg:$0xe]  }
0x129: {  	[hbm:s18], [sflag:s13] =	dma.local [spmem:s14], $0x2700  }
.Ltmp7:
0x12a: {  	_ = 	snop;
	(pc) =	sbr.rel @p3 .LBB2_8-.Ltmp7, $4  }
.Ltmp8:
0x12b: {  	_ = 	snop;
	(pc) =	sbr.rel @!p3 .LBB2_9-.Ltmp8, $4  }
0x12c: {  	_ =	swait.ge [sflag:s23], $0x2700  }
0x12d: {  	[sflag:s23] =	ssyncset.done $0x0  }
0x12e: {  	s14 =	rddreg [dreg:$0x5];
	[sflag:s23] =	ssyncadd.s32 $0xFFFFD900  }
0x12f: {  	_ = 	snop  }
.LBB2_10:
0x130: {  	_ =	sfence.sel $0x180000  }
0x131: {  	[bflag:$0x0] =	sbarrier.arrive $0xFFFF  }
0x132: {  	_ =	strace $0x9000004A  }
0x133: {  	s0 =	stileid.u32;
	[bflag:$0x2] =	sbarrier.arrive $0xFFFF  }
0x134: {  	p0 =	sne.s32 s0, $0x0;
	s0 =	rddreg [dreg:$0x4]  }
0x135: {  	s0 =	sadd.s32 @!p0 $0x100000, s0  }
0x136: {  	[sflag:s0] =	ssyncadd.tile.s32 @!p0 $0x1;
	_ =	shalt  }
.Lfunc_end2:
_tile_overlayer_lowered:
.L_overlay_start_2:
0x137: {  	(tag) =	ssettag $0x2  }
0x138: {  	s0 =	rddreg [dreg:$0x0];
	s2 =	stileid.u32  }
0x139: {  	s1 =	rddreg [dreg:$0x1];
	p0 =	sne.s32 s2, $0x0  }
0x13a: {  	s3 =	rddreg [dreg:$0x2];
	[bflag:$0x3] =	sbarrier.arrive $0xFFFF;
	s2 =	simm.s32 @!p0 $0x1C0A  }
0x13b: {  	[timem:s3], [sflag:s2] =	dma.local @!p0 [hbm:s0], s1  }
0x13c: {  	s0 =	simm.s32 @!p0 $0xA  }
0x13d: {  	_ =	swait.ge @!p0 [sflag:s0], s1  }
0x13e: {  	s1 =	ssub.s32 @!p0 $0x0, s1;
	[sflag:s0] =	ssyncset.done @!p0 $0x0  }
0x13f: {  	[sflag:s0] =	ssyncadd.s32 @!p0 s1  }
0x140: {  	[bflag:$0x3] =	sbarrier.arrive $0xFFFF  }
0x141: {  	_ =	shalt  }

// kernel: kernel.7.cloned.1.call-start
scs
__scs_entry_jumppad:
0x0: {  	(pc) =	sbr.rel $0x88, $3  }
0x1: {  	(tag) =	ssettag $0x0;
	lr =	simm.s32 $0x1  }
0x2: {  	[smem:$0x3F99] =	sst lr;
	_ =	strace $0xD0000000  }
0x3: {  	_ = 	snop  }
0x4: {  	_ = 	snop  }
0x5: {  	_ = 	snop  }
0x6: {  	_ = 	snop  }
0x7: {  	_ = 	snop  }
__scs_overlays_trampoline_lowered:
0x8: {  	[smem:$0x3FA8] =	sst s0  }
0x9: {  	[smem:$0x3FA9] =	sst s1  }
0xa: {  	[smem:$0x3FAA] =	sst s2  }
0xb: {  	[smem:$0x3FAB] =	sst s3  }
0xc: {  	[smem:$0x3FAC] =	sst s4  }
0xd: {  	[smem:$0x3FAD] =	sst s5  }
0xe: {  	[smem:$0x3FAE] =	sst s6  }
0xf: {  	[smem:$0x3FAF] =	sst s7  }
0x10: {  	[smem:$0x3FB0] =	sst s8  }
0x11: {  	[smem:$0x3FB1] =	sst s9;
	s0 =	simm.s32 @!p0 $0x0  }
0x12: {  	s1 =	sld [smem:$0x3F97];
	s0 =	simm.s32 @p0 $0x1  }
0x13: {  	[smem:$0x3FB2] =	sst s0;
	s0 =	simm.s32 @!p1 $0x0  }
0x14: {  	s2 =	sld [smem:$0x3F96];
	s0 =	simm.s32 @p1 $0x1  }
0x15: {  	[smem:$0x3FB3] =	sst s0;
	s0 =	simm.s32 @!p2 $0x0  }
0x16: {  	s3 =	sld [smem:$0x3FDB];
	s0 =	simm.s32 @p2 $0x1  }
0x17: {  	s4 =	simm.s32 $0x1BF5;
	[smem:$0x3FB5] =	sst s0  }
0x18: {  	s0 =	sld [smem:$0x3F98];
	_ =	swait.ge [sflag:s4], $0x0  }
0x19: {  	s7 =	sld [smem:$0x3F99]  }
0x1a: {  	s8 =	sadd.s32 $0xFFFFE003, lr  }
0x1b: {  	s9 =	sadd.s32 $0xFFFFFEF7, lr;
	s5 =	simm.s32 $0xFFFFFFFF;
	p2 =	slt.u32 s8, $0xFFFFF086  }
0x1c: {  	p1 =	slt.u32 s9, $0xF7A;
	s5 =	simm.s32 @!p2 $0x0  }
0x1d: {  	s5 =	simm.s32 @p1 $0x1;
	p0 =	seq.s32 s7, s2  }
0x1e: {  	s7 =	smul.u32 @!p0 $0xF7A, s2;
	p2 =	seq.s32 @!p0 s5, $0x0  }
0x1f: {  	s9 =	smul.u32 $0xF7A, s1;
	s8 =	simm.s32 @!p0 $0x1BF5;
	p2 =	por !p2, p0  }
0x20: {  	[sflag:s8] =	ssyncset.s32 @!p0 $0xFFFFF086;
	s6 =	sadd.s32 @!p0 s3, s7;
	s7 =	simm.s32 @!p0 $0x108  }
0x21: {  	s3 =	sadd.s32 s3, s9;
	s6 =	sadd.s32 @!p0 $0x88, s6;
	s7 =	simm.s32 @p2 $0x1082  }
0x22: {  	[simem:s7], [sflag:s8] =	dma.local @!p0 [hbm:s6], $0xF7A  }
0x23: {  	s9 =	sor.u32 $0xD0000000, s2;
	s6 =	simm.s32 $0x108;
	_ =	swait.ge @!p0 [sflag:s8], $0x0  }
0x24: {  	s3 =	sadd.s32 $0x88, s3;
	s6 =	simm.s32 @!p1 $0x1082;
	[sflag:s4] =	ssyncset.s32 $0xFFFFF086  }
0x25: {  	[simem:s6], [sflag:s4] =	dma.local [hbm:s3], $0xF7A  }
0x26: {  	[smem:$0x3F99] =	sst s1;
	(tag) =	ssettag s2;
	_ =	strace s9  }
0x27: {  	s1 =	sld [smem:$0x3FA9]  }
0x28: {  	s2 =	sld [smem:$0x3FAA]  }
0x29: {  	s4 =	sld [smem:$0x3FAC]  }
0x2a: {  	p0 =	seq.s32 s5, $0x0;
	s5 =	sld [smem:$0x3FAD]  }
0x2b: {  	s6 =	sld [smem:$0x3FAE]  }
0x2c: {  	s7 =	sld [smem:$0x3FAF]  }
0x2d: {  	s3 =	simm.s32 $0x108;
	s8 =	sld [smem:$0x3FB0]  }
0x2e: {  	s3 =	simm.s32 @!p0 $0x1082;
	s9 =	sld [smem:$0x3FB1]  }
0x2f: {  	lr =	sadd.s32 s0, s3;
	s0 =	sld [smem:$0x3FA8]  }
0x30: {  	s3 =	sld [smem:$0x3FAB]  }
0x31: {  	[smem:$0x3FB4] =	sst s10  }
0x32: {  	s10 =	sld [smem:$0x3FB2];
	_ =	sdelay $0x3  }
0x33: {  	p0 =	seq.s32 s10, $0x1;
	s10 =	sld [smem:$0x3FB4];
	_ =	sdelay $0x3  }
0x34: {  	[smem:$0x3FB4] =	sst s10  }
0x35: {  	s10 =	sld [smem:$0x3FB3];
	_ =	sdelay $0x3  }
0x36: {  	p1 =	seq.s32 s10, $0x1;
	s10 =	sld [smem:$0x3FB4];
	_ =	sdelay $0x3  }
0x37: {  	[smem:$0x3FB4] =	sst s10  }
0x38: {  	s10 =	sld [smem:$0x3FB5]  }
0x39: {  	_ = 	snop;
	(pc) =	sbr.ind lr, $3  }
0x3a: {  	_ = 	snop  }
0x3b: {  	_ = 	snop  }
0x3c: {  	p2 =	seq.s32 s10, $0x1;
	s10 =	sld [smem:$0x3FB4]  }
0x3d: {  	_ =	shalt  }
0x3e: {  	_ =	shalt  }
0x3f: {  	_ =	shalt  }
0x40: {  	_ =	shalt  }
0x41: {  	_ =	shalt  }
0x42: {  	_ =	shalt  }
0x43: {  	_ =	shalt  }
0x44: {  	_ =	shalt  }
0x45: {  	_ =	shalt  }
0x46: {  	_ =	shalt  }
0x47: {  	_ =	shalt  }
0x48: {  	_ =	shalt  }
0x49: {  	_ =	shalt  }
0x4a: {  	_ =	shalt  }
0x4b: {  	_ =	shalt  }
0x4c: {  	_ =	shalt  }
0x4d: {  	_ =	shalt  }
0x4e: {  	_ =	shalt  }
0x4f: {  	_ =	shalt  }
0x50: {  	_ =	shalt  }
0x51: {  	_ =	shalt  }
0x52: {  	_ =	shalt  }
0x53: {  	_ =	shalt  }
0x54: {  	_ =	shalt  }
0x55: {  	_ =	shalt  }
0x56: {  	_ =	shalt  }
0x57: {  	_ =	shalt  }
0x58: {  	_ =	shalt  }
0x59: {  	_ =	shalt  }
0x5a: {  	_ =	shalt  }
0x5b: {  	_ =	shalt  }
0x5c: {  	_ =	shalt  }
0x5d: {  	_ =	shalt  }
0x5e: {  	_ =	shalt  }
0x5f: {  	_ =	shalt  }
0x60: {  	_ =	shalt  }
0x61: {  	_ =	shalt  }
0x62: {  	_ =	shalt  }
0x63: {  	_ =	shalt  }
0x64: {  	_ =	shalt  }
0x65: {  	_ =	shalt  }
0x66: {  	_ =	shalt  }
0x67: {  	_ =	shalt  }
0x68: {  	_ =	shalt  }
0x69: {  	_ =	shalt  }
0x6a: {  	_ =	shalt  }
0x6b: {  	_ =	shalt  }
0x6c: {  	_ =	shalt  }
0x6d: {  	_ =	shalt  }
0x6e: {  	_ =	shalt  }
0x6f: {  	_ =	shalt  }
0x70: {  	_ =	shalt  }
0x71: {  	_ =	shalt  }
0x72: {  	_ =	shalt  }
0x73: {  	_ =	shalt  }
0x74: {  	_ =	shalt  }
0x75: {  	_ =	shalt  }
0x76: {  	_ =	shalt  }
0x77: {  	_ =	shalt  }
0x78: {  	_ =	shalt  }
0x79: {  	_ =	shalt  }
0x7a: {  	_ =	shalt  }
0x7b: {  	_ =	shalt  }
0x7c: {  	_ =	shalt  }
0x7d: {  	_ =	shalt  }
0x7e: {  	_ =	shalt  }
0x7f: {  	_ =	shalt  }
0x80: {  	_ =	shalt  }
0x81: {  	_ =	shalt  }
0x82: {  	_ =	shalt  }
0x83: {  	_ =	shalt  }
0x84: {  	_ =	shalt  }
0x85: {  	_ =	shalt  }
0x86: {  	_ =	shalt  }
0x87: {  	_ =	shalt  }
.Lfunc_end0:
.L_simem_size_0:
called_computation_lowered:
.L_overlay_start_0:
0x88: {  	s2 =	sld [smem:$0x3FD9]  }
0x89: {  	s3 =	sld [smem:$0x3FFE];
	_ =	sdelay $0x1  }
0x8a: {  	s1 =	srdreg.scid  }
0x8b: {  	s0 =	sand.u32 $0x1, s1  }
0x8c: {  	s17 =	sshll.u32 s0, $0xA;
	s2 =	sadd.s32 s3, s2  }
0x8d: {  	s2 =	sadd.s32 s2, s17  }
0x8e: {  	[smem:$0x3FC0] =	sst s2  }
0x8f: {  	_ = 	snop  }
0x90: {  	s2 =	sld [smem:$0x3FC8]  }
0x91: {  	s18 =	sld [smem:$0x3FD0];
	(tm) =	ssettm $0x1  }
0x92: {  	s4 =	sld [smem:$0x3FFB];
	_ =	sdelay $0x3  }
0x93: {  	_ =	strace s4  }
0x94: {  	s4 =	sld [smem:$0x3FFC];
	_ =	sdelay $0x3  }
0x95: {  	_ =	strace s4  }
0x96: {  	s4 =	sld [smem:$0x3FFD];
	_ =	sdelay $0x3  }
0x97: {  	_ =	strace s4  }
0x98: {  	_ =	strace $0x8FFFFFFF  }
0x99: {  	s19 =	sld [smem:$0x3FDB];
	_ =	sdelay $0x1  }
0x9a: {  	s5 =	simm.s32 $_scs_section_size  }
0x9b: {  	s6 =	simm.s32 $_size__tile_overlayer_lowered;
	s7 =	simm.s32 $_tile_overlayer_lowered  }
0x9c: {  	s22 =	simm.s32 $0x1BFF;
	s21 =	sshll.u32 s7, $0x1;
	s4 =	sadd.s32 s5, s19  }
0x9d: {  	s8 =	simm.s32 $0x0;
	s20 =	sshll.u32 s6, $0x1;
	s6 =	sadd.s32 s21, s4  }
0x9e: {  	[timem:s8], [sflag:s22] =	dma.local [hbm:s6], s20  }
0x9f: {  	_ =	swait.ge [sflag:s22], s20  }
0xa0: {  	s5 =	ssub.s32 $0x0, s20;
	[sflag:s22] =	ssyncset.done $0x0  }
0xa1: {  	[sflag:s22] =	ssyncadd.s32 s5;
	_ =	sdelay $0x1  }
0xa2: {  	s23 =	simm.s32 $0x1B8B  }
0xa3: {  	_ =	swait.ge [sflag:s23], $0x1  }
0xa4: {  	[sflag:s23] =	ssyncset.done $0x0  }
0xa5: {  	s25 =	simm.s32 $0x1B8E;
	s24 =	sld [smem:$0x3FFE];
	[sflag:s23] =	ssyncadd.s32 $0xFFFFFFFF  }
0xa6: {  	s26 =	simm.s32 $execute0_lowered;
	[smem:$0x3FD2] =	sst s25  }
0xa7: {  	s6 =	sshll.u32 s26, $0x1;
	_ =	strace $0x80000046;
	[dreg:$0x1] =	wrdreg $0xFFFFFFFF  }
0xa8: {  	s28 =	simm.s32 $_size_execute0_lowered;
	s4 =	sadd.s32 s4, s6;
	[dreg:$0x0] =	wrdreg $0x0  }
0xa9: {  	s6 =	sshll.u32 s28, $0x1;
	[dreg:$0x2] =	wrdreg s4  }
0xaa: {  	[dreg:$0x3] =	wrdreg s6  }
0xab: {  	[dreg:$0x4] =	wrdreg $0xC0  }
0xac: {  	_ =	task [dreg:s8], $0x5FFFF  }
0xad: {  	[dreg:$0x1] =	wrdreg $0xFFFFFFFF  }
0xae: {  	[dreg:$0x0] =	wrdreg $0x60  }
0xaf: {  	[dreg:$0x2] =	wrdreg s18  }
0xb0: {  	[dreg:$0x3] =	wrdreg s2  }
0xb1: {  	[dreg:$0x4] =	wrdreg s24  }
0xb2: {  	[dreg:$0x5] =	wrdreg $0xC7000  }
0xb3: {  	[dreg:$0x6] =	wrdreg $0x9  }
0xb4: {  	_ =	task.clear_ibuf [dreg:s8], $0x7FFFF;
	_ =	strace $0x90000046  }
0xb5: {  	s29 =	simm.s32 $0x9;
	_ =	strace $0x80000048  }
0xb6: {  	_ =	swait.ge [sflag:s29], $0x1  }
0xb7: {  	[sflag:s29] =	ssyncadd.s32 $0xFFFFFFFF  }
0xb8: {  	_ =	strace $0x90000048  }
0xb9: {  	_ =	sfence  }
0xba: {  	s30 =	sld [smem:$0x0];
	_ =	sdelay $0x2  }
0xbb: {  	s31 =	sshll.u32 s1, $0xD;
	s1 =	sshrl.u32 s1, $0x2  }
0xbc: {  	s3 =	sand.u32 $0x4000, s31;
	s1 =	sadd.s32 s1, s30  }
0xbd: {  	s0 =	sor.u32 s3, s0;
	s1 =	sshll.u32 s1, $0x11  }
0xbe: {  	s0 =	sor.u32 s1, s0  }
0xbf: {  	s0 =	sadd.s32 $0x8F2B, s0  }
0xc0: {  	[sflag:s0] =	ssyncadd.remote.s32 $0x1  }
0xc1: {  	_ =	sfence.sel $0xFFFF  }
0xc2: {  	[dreg:$0x0] =	wrdreg $0xFFFFFFFF;
	(pc) =	sbr.abs _section_cstart, $3  }
0xc3: {  	[dreg:$0x1] =	wrdreg $0xFFFFFFFF  }
0xc4: {  	_ =	task.clear_ibuf [dreg:s8], $0x2FFFF;
	_ =	strace $0x9FFFFFFF  }
0xc5: {  	(tm) =	ssettm $0x7FFFFFFF  }
tec
execute0_lowered:
.L_overlay_start_1:
0x0: {  	(tag) =	ssettag $0x1  }
0x1: {  	s1 =	rddreg [dreg:$0x0]  }
0x2: {  	s0 =	rddreg [dreg:$0x1]  }
0x3: {  	s4 =	rddreg [dreg:$0x2]  }
0x4: {  	s2 =	rddreg [dreg:$0x3]  }
0x5: {  	s3 =	simm.s32 $0x0;
	s5 =	srdreg.scid;
	s13 =	stileid.u32  }
0x6: {  	s28 =	simm.s32 $0x300;
	s29 =	simm.s32 $0x4;
	s30 =	simm.s32 $0x200  }
0x7: {  	s31 =	simm.s32 $0x2;
	[smem:$0x7FF] =	sst s3;
	s5 =	sand.u32 $0x1, s5  }
0x8: {  	s14 =	sadd.s32 $0x2A00, s4;
	s7 =	smul.u32 $0x4E000, s13;
	s15 =	sadd.s32 $0x29C00, s4  }
0x9: {  	s26 =	sadd.s32 $0x20, s0;
	s20 =	sshll.u32 s13, $0x5;
	s12 =	smul.u32 $0x4E, s13  }
0xa: {  	s21 =	smul.u32 $0x2700, s13;
	s16 =	sadd.s32 $0x138000, s2;
	p1 =	sne.s32 s13, $0xF  }
0xb: {  	p2 =	sgt.u32 s13, $0x1;
	p3 =	seq.s32 s13, $0xF;
	_ =	strace $0x80000047  }
0xc: {  	s6 =	sshll.u32 s5, $0x4;
	s24 =	ssub.s32 $0x2, s5;
	s10 =	smul.u32 $0x4E0, s5  }
0xd: {  	s11 =	sshll.u32 s5, $0x6;
	p0 =	seq.s32 s5, $0x1;
	[dreg:$0x5] =	wrdreg s14  }
0xe: {  	[dreg:$0x6] =	wrdreg s15;
	s6 =	sor.u32 s13, s6;
	s9 =	sshrl.u32 s24, $0x1  }
0xf: {  	s7 =	sshrl.u32 s7, $0x2;
	s23 =	sadd.s32 s14, s21;
	s8 =	smul.u32 $0x4E00, s6  }
0x10: {  	s6 =	smul.u32 $0x9C0, s6;
	s4 =	ssub.s32 s24, s9;
	s7 =	sadd.s32 s7, s2  }
0x11: {  	s22 =	sadd.s32 s12, s10;
	[dreg:$0xe] =	wrdreg s23;
	s24 =	sadd.s32 s15, s21  }
0x12: {  	s23 =	simm.s32 $0xA;
	s15 =	simm.s32 $0x180;
	s9 =	simm.s32 $0x280  }
0x13: {  	s10 =	simm.s32 $0x8;
	s12 =	simm.s32 $0x0;
	s5 =	sshll.u32 s22, $0x5  }
0x14: {  	[dreg:$0xf] =	wrdreg s24;
	s4 =	smax.u32 s4, $0x1;
	s22 =	simm.s32 $0xC300  }
0x15: {  	s24 =	simm.s32 $0x100;
	s8 =	sshrl.u32 s8, $0x3;
	s25 =	sadd.s32 s0, s6  }
0x16: {  	s6 =	sadd.s32 s6, s26;
	[dreg:$0x10] =	wrdreg s4;
	s26 =	sadd.s32 s26, s5  }
0x17: {  	s4 =	simm.s32 $0x8300;
	[dreg:$0x7] =	wrdreg s25;
	s8 =	sadd.s32 s0, s8  }
0x18: {  	[dreg:$0x8] =	wrdreg s6;
	s6 =	sadd.s32 s20, s0;
	s0 =	sadd.s32 s0, s5  }
0x19: {  	s25 =	sadd.s32 $0x138400, s2;
	s21 =	sadd.s32 $0x80, s26;
	s26 =	simm.s32 $0x80  }
0x1a: {  	s5 =	simm.s32 $0x5;
	s17 =	sadd.s32 $0x40, s8;
	s18 =	sadd.s32 $0x60, s8  }
0x1b: {  	s19 =	sadd.s32 $0x80, s8;
	s8 =	sadd.s32 $0x9A0, s8;
	[dreg:$0x11] =	wrdreg s25  }
.Ltmp0:
0x1c: {  	s6 =	sadd.s32 s11, s6;
	[dreg:$0x9] =	wrdreg s17;
	(pc) =	sbr.rel .LBB2_1-.Ltmp0, $4  }
0x1d: {  	s20 =	sadd.s32 $0xC0, s0;
	s25 =	simm.s32 $0x1;
	[dreg:$0xa] =	wrdreg s18  }
0x1e: {  	s0 =	simm.s32 $0x4300;
	s11 =	simm.s32 $0x9;
	[dreg:$0xb] =	wrdreg s19  }
0x1f: {  	[dreg:$0xc] =	wrdreg s8;
	s6 =	sadd.s32 $0x13800, s6;
	s17 =	simm.s32 $0x3  }
0x20: {  	v0 =	vimm.f32 $0.0e+00;
	s8 =	simm.s32 $0x6;
	[dreg:$0xd] =	wrdreg s6;
	s6 =	simm.s32 $0x7  }
.LBB2_8:
0x21: {  	s14 =	sadd.s32 $0x27000, s14;
	s18 =	sshrl.u32 s16, $0x3  }
0x22: {  	[hbm:s14], [sflag:s13] =	dma.local [spmem:s18], $0x100  }
0x23: {  	_ =	swait.ge [sflag:s23], $0x100  }
0x24: {  	[sflag:s23] =	ssyncset.done $0x0  }
0x25: {  	[sflag:s23] =	ssyncadd.s32 $0xFFFFFF00  }
.LBB2_9:
0x26: {  	s12 =	sadd.s32 $0x1, s12;
	s13 =	rddreg [dreg:$0x10]  }
0x27: {  	p4 =	sne.s32 s12, s13  }
.Ltmp1:
0x28: {  	_ = 	snop;
	(pc) =	sbr.rel @!p4 .LBB2_10-.Ltmp1, $1  }
0x29: {  	_ =	sdelay $0x3  }
.LBB2_1:
0x2a: {  	[tilespmem:$0xC300] =	vst v0  }
0x2b: {  	[tilespmem:$0xC310] =	vst v0  }
0x2c: {  	[tilespmem:$0xC320] =	vst v0  }
0x2d: {  	[tilespmem:$0xC330] =	vst v0  }
0x2e: {  	[tilespmem:$0xC340] =	vst v0  }
0x2f: {  	[tilespmem:$0xC350] =	vst v0  }
0x30: {  	[tilespmem:$0xC360] =	vst v0  }
0x31: {  	[tilespmem:$0xC370] =	vst v0  }
0x32: {  	[tilespmem:$0xC380] =	vst v0  }
0x33: {  	[tilespmem:$0xC390] =	vst v0  }
0x34: {  	[tilespmem:$0xC3A0] =	vst v0  }
0x35: {  	[tilespmem:$0xC3B0] =	vst v0  }
0x36: {  	[tilespmem:$0xC3C0] =	vst v0  }
0x37: {  	[tilespmem:$0xC3D0] =	vst v0  }
0x38: {  	[tilespmem:$0xC3E0] =	vst v0  }
0x39: {  	[tilespmem:$0xC3F0] =	vst v0  }
0x3a: {  	[tilespmem:$0xC400] =	vst v0  }
0x3b: {  	[tilespmem:$0xC410] =	vst v0  }
0x3c: {  	[tilespmem:$0xC420] =	vst v0  }
0x3d: {  	[tilespmem:$0xC430] =	vst v0  }
0x3e: {  	[tilespmem:$0xC440] =	vst v0  }
0x3f: {  	[tilespmem:$0xC450] =	vst v0  }
0x40: {  	[tilespmem:$0xC460] =	vst v0  }
0x41: {  	[tilespmem:$0xC470] =	vst v0  }
0x42: {  	[tilespmem:$0xC480] =	vst v0  }
0x43: {  	[tilespmem:$0xC490] =	vst v0  }
0x44: {  	[tilespmem:$0xC4A0] =	vst v0  }
0x45: {  	[tilespmem:$0xC4B0] =	vst v0  }
0x46: {  	[tilespmem:$0xC4C0] =	vst v0  }
0x47: {  	[tilespmem:$0xC4D0] =	vst v0  }
0x48: {  	[tilespmem:$0xC4E0] =	vst v0  }
0x49: {  	[tilespmem:$0xC4F0] =	vst v0  }
0x4a: {  	[tilespmem:$0xC500] =	vst v0  }
0x4b: {  	[tilespmem:$0xC510] =	vst v0  }
0x4c: {  	[tilespmem:$0xC520] =	vst v0  }
0x4d: {  	[tilespmem:$0xC530] =	vst v0  }
0x4e: {  	[tilespmem:$0xC540] =	vst v0  }
0x4f: {  	[tilespmem:$0xC550] =	vst v0  }
0x50: {  	[tilespmem:$0xC560] =	vst v0  }
0x51: {  	[tilespmem:$0xC570] =	vst v0  }
0x52: {  	[tilespmem:$0xC580] =	vst v0  }
0x53: {  	[tilespmem:$0xC590] =	vst v0  }
0x54: {  	[tilespmem:$0xC5A0] =	vst v0  }
0x55: {  	[tilespmem:$0xC5B0] =	vst v0  }
0x56: {  	[tilespmem:$0xC5C0] =	vst v0  }
0x57: {  	[tilespmem:$0xC5D0] =	vst v0  }
0x58: {  	[tilespmem:$0xC5E0] =	vst v0  }
0x59: {  	[tilespmem:$0xC5F0] =	vst v0  }
0x5a: {  	[tilespmem:$0xC600] =	vst v0  }
0x5b: {  	[tilespmem:$0xC610] =	vst v0  }
0x5c: {  	[tilespmem:$0xC620] =	vst v0  }
0x5d: {  	[tilespmem:$0xC630] =	vst v0  }
0x5e: {  	[tilespmem:$0xC640] =	vst v0  }
0x5f: {  	[tilespmem:$0xC650] =	vst v0  }
0x60: {  	[tilespmem:$0xC660] =	vst v0  }
0x61: {  	[tilespmem:$0xC670] =	vst v0  }
0x62: {  	[tilespmem:$0xC680] =	vst v0  }
0x63: {  	[tilespmem:$0xC690] =	vst v0  }
0x64: {  	[tilespmem:$0xC6A0] =	vst v0  }
0x65: {  	[tilespmem:$0xC6B0] =	vst v0  }
0x66: {  	[tilespmem:$0xC6C0] =	vst v0  }
0x67: {  	[tilespmem:$0xC6D0] =	vst v0  }
0x68: {  	[tilespmem:$0xC6E0] =	vst v0  }
0x69: {  	[tilespmem:$0xC6F0] =	vst v0;
	s13 =	sadd.s32 $0x0, s7  }
0x6a: {  	[spmem:s13] =	stream.linear.scatter [tilespmem:s22], [sflag:$0xA], $0x400, $0x38;
	[tilespmem:$0x1FF80] =	vst v63  }
0x6b: {  	s13 =	simm.s32 $0x1000;
	_ =	swait.ge [sflag:s23], $0x400  }
.LBB2_2:
0x6c: {  	s14 =	sshra.s32 s13, $0x2;
	[sflag:s23] =	ssyncset.done $0x0;
	p4 =	sne.s32 s13, $0x4D000  }
.Ltmp2:
0x6d: {  	s14 =	sadd.s32 s14, s7;
	[sflag:s23] =	ssyncadd.s32 $0xFFFFFC00;
	(pc) =	sbr.rel @p4 .LBB2_2-.Ltmp2, $3  }
0x6e: {  	[spmem:s14] =	stream.linear.scatter [tilespmem:s22], [sflag:$0xA], $0x400, $0x38;
	[tilespmem:$0x1FF80] =	vst v63  }
0x6f: {  	s13 =	sadd.s32 $0x1000, s13;
	_ =	sdelay $0x1  }
0x70: {  	_ =	swait.ge [sflag:s23], $0x400  }
0x71: {  	[sflag:s23] =	ssyncset.done $0x0  }
0x72: {  	s13 =	simm.s32 @!p1 $0xC300;
	s14 =	simm.s32 @!p1 $0xA;
	[sflag:s23] =	ssyncadd.s32 $0xFFFFFC00  }
0x73: {  	[spmem:s16] =	stream.linear.scatter @!p1 [tilespmem:s13], [sflag:$0xA], $0x400, $0x38;
	[tilespmem:$0x1FF80] =	vst v63  }
0x74: {  	_ =	swait.ge @!p1 [sflag:s14], $0x400  }
0x75: {  	[sflag:s14] =	ssyncset.done @!p1 $0x0  }
0x76: {  	s18 =	rddreg [dreg:$0x11];
	[sflag:s14] =	ssyncadd.s32 @!p1 $0xFFFFFC00  }
0x77: {  	[spmem:s18] =	stream.linear.scatter @!p1 [tilespmem:s13], [sflag:$0xA], $0x400, $0x38;
	[tilespmem:$0x1FF80] =	vst v63  }
0x78: {  	_ =	swait.ge @!p1 [sflag:s14], $0x400  }
0x79: {  	[sflag:s14] =	ssyncset.done @!p1 $0x0  }
0x7a: {  	[sflag:s14] =	ssyncadd.s32 @!p1 $0xFFFFFC00  }
0x7b: {  	[bflag:$0x0] =	sbarrier.arrive $0xFFFF  }
0x7c: {  	s13 =	simm.s32 $0x0;
	s19 =	rddreg [dreg:$0x7]  }
0x7d: {  	[tilespmem:s13], [sflag:$0x1] =	stream.linear.gather [hbm4b:s19+s13], $0x100, $0x38;
	[tilespmem:$0x1FF80] =	vst v63  }
0x7e: {  	s18 =	rddreg [dreg:$0x8]  }
0x7f: {  	[tilespmem:s24], [sflag:$0x2] =	stream.linear.gather [hbm4b:s18+s13], $0x100, $0x38;
	[tilespmem:$0x1FF80] =	vst v63  }
0x80: {  	_ =	swait.ge [sflag:s25], $0x100  }
0x81: {  	[sflag:s25] =	ssyncset.done $0x0  }
0x82: {  	[sflag:s25] =	ssyncadd.s32 $0xFFFFFF00  }
0x83: {  	[tilespmem:s28], [sflag:$0x4] =	stream.indirect.gather [hbm4b:s1+s26], $0x80, s13, s26, $0xb8;
	[tilespmem:$0x1FF80] =	vst v63  }
0x84: {  	_ =	swait.ge [sflag:s29], $0x4000  }
0x85: {  	[sflag:s29] =	ssyncset.done $0x0  }
0x86: {  	[sflag:s29] =	ssyncadd.s32 $0xFFFFC000  }
0x87: {  	[spmem:s2] =	stream.indirect.scatter.add.f32 [tilespmem:s28], [sflag:$0x7], $0x80, s26, s26, $0xb8;
	[tilespmem:$0x1FF80] =	vst v63  }
0x88: {  	s19 =	rddreg [dreg:$0x9]  }
0x89: {  	[tilespmem:s30], [sflag:$0x3] =	stream.linear.gather [hbm4b:s19+s13], $0x100, $0x38;
	[tilespmem:$0x1FF80] =	vst v63  }
0x8a: {  	_ =	swait.ge [sflag:s31], $0x100  }
0x8b: {  	[sflag:s31] =	ssyncset.done $0x0  }
0x8c: {  	[sflag:s31] =	ssyncadd.s32 $0xFFFFFF00  }
0x8d: {  	[tilespmem:s0], [sflag:$0x5] =	stream.indirect.gather [hbm4b:s1+s26], $0x80, s24, s26, $0xb8;
	[tilespmem:$0x1FF80] =	vst v63  }
0x8e: {  	_ =	swait.ge [sflag:s5], $0x4000  }
0x8f: {  	[sflag:s5] =	ssyncset.done $0x0  }
0x90: {  	[sflag:s5] =	ssyncadd.s32 $0xFFFFC000  }
0x91: {  	[spmem:s2] =	stream.indirect.scatter.add.f32 [tilespmem:s0], [sflag:$0x8], $0x80, s15, s26, $0xb8;
	[tilespmem:$0x1FF80] =	vst v63  }
0x92: {  	_ =	swait.ge [sflag:s6], $0x4000  }
0x93: {  	[sflag:s6] =	ssyncset.done $0x0  }
0x94: {  	s18 =	rddreg [dreg:$0xa];
	[sflag:s6] =	ssyncadd.s32 $0xFFFFC000  }
0x95: {  	[tilespmem:s13], [sflag:$0x1] =	stream.linear.gather [hbm4b:s18+s13], $0x100, $0x38;
	[tilespmem:$0x1FF80] =	vst v63  }
0x96: {  	_ =	swait.ge [sflag:s17], $0x100  }
0x97: {  	[sflag:s17] =	ssyncset.done $0x0  }
0x98: {  	[sflag:s17] =	ssyncadd.s32 $0xFFFFFF00  }
0x99: {  	[tilespmem:s4], [sflag:$0x6] =	stream.indirect.gather [hbm4b:s1+s26], $0x80, s30, s26, $0xb8;
	[tilespmem:$0x1FF80] =	vst v63  }
0x9a: {  	_ =	swait.ge [sflag:s8], $0x4000  }
0x9b: {  	[sflag:s8] =	ssyncset.done $0x0  }
0x9c: {  	[sflag:s8] =	ssyncadd.s32 $0xFFFFC000  }
0x9d: {  	[spmem:s2] =	stream.indirect.scatter.add.f32 [tilespmem:s4], [sflag:$0x9], $0x80, s9, s26, $0xb8;
	[tilespmem:$0x1FF80] =	vst v63  }
0x9e: {  	_ =	swait.ge [sflag:s10], $0x4000  }
0x9f: {  	[sflag:s10] =	ssyncset.done $0x0  }
0xa0: {  	s19 =	rddreg [dreg:$0xb];
	[sflag:s10] =	ssyncadd.s32 $0xFFFFC000  }
0xa1: {  	[tilespmem:s24], [sflag:$0x2] =	stream.linear.gather [hbm4b:s19+s13], $0x100, $0x38;
	[tilespmem:$0x1FF80] =	vst v63  }
0xa2: {  	_ =	swait.ge [sflag:s25], $0x100  }
0xa3: {  	[sflag:s25] =	ssyncset.done $0x0  }
0xa4: {  	[sflag:s25] =	ssyncadd.s32 $0xFFFFFF00  }
0xa5: {  	[tilespmem:s28], [sflag:$0x4] =	stream.indirect.gather [hbm4b:s1+s26], $0x80, s13, s26, $0xb8;
	[tilespmem:$0x1FF80] =	vst v63  }
0xa6: {  	_ =	swait.ge [sflag:s29], $0x4000  }
0xa7: {  	[sflag:s29] =	ssyncset.done $0x0  }
0xa8: {  	[sflag:s29] =	ssyncadd.s32 $0xFFFFC000  }
0xa9: {  	[spmem:s2] =	stream.indirect.scatter.add.f32 [tilespmem:s28], [sflag:$0x7], $0x80, s26, s26, $0xb8;
	[tilespmem:$0x1FF80] =	vst v63  }
0xaa: {  	_ =	swait.ge [sflag:s11], $0x4000  }
0xab: {  	[sflag:s11] =	ssyncset.done $0x0  }
0xac: {  	s18 =	sadd.s32 $0x0, s21;
	[sflag:s11] =	ssyncadd.s32 $0xFFFFC000  }
0xad: {  	[tilespmem:s30], [sflag:$0x3] =	stream.linear.gather [hbm4b:s18+s3], $0x100, $0x38;
	[tilespmem:$0x1FF80] =	vst v63  }
0xae: {  	_ =	swait.ge [sflag:s31], $0x100  }
0xaf: {  	[sflag:s31] =	ssyncset.done $0x0  }
0xb0: {  	[sflag:s31] =	ssyncadd.s32 $0xFFFFFF00  }
0xb1: {  	[tilespmem:s0], [sflag:$0x5] =	stream.indirect.gather [hbm4b:s1+s26], $0x80, s24, s26, $0xb8;
	[tilespmem:$0x1FF80] =	vst v63  }
0xb2: {  	_ =	swait.ge [sflag:s5], $0x4000  }
0xb3: {  	[sflag:s5] =	ssyncset.done $0x0  }
0xb4: {  	[sflag:s5] =	ssyncadd.s32 $0xFFFFC000  }
0xb5: {  	[spmem:s2] =	stream.indirect.scatter.add.f32 [tilespmem:s0], [sflag:$0x8], $0x80, s15, s26, $0xb8;
	[tilespmem:$0x1FF80] =	vst v63  }
0xb6: {  	_ =	swait.ge [sflag:s6], $0x4000  }
0xb7: {  	[sflag:s6] =	ssyncset.done $0x0  }
0xb8: {  	s19 =	sadd.s32 $0x0, s20;
	[sflag:s6] =	ssyncadd.s32 $0xFFFFC000  }
0xb9: {  	[tilespmem:s3], [sflag:$0x1] =	stream.linear.gather [hbm4b:s19+s3], $0x100, $0x38;
	[tilespmem:$0x1FF80] =	vst v63  }
0xba: {  	_ =	swait.ge [sflag:s17], $0x100  }
0xbb: {  	[sflag:s17] =	ssyncset.done $0x0  }
0xbc: {  	[sflag:s17] =	ssyncadd.s32 $0xFFFFFF00  }
0xbd: {  	[tilespmem:s4], [sflag:$0x6] =	stream.indirect.gather [hbm4b:s1+s26], $0x80, s30, s26, $0xb8;
	[tilespmem:$0x1FF80] =	vst v63  }
0xbe: {  	_ =	swait.ge [sflag:s8], $0x4000  }
0xbf: {  	[sflag:s8] =	ssyncset.done $0x0  }
0xc0: {  	[sflag:s8] =	ssyncadd.s32 $0xFFFFC000  }
0xc1: {  	[spmem:s2] =	stream.indirect.scatter.add.f32 [tilespmem:s4], [sflag:$0x9], $0x80, s9, s26, $0xb8;
	[tilespmem:$0x1FF80] =	vst v63  }
0xc2: {  	_ =	swait.ge [sflag:s10], $0x4000  }
0xc3: {  	[sflag:s10] =	ssyncset.done $0x0  }
0xc4: {  	s13 =	sadd.s32 $0x20, s19;
	[sflag:s10] =	ssyncadd.s32 $0xFFFFC000  }
0xc5: {  	[tilespmem:s24], [sflag:$0x2] =	stream.linear.gather [hbm4b:s13+s3], $0x100, $0x38;
	[tilespmem:$0x1FF80] =	vst v63  }
0xc6: {  	_ =	swait.ge [sflag:s25], $0x100  }
0xc7: {  	[sflag:s25] =	ssyncset.done $0x0  }
0xc8: {  	s13 =	simm.s32 $0x60;
	[sflag:s25] =	ssyncadd.s32 $0xFFFFFF00  }
.LBB2_4:
0xc9: {  	[tilespmem:s28], [sflag:$0x4] =	stream.indirect.gather [hbm4b:s1+s26], $0x80, s3, s26, $0xb8;
	[tilespmem:$0x1FF80] =	vst v63  }
0xca: {  	s14 =	smov.u32 s13  }
0xcb: {  	p4 =	sne.s32 s13, $0x8A0;
	s13 =	sadd.s32 $0x60, s13;
	_ =	swait.ge [sflag:s29], $0x4000  }
0xcc: {  	[sflag:s29] =	ssyncset.done $0x0  }
0xcd: {  	[sflag:s29] =	ssyncadd.s32 $0xFFFFC000  }
0xce: {  	[spmem:s2] =	stream.indirect.scatter.add.f32 [tilespmem:s28], [sflag:$0x7], $0x80, s26, s26, $0xb8;
	[tilespmem:$0x1FF80] =	vst v63  }
0xcf: {  	_ =	swait.ge [sflag:s11], $0x4000  }
0xd0: {  	[sflag:s11] =	ssyncset.done $0x0  }
0xd1: {  	s18 =	sadd.s32 s14, s21;
	[sflag:s11] =	ssyncadd.s32 $0xFFFFC000  }
0xd2: {  	[tilespmem:s30], [sflag:$0x3] =	stream.linear.gather [hbm4b:s18+s3], $0x100, $0x38;
	[tilespmem:$0x1FF80] =	vst v63  }
0xd3: {  	_ =	swait.ge [sflag:s31], $0x100  }
0xd4: {  	[sflag:s31] =	ssyncset.done $0x0  }
0xd5: {  	[sflag:s31] =	ssyncadd.s32 $0xFFFFFF00  }
0xd6: {  	[tilespmem:s0], [sflag:$0x5] =	stream.indirect.gather [hbm4b:s1+s26], $0x80, s24, s26, $0xb8;
	[tilespmem:$0x1FF80] =	vst v63  }
0xd7: {  	_ =	swait.ge [sflag:s5], $0x4000  }
0xd8: {  	[sflag:s5] =	ssyncset.done $0x0  }
0xd9: {  	[sflag:s5] =	ssyncadd.s32 $0xFFFFC000  }
0xda: {  	[spmem:s2] =	stream.indirect.scatter.add.f32 [tilespmem:s0], [sflag:$0x8], $0x80, s15, s26, $0xb8;
	[tilespmem:$0x1FF80] =	vst v63  }
0xdb: {  	_ =	swait.ge [sflag:s6], $0x4000  }
0xdc: {  	[sflag:s6] =	ssyncset.done $0x0  }
0xdd: {  	s14 =	sadd.s32 s14, s20;
	[sflag:s6] =	ssyncadd.s32 $0xFFFFC000  }
0xde: {  	[tilespmem:s3], [sflag:$0x1] =	stream.linear.gather [hbm4b:s14+s3], $0x100, $0x38;
	[tilespmem:$0x1FF80] =	vst v63  }
0xdf: {  	_ =	swait.ge [sflag:s17], $0x100  }
0xe0: {  	[sflag:s17] =	ssyncset.done $0x0  }
0xe1: {  	[sflag:s17] =	ssyncadd.s32 $0xFFFFFF00  }
0xe2: {  	[tilespmem:s4], [sflag:$0x6] =	stream.indirect.gather [hbm4b:s1+s26], $0x80, s30, s26, $0xb8;
	[tilespmem:$0x1FF80] =	vst v63  }
0xe3: {  	_ =	swait.ge [sflag:s8], $0x4000  }
0xe4: {  	[sflag:s8] =	ssyncset.done $0x0  }
0xe5: {  	[sflag:s8] =	ssyncadd.s32 $0xFFFFC000  }
0xe6: {  	[spmem:s2] =	stream.indirect.scatter.add.f32 [tilespmem:s4], [sflag:$0x9], $0x80, s9, s26, $0xb8;
	[tilespmem:$0x1FF80] =	vst v63  }
0xe7: {  	_ =	swait.ge [sflag:s10], $0x4000  }
0xe8: {  	[sflag:s10] =	ssyncset.done $0x0  }
.Ltmp3:
0xe9: {  	s14 =	sadd.s32 $0x20, s14;
	[sflag:s10] =	ssyncadd.s32 $0xFFFFC000;
	(pc) =	sbr.rel @p4 .LBB2_4-.Ltmp3, $4  }
0xea: {  	[tilespmem:s24], [sflag:$0x2] =	stream.linear.gather [hbm4b:s14+s3], $0x100, $0x38;
	[tilespmem:$0x1FF80] =	vst v63  }
0xeb: {  	_ =	swait.ge [sflag:s25], $0x100  }
0xec: {  	[sflag:s25] =	ssyncset.done $0x0  }
0xed: {  	[sflag:s25] =	ssyncadd.s32 $0xFFFFFF00  }
0xee: {  	[tilespmem:s28], [sflag:$0x4] =	stream.indirect.gather [hbm4b:s1+s26], $0x80, s3, s26, $0xb8;
	[tilespmem:$0x1FF80] =	vst v63  }
0xef: {  	_ =	swait.ge [sflag:s29], $0x4000  }
0xf0: {  	[sflag:s29] =	ssyncset.done $0x0  }
0xf1: {  	[sflag:s29] =	ssyncadd.s32 $0xFFFFC000  }
0xf2: {  	[spmem:s2] =	stream.indirect.scatter.add.f32 [tilespmem:s28], [sflag:$0x7], $0x80, s26, s26, $0xb8;
	[tilespmem:$0x1FF80] =	vst v63  }
0xf3: {  	_ =	swait.ge [sflag:s11], $0x4000  }
0xf4: {  	[sflag:s11] =	ssyncset.done $0x0  }
0xf5: {  	s13 =	rddreg [dreg:$0xc];
	[sflag:s11] =	ssyncadd.s32 $0xFFFFC000  }
0xf6: {  	[tilespmem:s30], [sflag:$0x3] =	stream.linear.gather [hbm4b:s13+s3], $0x100, $0x38;
	[tilespmem:$0x1FF80] =	vst v63  }
0xf7: {  	_ =	swait.ge [sflag:s31], $0x100  }
0xf8: {  	[sflag:s31] =	ssyncset.done $0x0  }
0xf9: {  	[sflag:s31] =	ssyncadd.s32 $0xFFFFFF00  }
0xfa: {  	[tilespmem:s0], [sflag:$0x5] =	stream.indirect.gather [hbm4b:s1+s26], $0x80, s24, s26, $0xb8;
	[tilespmem:$0x1FF80] =	vst v63  }
0xfb: {  	_ =	swait.ge [sflag:s5], $0x4000  }
0xfc: {  	[sflag:s5] =	ssyncset.done $0x0  }
0xfd: {  	[sflag:s5] =	ssyncadd.s32 $0xFFFFC000  }
0xfe: {  	[spmem:s2] =	stream.indirect.scatter.add.f32 [tilespmem:s0], [sflag:$0x8], $0x80, s15, s26, $0xb8;
	[tilespmem:$0x1FF80] =	vst v63  }
0xff: {  	_ =	swait.ge [sflag:s6], $0x4000  }
0x100: {  	[sflag:s6] =	ssyncset.done $0x0  }
0x101: {  	[sflag:s6] =	ssyncadd.s32 $0xFFFFC000  }
0x102: {  	_ =	swait.ge [sflag:s17], $0x100  }
0x103: {  	[sflag:s17] =	ssyncset.done $0x0  }
0x104: {  	[sflag:s17] =	ssyncadd.s32 $0xFFFFFF00  }
0x105: {  	[tilespmem:s4], [sflag:$0x6] =	stream.indirect.gather [hbm4b:s1+s26], $0x80, s30, s26, $0xb8;
	[tilespmem:$0x1FF80] =	vst v63  }
0x106: {  	_ =	swait.ge [sflag:s8], $0x4000  }
0x107: {  	[sflag:s8] =	ssyncset.done $0x0  }
0x108: {  	[sflag:s8] =	ssyncadd.s32 $0xFFFFC000  }
0x109: {  	[spmem:s2] =	stream.indirect.scatter.add.f32 [tilespmem:s4], [sflag:$0x9], $0x80, s9, s26, $0xb8;
	[tilespmem:$0x1FF80] =	vst v63  }
0x10a: {  	_ =	swait.ge [sflag:s10], $0x4000  }
0x10b: {  	[sflag:s10] =	ssyncset.done $0x0  }
0x10c: {  	[sflag:s10] =	ssyncadd.s32 $0xFFFFC000  }
0x10d: {  	_ =	swait.ge [sflag:s11], $0x4000  }
0x10e: {  	[sflag:s11] =	ssyncset.done $0x0  }
0x10f: {  	s13 =	simm.s32 @!p2 $0x0;
	s14 =	rddreg [dreg:$0xd];
	[sflag:s11] =	ssyncadd.s32 $0xFFFFC000  }
0x110: {  	[tilespmem:s13], [sflag:$0xA] =	stream.linear.gather @!p2 [hbm4b:s14+s13], $0x100, $0x38;
	[tilespmem:$0x1FF80] =	vst v63  }
0x111: {  	s14 =	simm.s32 @!p2 $0xA  }
0x112: {  	_ =	swait.ge @!p2 [sflag:s14], $0x100  }
0x113: {  	[sflag:s14] =	ssyncset.done @!p2 $0x0  }
0x114: {  	s18 =	simm.s32 @!p2 $0x80;
	s19 =	simm.s32 @!p2 $0x300;
	[sflag:s14] =	ssyncadd.s32 @!p2 $0xFFFFFF00  }
0x115: {  	[tilespmem:s19], [sflag:$0x4] =	stream.indirect.gather @!p2 [hbm4b:s1+s18], $0x80, s13, s18, $0xb8;
	[tilespmem:$0x1FF80] =	vst v63  }
0x116: {  	s13 =	simm.s32 @!p2 $0x4  }
0x117: {  	_ =	swait.ge @!p2 [sflag:s13], $0x4000  }
0x118: {  	[sflag:s13] =	ssyncset.done @!p2 $0x0  }
0x119: {  	[sflag:s13] =	ssyncadd.s32 @!p2 $0xFFFFC000  }
0x11a: {  	[spmem:s2] =	stream.indirect.scatter.add.f32 @!p2 [tilespmem:s19], [sflag:$0xA], $0x80, s18, s18, $0xb8;
	[tilespmem:$0x1FF80] =	vst v63  }
.Ltmp4:
0x11b: {  	_ =	swait.ge @!p2 [sflag:s14], $0x4000;
	(pc) =	sbr.rel @!p0 .LBB2_6-.Ltmp4, $4  }
0x11c: {  	[sflag:s14] =	ssyncset.done @!p2 $0x0  }
0x11d: {  	s19 =	stileid.u32;
	[sflag:s14] =	ssyncadd.s32 @!p2 $0xFFFFC000  }
0x11e: {  	s18 =	sshll.u32 s19, $0x6;
	[bflag:$0x0] =	sbarrier.arrive $0xFFFF  }
0x11f: {  	s13 =	sor.u32 $0x1C0A, s18;
	s14 =	sshrl.u32 s7, $0x3  }
0x120: {  	s13 =	sor.u32 $0x1C0A, s18;
	s19 =	rddreg [dreg:$0xf]  }
0x121: {  	[hbm:s19], [sflag:s13] =	dma.local [spmem:s14], $0x2700  }
.Ltmp5:
0x122: {  	_ = 	snop;
	(pc) =	sbr.rel @p1 .LBB2_9-.Ltmp5, $4  }
.Ltmp6:
0x123: {  	_ = 	snop;
	(pc) =	sbr.rel @!p1 .LBB2_8-.Ltmp6, $4  }
0x124: {  	_ =	swait.ge [sflag:s23], $0x2700  }
0x125: {  	[sflag:s23] =	ssyncset.done $0x0  }
0x126: {  	s14 =	rddreg [dreg:$0x6];
	[sflag:s23] =	ssyncadd.s32 $0xFFFFD900  }
0x127: {  	_ = 	snop  }
.LBB2_6:
0x128: {  	s18 =	rddreg [dreg:$0xe]  }
0x129: {  	[hbm:s18], [sflag:s13] =	dma.local [spmem:s14], $0x2700  }
.Ltmp7:
0x12a: {  	_ = 	snop;
	(pc) =	sbr.rel @p3 .LBB2_8-.Ltmp7, $4  }
.Ltmp8:
0x12b: {  	_ = 	snop;
	(pc) =	sbr.rel @!p3 .LBB2_9-.Ltmp8, $4  }
0x12c: {  	_ =	swait.ge [sflag:s23], $0x2700  }
0x12d: {  	[sflag:s23] =	ssyncset.done $0x0  }
0x12e: {  	s14 =	rddreg [dreg:$0x5];
	[sflag:s23] =	ssyncadd.s32 $0xFFFFD900  }
0x12f: {  	_ = 	snop  }
.LBB2_10:
0x130: {  	_ =	sfence.sel $0x180000  }
0x131: {  	[bflag:$0x0] =	sbarrier.arrive $0xFFFF  }
0x132: {  	_ =	strace $0x90000047  }
0x133: {  	s0 =	stileid.u32;
	[bflag:$0x2] =	sbarrier.arrive $0xFFFF  }
0x134: {  	p0 =	sne.s32 s0, $0x0;
	s0 =	rddreg [dreg:$0x4]  }
0x135: {  	s0 =	sadd.s32 @!p0 $0x100000, s0  }
0x136: {  	[sflag:s0] =	ssyncadd.tile.s32 @!p0 $0x1;
	_ =	shalt  }
.Lfunc_end2:
_tile_overlayer_lowered:
.L_overlay_start_2:
0x137: {  	(tag) =	ssettag $0x2  }
0x138: {  	s0 =	rddreg [dreg:$0x0];
	s2 =	stileid.u32  }
0x139: {  	s1 =	rddreg [dreg:$0x1];
	p0 =	sne.s32 s2, $0x0  }
0x13a: {  	s3 =	rddreg [dreg:$0x2];
	[bflag:$0x3] =	sbarrier.arrive $0xFFFF;
	s2 =	simm.s32 @!p0 $0x1C0A  }
0x13b: {  	[timem:s3], [sflag:s2] =	dma.local @!p0 [hbm:s0], s1  }
0x13c: {  	s0 =	simm.s32 @!p0 $0xA  }
0x13d: {  	_ =	swait.ge @!p0 [sflag:s0], s1  }
0x13e: {  	s1 =	ssub.s32 @!p0 $0x0, s1;
	[sflag:s0] =	ssyncset.done @!p0 $0x0  }
0x13f: {  	[sflag:s0] =	ssyncadd.s32 @!p0 s1  }
0x140: {  	[bflag:$0x3] =	sbarrier.arrive $0xFFFF  }
0x141: {  	_ =	shalt  }

</sc_bundles>
